<compile_context>
chip_gen: v7x
topology: tpu7x:2x2x1
jax: 0.10.2.dev20260603
libtpu: 0.0.44.dev20260713+nightly
codegen_flags: <defaults>
</compile_context>

<pallas_src>
import functools
import math

import jax
import jax.numpy as jnp
from jax import lax
from jax.experimental import pallas as pl
from jax.experimental.pallas import tpu as pltpu
from jax.experimental.pallas import tpu_sc as plsc

SCALE_POSE = 10.0
SCALE_RADAR_V = 5.0
W_LIDAR = 1.0
W_RADAR = 1.0
W_TEMP = 1.0
W_SPAT = 0.1
L_MIN = 2 * math.log(0.03 / SCALE_POSE + 1e-09)
L_MAX = 2 * math.log(0.2 / SCALE_POSE + 1e-09)
R_MIN = 2 * math.log(0.1 / SCALE_RADAR_V + 1e-09)
R_MAX = 2 * math.log(3.0 / SCALE_RADAR_V + 1e-09)
GHOST = 2.0
DT = 0.1
NB = 8
BIG = 1e30

NW = 32
NC = 2



def _rsqrt16(x):
    i = plsc.bitcast(x, jnp.int32)
    i = jnp.int32(0x5F3759DF) - (i >> 1)
    y = plsc.bitcast(i, jnp.float32)
    for _ in range(3):
        y = y * (1.5 - 0.5 * x * y * y)
    return jnp.where(x > 0, y, jnp.float32(0.0))


def _zero16():
    return jnp.zeros((16,), jnp.float32)


def _gather3(tx_v, ty_v, tz_v, idx):
    x = plsc.load_gather(tx_v, [idx])
    y = plsc.load_gather(ty_v, [idx])
    z = plsc.load_gather(tz_v, [idx])
    return x, y, z


def _sc_temporal(px, py, pz, edges):
    n = px.shape[0]
    e = edges.shape[1]
    ec = e // NW
    mesh = plsc.VectorSubcoreMesh(core_axis_name="c", subcore_axis_name="s")

    @functools.partial(
        pl.kernel,
        out_type=jax.ShapeDtypeStruct((NW, 4, n), jnp.float32),
        mesh=mesh,
        compiler_params=pltpu.CompilerParams(needs_layout_passes=False),
        scratch_types=[
            pltpu.VMEM((n,), jnp.float32),
            pltpu.VMEM((n,), jnp.float32),
            pltpu.VMEM((n,), jnp.float32),
            pltpu.VMEM((ec,), jnp.int32),
            pltpu.VMEM((ec,), jnp.int32),
            pltpu.VMEM((n,), jnp.float32),
            pltpu.VMEM((n,), jnp.float32),
            pltpu.VMEM((n,), jnp.float32),
            pltpu.VMEM((n,), jnp.float32),
        ],
    )
    def k(px_h, py_h, pz_h, ed_h, out_h, px_v, py_v, pz_v, si_v, di_v,
          ax, ay, az, ac):
        wid = lax.axis_index("s") * NC + lax.axis_index("c")
        base = wid * ec
        pltpu.sync_copy(px_h, px_v)
        pltpu.sync_copy(py_h, py_v)
        pltpu.sync_copy(pz_h, pz_v)
        pltpu.sync_copy(ed_h.at[0, pl.ds(base, ec)], si_v)
        pltpu.sync_copy(ed_h.at[1, pl.ds(base, ec)], di_v)

        def zstep(i, carry):
            sl = pl.ds(i * 16, 16)
            ax[sl] = _zero16()
            ay[sl] = _zero16()
            az[sl] = _zero16()
            ac[sl] = _zero16()
            return carry

        lax.fori_loop(0, n // 16, zstep, 0)

        def step(i, carry):
            s = si_v[pl.ds(i * 16, 16)]
            d = di_v[pl.ds(i * 16, 16)]
            sx, sy, sz = _gather3(px_v, py_v, pz_v, s)
            dx, dy, dz = _gather3(px_v, py_v, pz_v, d)
            mx = dx - sx
            my = dy - sy
            mz = dz - sz
            d2 = mx * mx + my * my + mz * mz
            r = _rsqrt16(d2)
            inv = 1.0 / (d2 * r + 1e-09)
            plsc.addupdate_scatter(ax, [d], mx * inv)
            plsc.addupdate_scatter(ay, [d], my * inv)
            plsc.addupdate_scatter(az, [d], mz * inv)
            plsc.addupdate_scatter(ac, [d], _zero16() + 1.0)
            return carry

        lax.fori_loop(0, ec // 16, step, 0)
        pltpu.sync_copy(ax, out_h.at[wid, 0])
        pltpu.sync_copy(ay, out_h.at[wid, 1])
        pltpu.sync_copy(az, out_h.at[wid, 2])
        pltpu.sync_copy(ac, out_h.at[wid, 3])

    return k(px, py, pz, edges)


def _sc_spatial(px, py, pz, lx, ly, lz, edges):
    n = px.shape[0]
    nl = lx.shape[0]
    e = edges.shape[1]
    ec = e // NW
    mesh = plsc.VectorSubcoreMesh(core_axis_name="c", subcore_axis_name="s")

    @functools.partial(
        pl.kernel,
        out_type=jax.ShapeDtypeStruct((NW, 2, n), jnp.float32),
        mesh=mesh,
        compiler_params=pltpu.CompilerParams(needs_layout_passes=False),
        scratch_types=[
            pltpu.VMEM((n,), jnp.float32),
            pltpu.VMEM((n,), jnp.float32),
            pltpu.VMEM((n,), jnp.float32),
            pltpu.VMEM((nl,), jnp.float32),
            pltpu.VMEM((nl,), jnp.float32),
            pltpu.VMEM((nl,), jnp.float32),
            pltpu.VMEM((ec,), jnp.int32),
            pltpu.VMEM((ec,), jnp.int32),
            pltpu.VMEM((n,), jnp.float32),
            pltpu.VMEM((n,), jnp.float32),
        ],
    )
    def k(px_h, py_h, pz_h, lx_h, ly_h, lz_h, ed_h, out_h,
          px_v, py_v, pz_v, lx_v, ly_v, lz_v, si_v, di_v, ad, ac):
        wid = lax.axis_index("s") * NC + lax.axis_index("c")
        base = wid * ec
        pltpu.sync_copy(px_h, px_v)
        pltpu.sync_copy(py_h, py_v)
        pltpu.sync_copy(pz_h, pz_v)
        pltpu.sync_copy(lx_h, lx_v)
        pltpu.sync_copy(ly_h, ly_v)
        pltpu.sync_copy(lz_h, lz_v)
        pltpu.sync_copy(ed_h.at[0, pl.ds(base, ec)], si_v)
        pltpu.sync_copy(ed_h.at[1, pl.ds(base, ec)], di_v)

        def zstep(i, carry):
            sl = pl.ds(i * 16, 16)
            ad[sl] = _zero16()
            ac[sl] = _zero16()
            return carry

        lax.fori_loop(0, n // 16, zstep, 0)

        def step(i, carry):
            s = si_v[pl.ds(i * 16, 16)]
            d = di_v[pl.ds(i * 16, 16)]
            sx, sy, sz = _gather3(px_v, py_v, pz_v, s)
            tx, ty, tz = _gather3(lx_v, ly_v, lz_v, d)
            mx = sx - tx
            my = sy - ty
            mz = sz - tz
            dsq = mx * mx + my * my + mz * mz
            plsc.addupdate_scatter(ad, [s], dsq)
            plsc.addupdate_scatter(ac, [s], _zero16() + 1.0)
            return carry

        lax.fori_loop(0, ec // 16, step, 0)
        pltpu.sync_copy(ad, out_h.at[wid, 0])
        pltpu.sync_copy(ac, out_h.at[wid, 1])

    return k(px, py, pz, lx, ly, lz, edges)



def _masked_min_tile(q, g, qbat, gbat, masked):
    t0 = q[:, 0:1] - g[0:1, :]
    t1 = q[:, 1:2] - g[1:2, :]
    t2 = q[:, 2:3] - g[2:3, :]
    d2 = t0 * t0 + t1 * t1 + t2 * t2
    if masked:
        m = qbat == gbat
        d2 = jnp.where(m, d2, BIG)
    return jnp.min(d2, axis=1, keepdims=True)


def _masked_min_tile_r(q, g, qbat, gbat, masked):
    t0 = g[:, 0:1] - q[0:1, :]
    t1 = g[:, 1:2] - q[1:2, :]
    t2 = g[:, 2:3] - q[2:3, :]
    d2 = t0 * t0 + t1 * t1 + t2 * t2
    if masked:
        m = gbat == qbat
        d2 = jnp.where(m, d2, BIG)
    return jnp.min(d2, axis=0, keepdims=True)


def _band_prefetch(qbat_v, gbat_v, bq, bg):
    qmin = qbat_v[::bq]
    qmax = qbat_v[bq - 1::bq]
    gmin = gbat_v[::bg]
    gmax = gbat_v[bg - 1::bg]
    j0 = jnp.searchsorted(gmax, qmin).astype(jnp.int32)
    jl = (jnp.searchsorted(gmin, qmax, side="right") - 1).astype(jnp.int32)
    return j0, jl - j0 + 1


def _nn_lidar_body(ntg, j0_ref, cnt_ref,
                   qa_ref, qb_ref, qbat_ref, g_ref, gbat_ref, out_ref):
    i, j = pl.program_id(0), pl.program_id(1)

    @pl.when(j == 0)
    def _():
        out_ref[...] = jnp.full_like(out_ref, BIG)

    @pl.when(j < cnt_ref[i])
    def _():
        q = qa_ref[...] + qb_ref[...]
        cur = _masked_min_tile(q, g_ref[...], qbat_ref[...], gbat_ref[...],
                               masked=True)
        out_ref[...] = jnp.minimum(out_ref[...], cur)


def _nn_lidar(qa, qb, qbat_c, g_t, gbat_r, qbat_v, gbat_v, bq, bg):
    nq = qa.shape[0]
    ng = g_t.shape[1]
    ntg = ng // bg
    j0, cnt = _band_prefetch(qbat_v, gbat_v, bq, bg)
    gm = lambda i, j, j0, cnt: (
        0, jnp.clip(j0[i] + jnp.minimum(j, cnt[i] - 1), 0, ntg - 1))
    grid_spec = pltpu.PrefetchScalarGridSpec(
        num_scalar_prefetch=2,
        grid=(nq // bq, ntg),
        in_specs=[
            pl.BlockSpec((bq, 3), lambda i, j, *_: (i, 0)),
            pl.BlockSpec((bq, 3), lambda i, j, *_: (i, 0)),
            pl.BlockSpec((bq, 1), lambda i, j, *_: (i, 0)),
            pl.BlockSpec((3, bg), gm),
            pl.BlockSpec((1, bg), gm),
        ],
        out_specs=pl.BlockSpec((bq, 1), lambda i, j, *_: (i, 0)),
    )
    return pl.pallas_call(
        functools.partial(_nn_lidar_body, ntg),
        grid_spec=grid_spec,
        out_shape=jax.ShapeDtypeStruct((nq, 1), jnp.float32),
        compiler_params=pltpu.CompilerParams(
            dimension_semantics=("arbitrary", "arbitrary")),
    )(j0, cnt, qa, qb, qbat_c, g_t, gbat_r)


def _nn_radar_body(ntg, j0_ref, cnt_ref,
                   pos_ref, spd_ref, part_ref, qbat_ref,
                   g_ref, gbat_ref, out_ref, qphy_ref):
    i, j = pl.program_id(0), pl.program_id(1)

    @pl.when(j == 0)
    def _():
        out_ref[...] = jnp.full_like(out_ref, BIG)
        part = part_ref[...]
        sums = jnp.sum(part, axis=0)
        c1 = jnp.maximum(sums[3:4, :], 1.0)
        dx = sums[0:1, :] / c1
        dy = sums[1:2, :] / c1
        dz = sums[2:3, :] / c1
        nrm = jnp.sqrt(dx * dx + dy * dy + dz * dz) + 1e-09
        step = spd_ref[...] * DT / nrm
        u = jnp.concatenate([dx * step, dy * step, dz * step], axis=0)
        qphy_ref[...] = pos_ref[...] + u

    @pl.when(j < cnt_ref[i])
    def _():
        cur = _masked_min_tile_r(qphy_ref[...], g_ref[...], qbat_ref[...],
                                 gbat_ref[...], masked=True)
        out_ref[...] = jnp.minimum(out_ref[...], cur)


def _nn_radar(pos_t, spd, part, qbat_r, g_p, gbat_c, qbat_v, gbat_v, bq, bg):
    nq = pos_t.shape[1]
    ng = g_p.shape[0]
    ntg = ng // bg
    j0, cnt = _band_prefetch(qbat_v, gbat_v, bq, bg)
    gm = lambda i, j, j0, cnt: (
        jnp.clip(j0[i] + jnp.minimum(j, cnt[i] - 1), 0, ntg - 1), 0)
    grid_spec = pltpu.PrefetchScalarGridSpec(
        num_scalar_prefetch=2,
        grid=(nq // bq, ntg),
        in_specs=[
            pl.BlockSpec((3, bq), lambda i, j, *_: (0, i)),
            pl.BlockSpec((1, bq), lambda i, j, *_: (0, i)),
            pl.BlockSpec((NW, 4, bq), lambda i, j, *_: (0, 0, i)),
            pl.BlockSpec((1, bq), lambda i, j, *_: (0, i)),
            pl.BlockSpec((bg, 3), gm),
            pl.BlockSpec((bg, 1), gm),
        ],
        out_specs=pl.BlockSpec((1, bq), lambda i, j, *_: (0, i)),
        scratch_shapes=[pltpu.VMEM((3, bq), jnp.float32)],
    )
    return pl.pallas_call(
        functools.partial(_nn_radar_body, ntg),
        grid_spec=grid_spec,
        out_shape=jax.ShapeDtypeStruct((1, nq), jnp.float32),
        compiler_params=pltpu.CompilerParams(
            dimension_semantics=("arbitrary", "arbitrary")),
    )(j0, cnt, pos_t, spd, part, qbat_r, g_p, gbat_c)



def _valid_mask(batch_row, gt_batch_row):
    v = jnp.zeros_like(batch_row, dtype=jnp.bool_)
    for b in range(NB):
        cnt = jnp.sum((gt_batch_row == b).astype(jnp.float32))
        v = v | ((batch_row == b) & (cnt > 0))
    return v


def _asm_body(minl_ref, lv_ref, lbat_ref, glbat_ref,
              min1_ref, lvv1_ref, sp1_ref, bat1_ref,
              min2_ref, lvv2_ref, sp2_ref, bat2_ref,
              grbat_ref, out_ref):
    total = jnp.float32(0.0)
    lv = jnp.clip(lv_ref[...], L_MIN, L_MAX)
    dist_sq = minl_ref[...]
    valid = _valid_mask(lbat_ref[...], glbat_ref[...])
    nll = 0.5 * jnp.exp(-lv) * dist_sq + 0.5 * lv
    contrib = jnp.where(valid, nll + dist_sq, 0.0)
    s = jnp.sum(contrib)
    count = jnp.sum(valid.astype(jnp.float32))
    total = total + jnp.where(count > 0, s / jnp.maximum(count, 1.0), 0.0) * W_LIDAR

    grbat = grbat_ref[...]
    for (minr_ref, lvv_ref, sp_ref, bat_ref) in (
            (min1_ref, lvv1_ref, sp1_ref, bat1_ref),
            (min2_ref, lvv2_ref, sp2_ref, bat2_ref)):
        lvv = jnp.clip(lvv_ref[...], R_MIN, R_MAX)
        validr = _valid_mask(bat_ref[...], grbat)
        phys = jnp.where(validr, minr_ref[...], 0.0)
        sp = jnp.sum(sp_ref[...], axis=0)
        sum_d = sp[0:1, :]
        cn = sp[1:2, :]
        spat = jnp.where(cn > 0, sum_d / (jnp.maximum(cn, 1.0) ** 2), GHOST)
        sig = jnp.exp(lvv)
        den = 2.0 * sig * DT ** 2 + 1e-09
        rt = jnp.mean(phys / den)
        rs = jnp.mean(spat / den)
        rr = jnp.mean(0.5 * lvv)
        total = total + (rt * W_TEMP + rs * W_SPAT + rr) * W_RADAR
    out_ref[0, 0] = total


def _assemble(minl, lv_row, lbat, glbat,
              min1, lvv1, sp1, bat1,
              min2, lvv2, sp2, bat2, grbat):
    return pl.pallas_call(
        _asm_body,
        in_specs=[
            pl.BlockSpec(x.shape, lambda *_, nd=x.ndim: (0,) * nd)
            for x in (minl, lv_row, lbat, glbat,
                      min1, lvv1, sp1, bat1,
                      min2, lvv2, sp2, bat2, grbat)],
        out_specs=pl.BlockSpec((1, 1), lambda: (0, 0), memory_space=pltpu.SMEM),
        out_shape=jax.ShapeDtypeStruct((1, 1), jnp.float32),
    )(minl, lv_row, lbat, glbat,
      min1, lvv1, sp1, bat1,
      min2, lvv2, sp2, bat2, grbat)



def _t3(p):
    return p.T.astype(jnp.float32)




def kernel(pred_disp, log_var_pos, lidar_pos, gt_lidar_pos, log_var_r1, radar1_x,
           radar1_pos, log_var_r2, radar2_x, radar2_pos, gt_radar_pos,
           lidar_batch, gt_lidar_batch, radar1_batch, radar2_batch, gt_radar_batch,
           edge_temp_r1, edge_temp_r2, edge_r1l, edge_r2l):
    f32 = jnp.float32
    i32 = jnp.int32
    nl = lidar_pos.shape[0]
    nr = radar1_pos.shape[0]

    lidar_pos = lidar_pos.astype(f32)
    radar1_pos = radar1_pos.astype(f32)
    radar2_pos = radar2_pos.astype(f32)

    p1x, p1y, p1z = (radar1_pos[:, k] for k in range(3))
    p2x, p2y, p2z = (radar2_pos[:, k] for k in range(3))
    lx, ly, lz = (lidar_pos[:, k] for k in range(3))
    part_t1 = _sc_temporal(p1x, p1y, p1z, edge_temp_r1.astype(i32))
    part_t2 = _sc_temporal(p2x, p2y, p2z, edge_temp_r2.astype(i32))
    sp1 = _sc_spatial(p1x, p1y, p1z, lx, ly, lz, edge_r1l.astype(i32))
    sp2 = _sc_spatial(p2x, p2y, p2z, lx, ly, lz, edge_r2l.astype(i32))

    lbat_v = lidar_batch.astype(i32)
    glbat_v = gt_lidar_batch.astype(i32)
    grbat_v = gt_radar_batch.astype(i32)
    lbat_c = lbat_v.reshape(nl, 1)
    lbat_r = lbat_v.reshape(1, nl)
    bat1_r = radar1_batch.astype(i32).reshape(1, nr)
    bat2_r = radar2_batch.astype(i32).reshape(1, nr)
    glbat_r = glbat_v.reshape(1, nl)
    grbat_r = grbat_v.reshape(1, -1)

    minl = _nn_lidar(lidar_pos, pred_disp.astype(f32), lbat_c,
                     _t3(gt_lidar_pos), glbat_r,
                     lbat_v, glbat_v, bq=1024, bg=1024)
    g_r = gt_radar_pos.astype(f32)
    grbat_c = grbat_v.reshape(-1, 1)
    spd1 = jnp.abs(radar1_x[:, 2]).astype(f32).reshape(1, nr)
    spd2 = jnp.abs(radar2_x[:, 2]).astype(f32).reshape(1, nr)
    min1 = _nn_radar(_t3(radar1_pos), spd1, part_t1, bat1_r,
                     g_r, grbat_c, radar1_batch.astype(i32), grbat_v,
                     bq=1024, bg=1024)
    min2 = _nn_radar(_t3(radar2_pos), spd2, part_t2, bat2_r,
                     g_r, grbat_c, radar2_batch.astype(i32), grbat_v,
                     bq=1024, bg=1024)

    out = _assemble(minl.reshape(1, nl), log_var_pos.astype(f32).reshape(1, nl),
                    lbat_r, glbat_r,
                    min1, log_var_r1.astype(f32).reshape(1, nr),
                    sp1, bat1_r,
                    min2, log_var_r2.astype(f32).reshape(1, nr),
                    sp2, bat2_r,
                    grbat_r)
    return out[0, 0]

# --- scband reference (transcript-rebuilt; emitter-appended) ---
"""Pipeline reference for scband-spatiotemporal-uncertainty-loss-32341103739143 (READ-ONLY COPY).

The authoritative reference and input builder live on the scoring server;
editing this copy changes nothing except your own understanding.
"""

import jax, jax.numpy as jnp
import numpy as np
import math

SCALE_POSE = 10.0
SCALE_RADAR_V = 5.0
W_LIDAR = 1.0
W_RADAR = 1.0
W_TEMP = 1.0
W_SPAT = 0.1
L_MIN = 2 * math.log(0.03 / SCALE_POSE + 1e-09)
L_MAX = 2 * math.log(0.2 / SCALE_POSE + 1e-09)
R_MIN = 2 * math.log(0.1 / SCALE_RADAR_V + 1e-09)
R_MAX = 2 * math.log(3.0 / SCALE_RADAR_V + 1e-09)
GHOST = 2.0
DT = 0.1  # dt forward arg; safe_dt = dt since dt > 0.01

N_LIDAR = 16384
N_RADAR = 8192
N_GT_RADAR = 8192
E = 65536
B = 8


def _pairwise_min_sq(p, g):
    # (min_j ||p_i - g_j||)^2 == min_j ||p_i - g_j||^2 (monotone), matches torch.cdist->min->**2
    d2 = jnp.sum((p[:, None, :] - g[None, :, :]) ** 2, axis=-1)
    return jnp.min(d2, axis=1, keepdims=True)


def _masked_min_sq(p, pb, g, gb):
    # per-point min squared distance restricted to same-batch gt points;
    # rows whose batch has no gt points yield +inf (gated by callers).
    n = p.shape[0]
    C = 2048

    def chunk_min(args):
        pc, pbc = args
        d2 = jnp.sum((pc[:, None, :] - g[None, :, :]) ** 2, axis=-1)
        d2 = jnp.where(pbc[:, None] == gb[None, :], d2, jnp.inf)
        return jnp.min(d2, axis=1)

    pr = p.reshape(n // C, C, p.shape[1])
    pbr = pb.reshape(n // C, C)
    mins = jax.lax.map(chunk_min, (pr, pbr))
    return mins.reshape(n, 1)


def _radar_loss(log_var_vel, x, pos, batch_r, gt_pos, gt_batch, e_t, e_l, pos_L):
    N = pos.shape[0]
    lvv = jnp.clip(log_var_vel, R_MIN, R_MAX)
    # temporal edges -> direction vector via scatter_mean
    src, dst = e_t[0], e_t[1]
    move = pos[dst] - pos[src]
    dist = jnp.linalg.norm(move, axis=1, keepdims=True) + 1e-09
    unit = move / dist
    sums = jnp.zeros((N, 3), jnp.float32).at[dst].add(unit)
    cnts = jnp.zeros((N, 1), jnp.float32).at[dst].add(1.0)
    dirv = sums / jnp.maximum(cnts, 1.0)
    dirv = dirv / (jnp.linalg.norm(dirv, axis=1, keepdims=True) + 1e-09)
    raw_speed = jnp.abs(x[:, 2:3])
    pos_phy = pos + raw_speed * dirv * DT
    # temporal physics error vs gt_radar via per-cloud 1-NN (batch-masked, fixed shape)
    minv = _masked_min_sq(pos_phy, batch_r, gt_pos, gt_batch)
    g_cnt = jnp.zeros((B,), jnp.float32).at[gt_batch].add(1.0)
    valid = g_cnt[batch_r] > 0
    phys = jnp.where(valid[:, None], minv, 0.0)
    # spatial error vs lidar via edges
    sr, dl = e_l[0], e_l[1]
    dsq = jnp.sum((pos[sr] - pos_L[dl]) ** 2, axis=1)
    sum_d = jnp.zeros((N,), jnp.float32).at[sr].add(dsq)
    cn = jnp.zeros((N,), jnp.float32).at[sr].add(1.0)
    spat = jnp.where(cn > 0, sum_d / (jnp.maximum(cn, 1.0) ** 2), GHOST)[:, None]
    sig = jnp.exp(lvv)
    den = 2.0 * sig * DT ** 2 + 1e-09
    rt = jnp.mean(phys / den)
    rs = jnp.mean(spat / den)
    rr = jnp.mean(0.5 * lvv)
    return (rt * W_TEMP + rs * W_SPAT + rr) * W_RADAR


def setup_inputs(seed: int = 0):
    key = jax.random.key(seed)
    ks = jax.random.split(key, 24)
    rn = lambda k, s: jax.random.normal(k, s, dtype=jnp.float32)
    sb = lambda k, n: jnp.sort(jax.random.randint(k, (n,), 0, B))
    ei = lambda k, hi: jax.random.randint(k, (2, E), 0, hi)
    return {
        'pred_disp': rn(ks[0], (N_LIDAR, 3)),
        'log_var_pos': rn(ks[1], (N_LIDAR, 1)),
        'lidar_pos': rn(ks[2], (N_LIDAR, 3)),
        'gt_lidar_pos': rn(ks[3], (N_LIDAR, 3)),
        'log_var_r1': rn(ks[4], (N_RADAR, 1)),
        'radar1_x': rn(ks[5], (N_RADAR, 4)),
        'radar1_pos': rn(ks[6], (N_RADAR, 3)),
        'log_var_r2': rn(ks[7], (N_RADAR, 1)),
        'radar2_x': rn(ks[8], (N_RADAR, 4)),
        'radar2_pos': rn(ks[9], (N_RADAR, 3)),
        'gt_radar_pos': rn(ks[10], (N_GT_RADAR, 3)),
        'lidar_batch': sb(ks[11], N_LIDAR),
        'gt_lidar_batch': sb(ks[12], N_LIDAR),
        'radar1_batch': sb(ks[13], N_RADAR),
        'radar2_batch': sb(ks[14], N_RADAR),
        'gt_radar_batch': sb(ks[15], N_GT_RADAR),
        'edge_temp_r1': ei(ks[16], N_RADAR),
        'edge_temp_r2': ei(ks[17], N_RADAR),
        'edge_r1l': ei(ks[18], N_RADAR),
        'edge_r2l': ei(ks[19], N_RADAR),
    }


def reference(pred_disp, log_var_pos, lidar_pos, gt_lidar_pos, log_var_r1, radar1_x,
              radar1_pos, log_var_r2, radar2_x, radar2_pos, gt_radar_pos,
              lidar_batch, gt_lidar_batch, radar1_batch, radar2_batch, gt_radar_batch,
              edge_temp_r1, edge_temp_r2, edge_r1l, edge_r2l):
    total = jnp.float32(0.0)
    # --- LiDAR NLL + chamfer-style 1-NN loss ---
    lv = jnp.clip(log_var_pos, L_MIN, L_MAX)
    pred_next = lidar_pos + pred_disp
    dist_sq = _masked_min_sq(pred_next, lidar_batch, gt_lidar_pos, gt_lidar_batch)
    g_cnt = jnp.zeros((B,), jnp.float32).at[gt_lidar_batch].add(1.0)
    valid = g_cnt[lidar_batch] > 0
    nll = 0.5 * jnp.exp(-lv) * dist_sq + 0.5 * lv
    contrib = jnp.where(valid[:, None], nll + dist_sq, 0.0)
    s = contrib.sum()
    count = jnp.sum(valid.astype(jnp.float32))
    total = total + jnp.where(count > 0, s / jnp.maximum(count, 1.0), 0.0) * W_LIDAR
    # --- radar1 / radar2 ---
    total = total + _radar_loss(log_var_r1, radar1_x, radar1_pos, radar1_batch,
                                gt_radar_pos, gt_radar_batch, edge_temp_r1, edge_r1l, lidar_pos)
    total = total + _radar_loss(log_var_r2, radar2_x, radar2_pos, radar2_batch,
                                gt_radar_pos, gt_radar_batch, edge_temp_r2, edge_r2l, lidar_pos)
    return total

if __name__ == "__main__":
    import jax
    _d = setup_inputs()
    print(jax.jit(kernel)(*tuple(_d.values())))

</pallas_src>

<mosaic_0001>
#map = affine_map<(d0, d1) -> (0)>
#map1 = affine_map<(d0, d1) -> (0, 0)>
#map2 = affine_map<(d0, d1) -> (0, 0, 0)>
module attributes {stable_mosaic.version = 14 : i64} {
  func.func @k(%arg0: i32, %arg1: i32, %arg2: memref<8192xf32, #tpu.memory_space<hbm>>, %arg3: memref<8192xf32, #tpu.memory_space<hbm>>, %arg4: memref<8192xf32, #tpu.memory_space<hbm>>, %arg5: memref<16384xf32, #tpu.memory_space<hbm>>, %arg6: memref<16384xf32, #tpu.memory_space<hbm>>, %arg7: memref<16384xf32, #tpu.memory_space<hbm>>, %arg8: memref<2x65536xi32, #tpu.memory_space<hbm>>, %arg9: memref<32x2x8192xf32, #tpu.memory_space<hbm>>, %arg10: memref<8192xf32, #tpu.memory_space<vmem>>, %arg11: memref<8192xf32, #tpu.memory_space<vmem>>, %arg12: memref<8192xf32, #tpu.memory_space<vmem>>, %arg13: memref<16384xf32, #tpu.memory_space<vmem>>, %arg14: memref<16384xf32, #tpu.memory_space<vmem>>, %arg15: memref<16384xf32, #tpu.memory_space<vmem>>, %arg16: memref<2048xi32, #tpu.memory_space<vmem>>, %arg17: memref<2048xi32, #tpu.memory_space<vmem>>, %arg18: memref<8192xf32, #tpu.memory_space<vmem>>, %arg19: memref<8192xf32, #tpu.memory_space<vmem>>) attributes {dimension_semantics = [#tpu.dimension_semantics<core_parallel>, #tpu.dimension_semantics<subcore_parallel>], iteration_bounds = array<i64: 2, 16>, scalar_prefetch = 0 : i64, scratch_operands = 10 : i64, tpu.core_type = #tpu.core_type<sc_vector_subcore>, window_params = [{transform_indices = #map}, {transform_indices = #map}, {transform_indices = #map}, {transform_indices = #map}, {transform_indices = #map}, {transform_indices = #map}, {transform_indices = #map1}, {transform_indices = #map2}]} {
    %mul3A = arith.constant 2 : i32
    %mul3A_0 = arith.muli %arg1, %mul3A : i32
    %add3A = arith.addi %mul3A_0, %arg0 : i32
    %mul3A_1 = arith.constant 2048 : i32
    %mul3A_2 = arith.muli %add3A, %mul3A_1 : i32
    "tpu.region"() ({
      %run_scoped3A_17 = tpu.sem_alloc : memref<!tpu.dma_semaphore, #tpu.memory_space<semaphore_mem>>
      tpu.enqueue_dma source(%arg2 : memref<8192xf32, #tpu.memory_space<hbm>>) target(%arg10 : memref<8192xf32, #tpu.memory_space<vmem>>) target_semaphore(%run_scoped3A_17 : memref<!tpu.dma_semaphore, #tpu.memory_space<semaphore_mem>>)
      tpu.wait_dma2 semaphore(%run_scoped3A_17 : memref<!tpu.dma_semaphore, #tpu.memory_space<semaphore_mem>>) src(%arg2 : memref<8192xf32, #tpu.memory_space<hbm>>) dst(%arg10 : memref<8192xf32, #tpu.memory_space<vmem>>)
      tpu.yield
    }) : () -> ()
    "tpu.region"() ({
      %run_scoped3A_17 = tpu.sem_alloc : memref<!tpu.dma_semaphore, #tpu.memory_space<semaphore_mem>>
      tpu.enqueue_dma source(%arg3 : memref<8192xf32, #tpu.memory_space<hbm>>) target(%arg11 : memref<8192xf32, #tpu.memory_space<vmem>>) target_semaphore(%run_scoped3A_17 : memref<!tpu.dma_semaphore, #tpu.memory_space<semaphore_mem>>)
      tpu.wait_dma2 semaphore(%run_scoped3A_17 : memref<!tpu.dma_semaphore, #tpu.memory_space<semaphore_mem>>) src(%arg3 : memref<8192xf32, #tpu.memory_space<hbm>>) dst(%arg11 : memref<8192xf32, #tpu.memory_space<vmem>>)
      tpu.yield
    }) : () -> ()
    "tpu.region"() ({
      %run_scoped3A_17 = tpu.sem_alloc : memref<!tpu.dma_semaphore, #tpu.memory_space<semaphore_mem>>
      tpu.enqueue_dma source(%arg4 : memref<8192xf32, #tpu.memory_space<hbm>>) target(%arg12 : memref<8192xf32, #tpu.memory_space<vmem>>) target_semaphore(%run_scoped3A_17 : memref<!tpu.dma_semaphore, #tpu.memory_space<semaphore_mem>>)
      tpu.wait_dma2 semaphore(%run_scoped3A_17 : memref<!tpu.dma_semaphore, #tpu.memory_space<semaphore_mem>>) src(%arg4 : memref<8192xf32, #tpu.memory_space<hbm>>) dst(%arg12 : memref<8192xf32, #tpu.memory_space<vmem>>)
      tpu.yield
    }) : () -> ()
    "tpu.region"() ({
      %run_scoped3A_17 = tpu.sem_alloc : memref<!tpu.dma_semaphore, #tpu.memory_space<semaphore_mem>>
      tpu.enqueue_dma source(%arg5 : memref<16384xf32, #tpu.memory_space<hbm>>) target(%arg13 : memref<16384xf32, #tpu.memory_space<vmem>>) target_semaphore(%run_scoped3A_17 : memref<!tpu.dma_semaphore, #tpu.memory_space<semaphore_mem>>)
      tpu.wait_dma2 semaphore(%run_scoped3A_17 : memref<!tpu.dma_semaphore, #tpu.memory_space<semaphore_mem>>) src(%arg5 : memref<16384xf32, #tpu.memory_space<hbm>>) dst(%arg13 : memref<16384xf32, #tpu.memory_space<vmem>>)
      tpu.yield
    }) : () -> ()
    "tpu.region"() ({
      %run_scoped3A_17 = tpu.sem_alloc : memref<!tpu.dma_semaphore, #tpu.memory_space<semaphore_mem>>
      tpu.enqueue_dma source(%arg6 : memref<16384xf32, #tpu.memory_space<hbm>>) target(%arg14 : memref<16384xf32, #tpu.memory_space<vmem>>) target_semaphore(%run_scoped3A_17 : memref<!tpu.dma_semaphore, #tpu.memory_space<semaphore_mem>>)
      tpu.wait_dma2 semaphore(%run_scoped3A_17 : memref<!tpu.dma_semaphore, #tpu.memory_space<semaphore_mem>>) src(%arg6 : memref<16384xf32, #tpu.memory_space<hbm>>) dst(%arg14 : memref<16384xf32, #tpu.memory_space<vmem>>)
      tpu.yield
    }) : () -> ()
    "tpu.region"() ({
      %run_scoped3A_17 = tpu.sem_alloc : memref<!tpu.dma_semaphore, #tpu.memory_space<semaphore_mem>>
      tpu.enqueue_dma source(%arg7 : memref<16384xf32, #tpu.memory_space<hbm>>) target(%arg15 : memref<16384xf32, #tpu.memory_space<vmem>>) target_semaphore(%run_scoped3A_17 : memref<!tpu.dma_semaphore, #tpu.memory_space<semaphore_mem>>)
      tpu.wait_dma2 semaphore(%run_scoped3A_17 : memref<!tpu.dma_semaphore, #tpu.memory_space<semaphore_mem>>) src(%arg7 : memref<16384xf32, #tpu.memory_space<hbm>>) dst(%arg15 : memref<16384xf32, #tpu.memory_space<vmem>>)
      tpu.yield
    }) : () -> ()
    %run_scoped3A = arith.constant 0 : i32
    "tpu.region"() ({
      %run_scoped3A_17 = tpu.sem_alloc : memref<!tpu.dma_semaphore, #tpu.memory_space<semaphore_mem>>
      %dma_start3A = tpu.memref_slice %arg8[%run_scoped3A, %mul3A_2] : memref<2x65536xi32, #tpu.memory_space<hbm>> -> memref<1x2048xi32, #tpu.memory_space<hbm>>
      %dma_start3A_18 = tpu.memref_squeeze %dma_start3A : memref<1x2048xi32, #tpu.memory_space<hbm>> -> memref<2048xi32, #tpu.memory_space<hbm>>
      %dma_start3A_19 = tpu.memref_slice %arg8[%run_scoped3A, %mul3A_2] : memref<2x65536xi32, #tpu.memory_space<hbm>> -> memref<1x2048xi32, #tpu.memory_space<hbm>>
      %dma_start3A_20 = tpu.memref_squeeze %dma_start3A_19 : memref<1x2048xi32, #tpu.memory_space<hbm>> -> memref<2048xi32, #tpu.memory_space<hbm>>
      tpu.enqueue_dma source(%dma_start3A_20 : memref<2048xi32, #tpu.memory_space<hbm>>) target(%arg16 : memref<2048xi32, #tpu.memory_space<vmem>>) target_semaphore(%run_scoped3A_17 : memref<!tpu.dma_semaphore, #tpu.memory_space<semaphore_mem>>)
      %dma_wait3A = tpu.memref_slice %arg8[%run_scoped3A, %mul3A_2] : memref<2x65536xi32, #tpu.memory_space<hbm>> -> memref<1x2048xi32, #tpu.memory_space<hbm>>
      %dma_wait3A_21 = tpu.memref_squeeze %dma_wait3A : memref<1x2048xi32, #tpu.memory_space<hbm>> -> memref<2048xi32, #tpu.memory_space<hbm>>
      %dma_wait3A_22 = tpu.memref_slice %arg8[%run_scoped3A, %mul3A_2] : memref<2x65536xi32, #tpu.memory_space<hbm>> -> memref<1x2048xi32, #tpu.memory_space<hbm>>
      %dma_wait3A_23 = tpu.memref_squeeze %dma_wait3A_22 : memref<1x2048xi32, #tpu.memory_space<hbm>> -> memref<2048xi32, #tpu.memory_space<hbm>>
      tpu.wait_dma2 semaphore(%run_scoped3A_17 : memref<!tpu.dma_semaphore, #tpu.memory_space<semaphore_mem>>) src(%dma_wait3A_23 : memref<2048xi32, #tpu.memory_space<hbm>>) dst(%arg16 : memref<2048xi32, #tpu.memory_space<vmem>>)
      tpu.yield
    }) : () -> ()
    %run_scoped3A_3 = arith.constant 1 : i32
    "tpu.region"() ({
      %run_scoped3A_17 = tpu.sem_alloc : memref<!tpu.dma_semaphore, #tpu.memory_space<semaphore_mem>>
      %dma_start3A = tpu.memref_slice %arg8[%run_scoped3A_3, %mul3A_2] : memref<2x65536xi32, #tpu.memory_space<hbm>> -> memref<1x2048xi32, #tpu.memory_space<hbm>>
      %dma_start3A_18 = tpu.memref_squeeze %dma_start3A : memref<1x2048xi32, #tpu.memory_space<hbm>> -> memref<2048xi32, #tpu.memory_space<hbm>>
      %dma_start3A_19 = tpu.memref_slice %arg8[%run_scoped3A_3, %mul3A_2] : memref<2x65536xi32, #tpu.memory_space<hbm>> -> memref<1x2048xi32, #tpu.memory_space<hbm>>
      %dma_start3A_20 = tpu.memref_squeeze %dma_start3A_19 : memref<1x2048xi32, #tpu.memory_space<hbm>> -> memref<2048xi32, #tpu.memory_space<hbm>>
      tpu.enqueue_dma source(%dma_start3A_20 : memref<2048xi32, #tpu.memory_space<hbm>>) target(%arg17 : memref<2048xi32, #tpu.memory_space<vmem>>) target_semaphore(%run_scoped3A_17 : memref<!tpu.dma_semaphore, #tpu.memory_space<semaphore_mem>>)
      %dma_wait3A = tpu.memref_slice %arg8[%run_scoped3A_3, %mul3A_2] : memref<2x65536xi32, #tpu.memory_space<hbm>> -> memref<1x2048xi32, #tpu.memory_space<hbm>>
      %dma_wait3A_21 = tpu.memref_squeeze %dma_wait3A : memref<1x2048xi32, #tpu.memory_space<hbm>> -> memref<2048xi32, #tpu.memory_space<hbm>>
      %dma_wait3A_22 = tpu.memref_slice %arg8[%run_scoped3A_3, %mul3A_2] : memref<2x65536xi32, #tpu.memory_space<hbm>> -> memref<1x2048xi32, #tpu.memory_space<hbm>>
      %dma_wait3A_23 = tpu.memref_squeeze %dma_wait3A_22 : memref<1x2048xi32, #tpu.memory_space<hbm>> -> memref<2048xi32, #tpu.memory_space<hbm>>
      tpu.wait_dma2 semaphore(%run_scoped3A_17 : memref<!tpu.dma_semaphore, #tpu.memory_space<semaphore_mem>>) src(%dma_wait3A_23 : memref<2048xi32, #tpu.memory_space<hbm>>) dst(%arg17 : memref<2048xi32, #tpu.memory_space<vmem>>)
      tpu.yield
    }) : () -> ()
    %scan3A = arith.constant 0 : i32
    %scan3A_4 = arith.constant 0 : i32
    %scan3A_5 = arith.constant 512 : i32
    %scan3A_6 = arith.addi %scan3A_4, %scan3A_5 : i32
    %scan3A_7 = arith.constant 1 : i32
    scf.for %scan3A_17 = %scan3A_4 to %scan3A_6 step %scan3A_7  : i32 {
      %mul3A_18 = arith.constant 16 : i32
      %mul3A_19 = arith.muli %scan3A_17, %mul3A_18 : i32
      %broadcast_in_dim3A = arith.constant 0.000000e+00 : f32
      %broadcast_in_dim3A_20 = vector.broadcast %broadcast_in_dim3A : f32 to vector<16xf32>
      %swap3A = arith.index_cast %mul3A_19 : i32 to index
      %swap3A_21 = tpu.vector_load %arg18[%swap3A] {strides = array<i32>} : memref<8192xf32, #tpu.memory_space<vmem>>, vector<16xf32>,
      tpu.vector_store %arg18[%swap3A], %broadcast_in_dim3A_20 {strides = array<i32>} : memref<8192xf32, #tpu.memory_space<vmem>>, vector<16xf32>,
      %broadcast_in_dim3A_22 = arith.constant 0.000000e+00 : f32
      %broadcast_in_dim3A_23 = vector.broadcast %broadcast_in_dim3A_22 : f32 to vector<16xf32>
      %swap3A_24 = arith.index_cast %mul3A_19 : i32 to index
      %swap3A_25 = tpu.vector_load %arg19[%swap3A_24] {strides = array<i32>} : memref<8192xf32, #tpu.memory_space<vmem>>, vector<16xf32>,
      tpu.vector_store %arg19[%swap3A_24], %broadcast_in_dim3A_23 {strides = array<i32>} : memref<8192xf32, #tpu.memory_space<vmem>>, vector<16xf32>,
    }
    %scan3A_8 = arith.constant 512 : i32
    %scan3A_9 = arith.constant 0 : i32
    %scan3A_10 = arith.constant 0 : i32
    %scan3A_11 = arith.constant 128 : i32
    %scan3A_12 = arith.addi %scan3A_10, %scan3A_11 : i32
    %scan3A_13 = arith.constant 1 : i32
    scf.for %scan3A_17 = %scan3A_10 to %scan3A_12 step %scan3A_13  : i32 {
      %mul3A_18 = arith.constant 16 : i32
      %mul3A_19 = arith.muli %scan3A_17, %mul3A_18 : i32
      %get3A = arith.index_cast %mul3A_19 : i32 to index
      %get3A_20 = tpu.vector_load %arg16[%get3A] {strides = array<i32>} : memref<2048xi32, #tpu.memory_space<vmem>>, vector<16xi32>,
      %mul3A_21 = arith.constant 16 : i32
      %mul3A_22 = arith.muli %scan3A_17, %mul3A_21 : i32
      %get3A_23 = arith.index_cast %mul3A_22 : i32 to index
      %get3A_24 = tpu.vector_load %arg17[%get3A_23] {strides = array<i32>} : memref<2048xi32, #tpu.memory_space<vmem>>, vector<16xi32>,
      %gather3A = tpu.vector_load_idx %arg10[%get3A_20] : memref<8192xf32, #tpu.memory_space<vmem>>[vector<16xi32>], vector<16xf32>,
      %gather3A_25 = tpu.vector_load_idx %arg11[%get3A_20] : memref<8192xf32, #tpu.memory_space<vmem>>[vector<16xi32>], vector<16xf32>,
      %gather3A_26 = tpu.vector_load_idx %arg12[%get3A_20] : memref<8192xf32, #tpu.memory_space<vmem>>[vector<16xi32>], vector<16xf32>,
      %gather3A_27 = tpu.vector_load_idx %arg13[%get3A_24] : memref<16384xf32, #tpu.memory_space<vmem>>[vector<16xi32>], vector<16xf32>,
      %gather3A_28 = tpu.vector_load_idx %arg14[%get3A_24] : memref<16384xf32, #tpu.memory_space<vmem>>[vector<16xi32>], vector<16xf32>,
      %gather3A_29 = tpu.vector_load_idx %arg15[%get3A_24] : memref<16384xf32, #tpu.memory_space<vmem>>[vector<16xi32>], vector<16xf32>,
      %sub3A = arith.subf %gather3A, %gather3A_27 : vector<16xf32>
      %sub3A_30 = arith.subf %gather3A_25, %gather3A_28 : vector<16xf32>
      %sub3A_31 = arith.subf %gather3A_26, %gather3A_29 : vector<16xf32>
      %mul3A_32 = arith.mulf %sub3A, %sub3A : vector<16xf32>
      %mul3A_33 = arith.mulf %sub3A_30, %sub3A_30 : vector<16xf32>
      %add3A_34 = arith.addf %mul3A_32, %mul3A_33 : vector<16xf32>
      %mul3A_35 = arith.mulf %sub3A_31, %sub3A_31 : vector<16xf32>
      %add3A_36 = arith.addf %add3A_34, %mul3A_35 : vector<16xf32>
      tpu.vector_store_idx %arg18[%get3A_20], %add3A_36 {add = true} : memref<8192xf32, #tpu.memory_space<vmem>>[vector<16xi32>], vector<16xf32>,
      %broadcast_in_dim3A = arith.constant 0.000000e+00 : f32
      %broadcast_in_dim3A_37 = vector.broadcast %broadcast_in_dim3A : f32 to vector<16xf32>
      %add3A_38 = arith.constant 1.000000e+00 : f32
      %add3A_39 = vector.broadcast %add3A_38 : f32 to vector<16xf32>
      %add3A_40 = arith.addf %broadcast_in_dim3A_37, %add3A_39 : vector<16xf32>
      tpu.vector_store_idx %arg19[%get3A_20], %add3A_40 {add = true} : memref<8192xf32, #tpu.memory_space<vmem>>[vector<16xi32>], vector<16xf32>,
    }
    %scan3A_14 = arith.constant 128 : i32
    %run_scoped3A_15 = arith.constant 0 : i32
    "tpu.region"() ({
      %run_scoped3A_17 = tpu.sem_alloc : memref<!tpu.dma_semaphore, #tpu.memory_space<semaphore_mem>>
      %dma_start3A = arith.constant 0 : i32
      %dma_start3A_18 = tpu.memref_slice %arg9[%add3A, %run_scoped3A_15, %dma_start3A] : memref<32x2x8192xf32, #tpu.memory_space<hbm>> -> memref<1x1x8192xf32, #tpu.memory_space<hbm>>
      %dma_start3A_19 = tpu.memref_squeeze %dma_start3A_18 : memref<1x1x8192xf32, #tpu.memory_space<hbm>> -> memref<8192xf32, #tpu.memory_space<hbm>>
      %dma_start3A_20 = arith.constant 0 : i32
      %dma_start3A_21 = tpu.memref_slice %arg9[%add3A, %run_scoped3A_15, %dma_start3A_20] : memref<32x2x8192xf32, #tpu.memory_space<hbm>> -> memref<1x1x8192xf32, #tpu.memory_space<hbm>>
      %dma_start3A_22 = tpu.memref_squeeze %dma_start3A_21 : memref<1x1x8192xf32, #tpu.memory_space<hbm>> -> memref<8192xf32, #tpu.memory_space<hbm>>
      tpu.enqueue_dma source(%arg18 : memref<8192xf32, #tpu.memory_space<vmem>>) target(%dma_start3A_22 : memref<8192xf32, #tpu.memory_space<hbm>>) target_semaphore(%run_scoped3A_17 : memref<!tpu.dma_semaphore, #tpu.memory_space<semaphore_mem>>)
      %dma_wait3A = arith.constant 0 : i32
      %dma_wait3A_23 = tpu.memref_slice %arg9[%add3A, %run_scoped3A_15, %dma_wait3A] : memref<32x2x8192xf32, #tpu.memory_space<hbm>> -> memref<1x1x8192xf32, #tpu.memory_space<hbm>>
      %dma_wait3A_24 = tpu.memref_squeeze %dma_wait3A_23 : memref<1x1x8192xf32, #tpu.memory_space<hbm>> -> memref<8192xf32, #tpu.memory_space<hbm>>
      %dma_wait3A_25 = arith.constant 0 : i32
      %dma_wait3A_26 = tpu.memref_slice %arg9[%add3A, %run_scoped3A_15, %dma_wait3A_25] : memref<32x2x8192xf32, #tpu.memory_space<hbm>> -> memref<1x1x8192xf32, #tpu.memory_space<hbm>>
      %dma_wait3A_27 = tpu.memref_squeeze %dma_wait3A_26 : memref<1x1x8192xf32, #tpu.memory_space<hbm>> -> memref<8192xf32, #tpu.memory_space<hbm>>
      tpu.wait_dma2 semaphore(%run_scoped3A_17 : memref<!tpu.dma_semaphore, #tpu.memory_space<semaphore_mem>>) src(%arg18 : memref<8192xf32, #tpu.memory_space<vmem>>) dst(%dma_wait3A_27 : memref<8192xf32, #tpu.memory_space<hbm>>)
      tpu.yield
    }) : () -> ()
    %run_scoped3A_16 = arith.constant 1 : i32
    "tpu.region"() ({
      %run_scoped3A_17 = tpu.sem_alloc : memref<!tpu.dma_semaphore, #tpu.memory_space<semaphore_mem>>
      %dma_start3A = arith.constant 0 : i32
      %dma_start3A_18 = tpu.memref_slice %arg9[%add3A, %run_scoped3A_16, %dma_start3A] : memref<32x2x8192xf32, #tpu.memory_space<hbm>> -> memref<1x1x8192xf32, #tpu.memory_space<hbm>>
      %dma_start3A_19 = tpu.memref_squeeze %dma_start3A_18 : memref<1x1x8192xf32, #tpu.memory_space<hbm>> -> memref<8192xf32, #tpu.memory_space<hbm>>
      %dma_start3A_20 = arith.constant 0 : i32
      %dma_start3A_21 = tpu.memref_slice %arg9[%add3A, %run_scoped3A_16, %dma_start3A_20] : memref<32x2x8192xf32, #tpu.memory_space<hbm>> -> memref<1x1x8192xf32, #tpu.memory_space<hbm>>
      %dma_start3A_22 = tpu.memref_squeeze %dma_start3A_21 : memref<1x1x8192xf32, #tpu.memory_space<hbm>> -> memref<8192xf32, #tpu.memory_space<hbm>>
      tpu.enqueue_dma source(%arg19 : memref<8192xf32, #tpu.memory_space<vmem>>) target(%dma_start3A_22 : memref<8192xf32, #tpu.memory_space<hbm>>) target_semaphore(%run_scoped3A_17 : memref<!tpu.dma_semaphore, #tpu.memory_space<semaphore_mem>>)
      %dma_wait3A = arith.constant 0 : i32
      %dma_wait3A_23 = tpu.memref_slice %arg9[%add3A, %run_scoped3A_16, %dma_wait3A] : memref<32x2x8192xf32, #tpu.memory_space<hbm>> -> memref<1x1x8192xf32, #tpu.memory_space<hbm>>
      %dma_wait3A_24 = tpu.memref_squeeze %dma_wait3A_23 : memref<1x1x8192xf32, #tpu.memory_space<hbm>> -> memref<8192xf32, #tpu.memory_space<hbm>>
      %dma_wait3A_25 = arith.constant 0 : i32
      %dma_wait3A_26 = tpu.memref_slice %arg9[%add3A, %run_scoped3A_16, %dma_wait3A_25] : memref<32x2x8192xf32, #tpu.memory_space<hbm>> -> memref<1x1x8192xf32, #tpu.memory_space<hbm>>
      %dma_wait3A_27 = tpu.memref_squeeze %dma_wait3A_26 : memref<1x1x8192xf32, #tpu.memory_space<hbm>> -> memref<8192xf32, #tpu.memory_space<hbm>>
      tpu.wait_dma2 semaphore(%run_scoped3A_17 : memref<!tpu.dma_semaphore, #tpu.memory_space<semaphore_mem>>) src(%arg19 : memref<8192xf32, #tpu.memory_space<vmem>>) dst(%dma_wait3A_27 : memref<8192xf32, #tpu.memory_space<hbm>>)
      tpu.yield
    }) : () -> ()
    return
  }
}

#map = affine_map<(d0, d1) -> (0)>
#map1 = affine_map<(d0, d1) -> (0, 0)>
#map2 = affine_map<(d0, d1) -> (0, 0, 0)>
module attributes {stable_mosaic.version = 14 : i64} {
  func.func @k(%arg0: i32, %arg1: i32, %arg2: memref<8192xf32, #tpu.memory_space<hbm>>, %arg3: memref<8192xf32, #tpu.memory_space<hbm>>, %arg4: memref<8192xf32, #tpu.memory_space<hbm>>, %arg5: memref<16384xf32, #tpu.memory_space<hbm>>, %arg6: memref<16384xf32, #tpu.memory_space<hbm>>, %arg7: memref<16384xf32, #tpu.memory_space<hbm>>, %arg8: memref<2x65536xi32, #tpu.memory_space<hbm>>, %arg9: memref<32x2x8192xf32, #tpu.memory_space<hbm>>, %arg10: memref<8192xf32, #tpu.memory_space<vmem>>, %arg11: memref<8192xf32, #tpu.memory_space<vmem>>, %arg12: memref<8192xf32, #tpu.memory_space<vmem>>, %arg13: memref<16384xf32, #tpu.memory_space<vmem>>, %arg14: memref<16384xf32, #tpu.memory_space<vmem>>, %arg15: memref<16384xf32, #tpu.memory_space<vmem>>, %arg16: memref<2048xi32, #tpu.memory_space<vmem>>, %arg17: memref<2048xi32, #tpu.memory_space<vmem>>, %arg18: memref<8192xf32, #tpu.memory_space<vmem>>, %arg19: memref<8192xf32, #tpu.memory_space<vmem>>) attributes {dimension_semantics = [#tpu.dimension_semantics<core_parallel>, #tpu.dimension_semantics<subcore_parallel>], iteration_bounds = array<i64: 2, 16>, scalar_prefetch = 0 : i64, scratch_operands = 10 : i64, tpu.core_type = #tpu.core_type<sc_vector_subcore>, window_params = [{transform_indices = #map}, {transform_indices = #map}, {transform_indices = #map}, {transform_indices = #map}, {transform_indices = #map}, {transform_indices = #map}, {transform_indices = #map1}, {transform_indices = #map2}]} {
    %mul3A = arith.constant 2 : i32
    %mul3A_0 = arith.muli %arg1, %mul3A : i32
    %add3A = arith.addi %mul3A_0, %arg0 : i32
    %mul3A_1 = arith.constant 2048 : i32
    %mul3A_2 = arith.muli %add3A, %mul3A_1 : i32
    "tpu.region"() ({
      %run_scoped3A_17 = tpu.sem_alloc : memref<!tpu.dma_semaphore, #tpu.memory_space<semaphore_mem>>
      tpu.enqueue_dma source(%arg2 : memref<8192xf32, #tpu.memory_space<hbm>>) target(%arg10 : memref<8192xf32, #tpu.memory_space<vmem>>) target_semaphore(%run_scoped3A_17 : memref<!tpu.dma_semaphore, #tpu.memory_space<semaphore_mem>>)
      tpu.wait_dma2 semaphore(%run_scoped3A_17 : memref<!tpu.dma_semaphore, #tpu.memory_space<semaphore_mem>>) src(%arg2 : memref<8192xf32, #tpu.memory_space<hbm>>) dst(%arg10 : memref<8192xf32, #tpu.memory_space<vmem>>)
      tpu.yield
    }) : () -> ()
    "tpu.region"() ({
      %run_scoped3A_17 = tpu.sem_alloc : memref<!tpu.dma_semaphore, #tpu.memory_space<semaphore_mem>>
      tpu.enqueue_dma source(%arg3 : memref<8192xf32, #tpu.memory_space<hbm>>) target(%arg11 : memref<8192xf32, #tpu.memory_space<vmem>>) target_semaphore(%run_scoped3A_17 : memref<!tpu.dma_semaphore, #tpu.memory_space<semaphore_mem>>)
      tpu.wait_dma2 semaphore(%run_scoped3A_17 : memref<!tpu.dma_semaphore, #tpu.memory_space<semaphore_mem>>) src(%arg3 : memref<8192xf32, #tpu.memory_space<hbm>>) dst(%arg11 : memref<8192xf32, #tpu.memory_space<vmem>>)
      tpu.yield
    }) : () -> ()
    "tpu.region"() ({
      %run_scoped3A_17 = tpu.sem_alloc : memref<!tpu.dma_semaphore, #tpu.memory_space<semaphore_mem>>
      tpu.enqueue_dma source(%arg4 : memref<8192xf32, #tpu.memory_space<hbm>>) target(%arg12 : memref<8192xf32, #tpu.memory_space<vmem>>) target_semaphore(%run_scoped3A_17 : memref<!tpu.dma_semaphore, #tpu.memory_space<semaphore_mem>>)
      tpu.wait_dma2 semaphore(%run_scoped3A_17 : memref<!tpu.dma_semaphore, #tpu.memory_space<semaphore_mem>>) src(%arg4 : memref<8192xf32, #tpu.memory_space<hbm>>) dst(%arg12 : memref<8192xf32, #tpu.memory_space<vmem>>)
      tpu.yield
    }) : () -> ()
    "tpu.region"() ({
      %run_scoped3A_17 = tpu.sem_alloc : memref<!tpu.dma_semaphore, #tpu.memory_space<semaphore_mem>>
      tpu.enqueue_dma source(%arg5 : memref<16384xf32, #tpu.memory_space<hbm>>) target(%arg13 : memref<16384xf32, #tpu.memory_space<vmem>>) target_semaphore(%run_scoped3A_17 : memref<!tpu.dma_semaphore, #tpu.memory_space<semaphore_mem>>)
      tpu.wait_dma2 semaphore(%run_scoped3A_17 : memref<!tpu.dma_semaphore, #tpu.memory_space<semaphore_mem>>) src(%arg5 : memref<16384xf32, #tpu.memory_space<hbm>>) dst(%arg13 : memref<16384xf32, #tpu.memory_space<vmem>>)
      tpu.yield
    }) : () -> ()
    "tpu.region"() ({
      %run_scoped3A_17 = tpu.sem_alloc : memref<!tpu.dma_semaphore, #tpu.memory_space<semaphore_mem>>
      tpu.enqueue_dma source(%arg6 : memref<16384xf32, #tpu.memory_space<hbm>>) target(%arg14 : memref<16384xf32, #tpu.memory_space<vmem>>) target_semaphore(%run_scoped3A_17 : memref<!tpu.dma_semaphore, #tpu.memory_space<semaphore_mem>>)
      tpu.wait_dma2 semaphore(%run_scoped3A_17 : memref<!tpu.dma_semaphore, #tpu.memory_space<semaphore_mem>>) src(%arg6 : memref<16384xf32, #tpu.memory_space<hbm>>) dst(%arg14 : memref<16384xf32, #tpu.memory_space<vmem>>)
      tpu.yield
    }) : () -> ()
    "tpu.region"() ({
      %run_scoped3A_17 = tpu.sem_alloc : memref<!tpu.dma_semaphore, #tpu.memory_space<semaphore_mem>>
      tpu.enqueue_dma source(%arg7 : memref<16384xf32, #tpu.memory_space<hbm>>) target(%arg15 : memref<16384xf32, #tpu.memory_space<vmem>>) target_semaphore(%run_scoped3A_17 : memref<!tpu.dma_semaphore, #tpu.memory_space<semaphore_mem>>)
      tpu.wait_dma2 semaphore(%run_scoped3A_17 : memref<!tpu.dma_semaphore, #tpu.memory_space<semaphore_mem>>) src(%arg7 : memref<16384xf32, #tpu.memory_space<hbm>>) dst(%arg15 : memref<16384xf32, #tpu.memory_space<vmem>>)
      tpu.yield
    }) : () -> ()
    %run_scoped3A = arith.constant 0 : i32
    "tpu.region"() ({
      %run_scoped3A_17 = tpu.sem_alloc : memref<!tpu.dma_semaphore, #tpu.memory_space<semaphore_mem>>
      %dma_start3A = tpu.memref_slice %arg8[%run_scoped3A, %mul3A_2] : memref<2x65536xi32, #tpu.memory_space<hbm>> -> memref<1x2048xi32, #tpu.memory_space<hbm>>
      %dma_start3A_18 = tpu.memref_squeeze %dma_start3A : memref<1x2048xi32, #tpu.memory_space<hbm>> -> memref<2048xi32, #tpu.memory_space<hbm>>
      %dma_start3A_19 = tpu.memref_slice %arg8[%run_scoped3A, %mul3A_2] : memref<2x65536xi32, #tpu.memory_space<hbm>> -> memref<1x2048xi32, #tpu.memory_space<hbm>>
      %dma_start3A_20 = tpu.memref_squeeze %dma_start3A_19 : memref<1x2048xi32, #tpu.memory_space<hbm>> -> memref<2048xi32, #tpu.memory_space<hbm>>
      tpu.enqueue_dma source(%dma_start3A_20 : memref<2048xi32, #tpu.memory_space<hbm>>) target(%arg16 : memref<2048xi32, #tpu.memory_space<vmem>>) target_semaphore(%run_scoped3A_17 : memref<!tpu.dma_semaphore, #tpu.memory_space<semaphore_mem>>)
      %dma_wait3A = tpu.memref_slice %arg8[%run_scoped3A, %mul3A_2] : memref<2x65536xi32, #tpu.memory_space<hbm>> -> memref<1x2048xi32, #tpu.memory_space<hbm>>
      %dma_wait3A_21 = tpu.memref_squeeze %dma_wait3A : memref<1x2048xi32, #tpu.memory_space<hbm>> -> memref<2048xi32, #tpu.memory_space<hbm>>
      %dma_wait3A_22 = tpu.memref_slice %arg8[%run_scoped3A, %mul3A_2] : memref<2x65536xi32, #tpu.memory_space<hbm>> -> memref<1x2048xi32, #tpu.memory_space<hbm>>
      %dma_wait3A_23 = tpu.memref_squeeze %dma_wait3A_22 : memref<1x2048xi32, #tpu.memory_space<hbm>> -> memref<2048xi32, #tpu.memory_space<hbm>>
      tpu.wait_dma2 semaphore(%run_scoped3A_17 : memref<!tpu.dma_semaphore, #tpu.memory_space<semaphore_mem>>) src(%dma_wait3A_23 : memref<2048xi32, #tpu.memory_space<hbm>>) dst(%arg16 : memref<2048xi32, #tpu.memory_space<vmem>>)
      tpu.yield
    }) : () -> ()
    %run_scoped3A_3 = arith.constant 1 : i32
    "tpu.region"() ({
      %run_scoped3A_17 = tpu.sem_alloc : memref<!tpu.dma_semaphore, #tpu.memory_space<semaphore_mem>>
      %dma_start3A = tpu.memref_slice %arg8[%run_scoped3A_3, %mul3A_2] : memref<2x65536xi32, #tpu.memory_space<hbm>> -> memref<1x2048xi32, #tpu.memory_space<hbm>>
      %dma_start3A_18 = tpu.memref_squeeze %dma_start3A : memref<1x2048xi32, #tpu.memory_space<hbm>> -> memref<2048xi32, #tpu.memory_space<hbm>>
      %dma_start3A_19 = tpu.memref_slice %arg8[%run_scoped3A_3, %mul3A_2] : memref<2x65536xi32, #tpu.memory_space<hbm>> -> memref<1x2048xi32, #tpu.memory_space<hbm>>
      %dma_start3A_20 = tpu.memref_squeeze %dma_start3A_19 : memref<1x2048xi32, #tpu.memory_space<hbm>> -> memref<2048xi32, #tpu.memory_space<hbm>>
      tpu.enqueue_dma source(%dma_start3A_20 : memref<2048xi32, #tpu.memory_space<hbm>>) target(%arg17 : memref<2048xi32, #tpu.memory_space<vmem>>) target_semaphore(%run_scoped3A_17 : memref<!tpu.dma_semaphore, #tpu.memory_space<semaphore_mem>>)
      %dma_wait3A = tpu.memref_slice %arg8[%run_scoped3A_3, %mul3A_2] : memref<2x65536xi32, #tpu.memory_space<hbm>> -> memref<1x2048xi32, #tpu.memory_space<hbm>>
      %dma_wait3A_21 = tpu.memref_squeeze %dma_wait3A : memref<1x2048xi32, #tpu.memory_space<hbm>> -> memref<2048xi32, #tpu.memory_space<hbm>>
      %dma_wait3A_22 = tpu.memref_slice %arg8[%run_scoped3A_3, %mul3A_2] : memref<2x65536xi32, #tpu.memory_space<hbm>> -> memref<1x2048xi32, #tpu.memory_space<hbm>>
      %dma_wait3A_23 = tpu.memref_squeeze %dma_wait3A_22 : memref<1x2048xi32, #tpu.memory_space<hbm>> -> memref<2048xi32, #tpu.memory_space<hbm>>
      tpu.wait_dma2 semaphore(%run_scoped3A_17 : memref<!tpu.dma_semaphore, #tpu.memory_space<semaphore_mem>>) src(%dma_wait3A_23 : memref<2048xi32, #tpu.memory_space<hbm>>) dst(%arg17 : memref<2048xi32, #tpu.memory_space<vmem>>)
      tpu.yield
    }) : () -> ()
    %scan3A = arith.constant 0 : i32
    %scan3A_4 = arith.constant 0 : i32
    %scan3A_5 = arith.constant 512 : i32
    %scan3A_6 = arith.addi %scan3A_4, %scan3A_5 : i32
    %scan3A_7 = arith.constant 1 : i32
    scf.for %scan3A_17 = %scan3A_4 to %scan3A_6 step %scan3A_7  : i32 {
      %mul3A_18 = arith.constant 16 : i32
      %mul3A_19 = arith.muli %scan3A_17, %mul3A_18 : i32
      %broadcast_in_dim3A = arith.constant 0.000000e+00 : f32
      %broadcast_in_dim3A_20 = vector.broadcast %broadcast_in_dim3A : f32 to vector<16xf32>
      %swap3A = arith.index_cast %mul3A_19 : i32 to index
      %swap3A_21 = tpu.vector_load %arg18[%swap3A] {strides = array<i32>} : memref<8192xf32, #tpu.memory_space<vmem>>, vector<16xf32>,
      tpu.vector_store %arg18[%swap3A], %broadcast_in_dim3A_20 {strides = array<i32>} : memref<8192xf32, #tpu.memory_space<vmem>>, vector<16xf32>,
      %broadcast_in_dim3A_22 = arith.constant 0.000000e+00 : f32
      %broadcast_in_dim3A_23 = vector.broadcast %broadcast_in_dim3A_22 : f32 to vector<16xf32>
      %swap3A_24 = arith.index_cast %mul3A_19 : i32 to index
      %swap3A_25 = tpu.vector_load %arg19[%swap3A_24] {strides = array<i32>} : memref<8192xf32, #tpu.memory_space<vmem>>, vector<16xf32>,
      tpu.vector_store %arg19[%swap3A_24], %broadcast_in_dim3A_23 {strides = array<i32>} : memref<8192xf32, #tpu.memory_space<vmem>>, vector<16xf32>,
    }
    %scan3A_8 = arith.constant 512 : i32
    %scan3A_9 = arith.constant 0 : i32
    %scan3A_10 = arith.constant 0 : i32
    %scan3A_11 = arith.constant 128 : i32
    %scan3A_12 = arith.addi %scan3A_10, %scan3A_11 : i32
    %scan3A_13 = arith.constant 1 : i32
    scf.for %scan3A_17 = %scan3A_10 to %scan3A_12 step %scan3A_13  : i32 {
      %mul3A_18 = arith.constant 16 : i32
      %mul3A_19 = arith.muli %scan3A_17, %mul3A_18 : i32
      %get3A = arith.index_cast %mul3A_19 : i32 to index
      %get3A_20 = tpu.vector_load %arg16[%get3A] {strides = array<i32>} : memref<2048xi32, #tpu.memory_space<vmem>>, vector<16xi32>,
      %mul3A_21 = arith.constant 16 : i32
      %mul3A_22 = arith.muli %scan3A_17, %mul3A_21 : i32
      %get3A_23 = arith.index_cast %mul3A_22 : i32 to index
      %get3A_24 = tpu.vector_load %arg17[%get3A_23] {strides = array<i32>} : memref<2048xi32, #tpu.memory_space<vmem>>, vector<16xi32>,
      %gather3A = tpu.vector_load_idx %arg10[%get3A_20] : memref<8192xf32, #tpu.memory_space<vmem>>[vector<16xi32>], vector<16xf32>,
      %gather3A_25 = tpu.vector_load_idx %arg11[%get3A_20] : memref<8192xf32, #tpu.memory_space<vmem>>[vector<16xi32>], vector<16xf32>,
      %gather3A_26 = tpu.vector_load_idx %arg12[%get3A_20] : memref<8192xf32, #tpu.memory_space<vmem>>[vector<16xi32>], vector<16xf32>,
      %gather3A_27 = tpu.vector_load_idx %arg13[%get3A_24] : memref<16384xf32, #tpu.memory_space<vmem>>[vector<16xi32>], vector<16xf32>,
      %gather3A_28 = tpu.vector_load_idx %arg14[%get3A_24] : memref<16384xf32, #tpu.memory_space<vmem>>[vector<16xi32>], vector<16xf32>,
      %gather3A_29 = tpu.vector_load_idx %arg15[%get3A_24] : memref<16384xf32, #tpu.memory_space<vmem>>[vector<16xi32>], vector<16xf32>,
      %sub3A = arith.subf %gather3A, %gather3A_27 : vector<16xf32>
      %sub3A_30 = arith.subf %gather3A_25, %gather3A_28 : vector<16xf32>
      %sub3A_31 = arith.subf %gather3A_26, %gather3A_29 : vector<16xf32>
      %mul3A_32 = arith.mulf %sub3A, %sub3A : vector<16xf32>
      %mul3A_33 = arith.mulf %sub3A_30, %sub3A_30 : vector<16xf32>
      %add3A_34 = arith.addf %mul3A_32, %mul3A_33 : vector<16xf32>
      %mul3A_35 = arith.mulf %sub3A_31, %sub3A_31 : vector<16xf32>
      %add3A_36 = arith.addf %add3A_34, %mul3A_35 : vector<16xf32>
      tpu.vector_store_idx %arg18[%get3A_20], %add3A_36 {add = true} : memref<8192xf32, #tpu.memory_space<vmem>>[vector<16xi32>], vector<16xf32>,
      %broadcast_in_dim3A = arith.constant 0.000000e+00 : f32
      %broadcast_in_dim3A_37 = vector.broadcast %broadcast_in_dim3A : f32 to vector<16xf32>
      %add3A_38 = arith.constant 1.000000e+00 : f32
      %add3A_39 = vector.broadcast %add3A_38 : f32 to vector<16xf32>
      %add3A_40 = arith.addf %broadcast_in_dim3A_37, %add3A_39 : vector<16xf32>
      tpu.vector_store_idx %arg19[%get3A_20], %add3A_40 {add = true} : memref<8192xf32, #tpu.memory_space<vmem>>[vector<16xi32>], vector<16xf32>,
    }
    %scan3A_14 = arith.constant 128 : i32
    %run_scoped3A_15 = arith.constant 0 : i32
    "tpu.region"() ({
      %run_scoped3A_17 = tpu.sem_alloc : memref<!tpu.dma_semaphore, #tpu.memory_space<semaphore_mem>>
      %dma_start3A = arith.constant 0 : i32
      %dma_start3A_18 = tpu.memref_slice %arg9[%add3A, %run_scoped3A_15, %dma_start3A] : memref<32x2x8192xf32, #tpu.memory_space<hbm>> -> memref<1x1x8192xf32, #tpu.memory_space<hbm>>
      %dma_start3A_19 = tpu.memref_squeeze %dma_start3A_18 : memref<1x1x8192xf32, #tpu.memory_space<hbm>> -> memref<8192xf32, #tpu.memory_space<hbm>>
      %dma_start3A_20 = arith.constant 0 : i32
      %dma_start3A_21 = tpu.memref_slice %arg9[%add3A, %run_scoped3A_15, %dma_start3A_20] : memref<32x2x8192xf32, #tpu.memory_space<hbm>> -> memref<1x1x8192xf32, #tpu.memory_space<hbm>>
      %dma_start3A_22 = tpu.memref_squeeze %dma_start3A_21 : memref<1x1x8192xf32, #tpu.memory_space<hbm>> -> memref<8192xf32, #tpu.memory_space<hbm>>
      tpu.enqueue_dma source(%arg18 : memref<8192xf32, #tpu.memory_space<vmem>>) target(%dma_start3A_22 : memref<8192xf32, #tpu.memory_space<hbm>>) target_semaphore(%run_scoped3A_17 : memref<!tpu.dma_semaphore, #tpu.memory_space<semaphore_mem>>)
      %dma_wait3A = arith.constant 0 : i32
      %dma_wait3A_23 = tpu.memref_slice %arg9[%add3A, %run_scoped3A_15, %dma_wait3A] : memref<32x2x8192xf32, #tpu.memory_space<hbm>> -> memref<1x1x8192xf32, #tpu.memory_space<hbm>>
      %dma_wait3A_24 = tpu.memref_squeeze %dma_wait3A_23 : memref<1x1x8192xf32, #tpu.memory_space<hbm>> -> memref<8192xf32, #tpu.memory_space<hbm>>
      %dma_wait3A_25 = arith.constant 0 : i32
      %dma_wait3A_26 = tpu.memref_slice %arg9[%add3A, %run_scoped3A_15, %dma_wait3A_25] : memref<32x2x8192xf32, #tpu.memory_space<hbm>> -> memref<1x1x8192xf32, #tpu.memory_space<hbm>>
      %dma_wait3A_27 = tpu.memref_squeeze %dma_wait3A_26 : memref<1x1x8192xf32, #tpu.memory_space<hbm>> -> memref<8192xf32, #tpu.memory_space<hbm>>
      tpu.wait_dma2 semaphore(%run_scoped3A_17 : memref<!tpu.dma_semaphore, #tpu.memory_space<semaphore_mem>>) src(%arg18 : memref<8192xf32, #tpu.memory_space<vmem>>) dst(%dma_wait3A_27 : memref<8192xf32, #tpu.memory_space<hbm>>)
      tpu.yield
    }) : () -> ()
    %run_scoped3A_16 = arith.constant 1 : i32
    "tpu.region"() ({
      %run_scoped3A_17 = tpu.sem_alloc : memref<!tpu.dma_semaphore, #tpu.memory_space<semaphore_mem>>
      %dma_start3A = arith.constant 0 : i32
      %dma_start3A_18 = tpu.memref_slice %arg9[%add3A, %run_scoped3A_16, %dma_start3A] : memref<32x2x8192xf32, #tpu.memory_space<hbm>> -> memref<1x1x8192xf32, #tpu.memory_space<hbm>>
      %dma_start3A_19 = tpu.memref_squeeze %dma_start3A_18 : memref<1x1x8192xf32, #tpu.memory_space<hbm>> -> memref<8192xf32, #tpu.memory_space<hbm>>
      %dma_start3A_20 = arith.constant 0 : i32
      %dma_start3A_21 = tpu.memref_slice %arg9[%add3A, %run_scoped3A_16, %dma_start3A_20] : memref<32x2x8192xf32, #tpu.memory_space<hbm>> -> memref<1x1x8192xf32, #tpu.memory_space<hbm>>
      %dma_start3A_22 = tpu.memref_squeeze %dma_start3A_21 : memref<1x1x8192xf32, #tpu.memory_space<hbm>> -> memref<8192xf32, #tpu.memory_space<hbm>>
      tpu.enqueue_dma source(%arg19 : memref<8192xf32, #tpu.memory_space<vmem>>) target(%dma_start3A_22 : memref<8192xf32, #tpu.memory_space<hbm>>) target_semaphore(%run_scoped3A_17 : memref<!tpu.dma_semaphore, #tpu.memory_space<semaphore_mem>>)
      %dma_wait3A = arith.constant 0 : i32
      %dma_wait3A_23 = tpu.memref_slice %arg9[%add3A, %run_scoped3A_16, %dma_wait3A] : memref<32x2x8192xf32, #tpu.memory_space<hbm>> -> memref<1x1x8192xf32, #tpu.memory_space<hbm>>
      %dma_wait3A_24 = tpu.memref_squeeze %dma_wait3A_23 : memref<1x1x8192xf32, #tpu.memory_space<hbm>> -> memref<8192xf32, #tpu.memory_space<hbm>>
      %dma_wait3A_25 = arith.constant 0 : i32
      %dma_wait3A_26 = tpu.memref_slice %arg9[%add3A, %run_scoped3A_16, %dma_wait3A_25] : memref<32x2x8192xf32, #tpu.memory_space<hbm>> -> memref<1x1x8192xf32, #tpu.memory_space<hbm>>
      %dma_wait3A_27 = tpu.memref_squeeze %dma_wait3A_26 : memref<1x1x8192xf32, #tpu.memory_space<hbm>> -> memref<8192xf32, #tpu.memory_space<hbm>>
      tpu.wait_dma2 semaphore(%run_scoped3A_17 : memref<!tpu.dma_semaphore, #tpu.memory_space<semaphore_mem>>) src(%arg19 : memref<8192xf32, #tpu.memory_space<vmem>>) dst(%dma_wait3A_27 : memref<8192xf32, #tpu.memory_space<hbm>>)
      tpu.yield
    }) : () -> ()
    return
  }
}

#map = affine_map<(d0, d1) -> (0)>
#map1 = affine_map<(d0, d1) -> (0, 0)>
#map2 = affine_map<(d0, d1) -> (0, 0, 0)>
module attributes {stable_mosaic.version = 14 : i64} {
  func.func @k(%arg0: i32, %arg1: i32, %arg2: memref<8192xf32, #tpu.memory_space<hbm>>, %arg3: memref<8192xf32, #tpu.memory_space<hbm>>, %arg4: memref<8192xf32, #tpu.memory_space<hbm>>, %arg5: memref<2x65536xi32, #tpu.memory_space<hbm>>, %arg6: memref<32x4x8192xf32, #tpu.memory_space<hbm>>, %arg7: memref<8192xf32, #tpu.memory_space<vmem>>, %arg8: memref<8192xf32, #tpu.memory_space<vmem>>, %arg9: memref<8192xf32, #tpu.memory_space<vmem>>, %arg10: memref<2048xi32, #tpu.memory_space<vmem>>, %arg11: memref<2048xi32, #tpu.memory_space<vmem>>, %arg12: memref<8192xf32, #tpu.memory_space<vmem>>, %arg13: memref<8192xf32, #tpu.memory_space<vmem>>, %arg14: memref<8192xf32, #tpu.memory_space<vmem>>, %arg15: memref<8192xf32, #tpu.memory_space<vmem>>) attributes {dimension_semantics = [#tpu.dimension_semantics<core_parallel>, #tpu.dimension_semantics<subcore_parallel>], iteration_bounds = array<i64: 2, 16>, scalar_prefetch = 0 : i64, scratch_operands = 9 : i64, tpu.core_type = #tpu.core_type<sc_vector_subcore>, window_params = [{transform_indices = #map}, {transform_indices = #map}, {transform_indices = #map}, {transform_indices = #map1}, {transform_indices = #map2}]} {
    %mul3A = arith.constant 2 : i32
    %mul3A_0 = arith.muli %arg1, %mul3A : i32
    %add3A = arith.addi %mul3A_0, %arg0 : i32
    %mul3A_1 = arith.constant 2048 : i32
    %mul3A_2 = arith.muli %add3A, %mul3A_1 : i32
    "tpu.region"() ({
      %run_scoped3A_19 = tpu.sem_alloc : memref<!tpu.dma_semaphore, #tpu.memory_space<semaphore_mem>>
      tpu.enqueue_dma source(%arg2 : memref<8192xf32, #tpu.memory_space<hbm>>) target(%arg7 : memref<8192xf32, #tpu.memory_space<vmem>>) target_semaphore(%run_scoped3A_19 : memref<!tpu.dma_semaphore, #tpu.memory_space<semaphore_mem>>)
      tpu.wait_dma2 semaphore(%run_scoped3A_19 : memref<!tpu.dma_semaphore, #tpu.memory_space<semaphore_mem>>) src(%arg2 : memref<8192xf32, #tpu.memory_space<hbm>>) dst(%arg7 : memref<8192xf32, #tpu.memory_space<vmem>>)
      tpu.yield
    }) : () -> ()
    "tpu.region"() ({
      %run_scoped3A_19 = tpu.sem_alloc : memref<!tpu.dma_semaphore, #tpu.memory_space<semaphore_mem>>
      tpu.enqueue_dma source(%arg3 : memref<8192xf32, #tpu.memory_space<hbm>>) target(%arg8 : memref<8192xf32, #tpu.memory_space<vmem>>) target_semaphore(%run_scoped3A_19 : memref<!tpu.dma_semaphore, #tpu.memory_space<semaphore_mem>>)
      tpu.wait_dma2 semaphore(%run_scoped3A_19 : memref<!tpu.dma_semaphore, #tpu.memory_space<semaphore_mem>>) src(%arg3 : memref<8192xf32, #tpu.memory_space<hbm>>) dst(%arg8 : memref<8192xf32, #tpu.memory_space<vmem>>)
      tpu.yield
    }) : () -> ()
    "tpu.region"() ({
      %run_scoped3A_19 = tpu.sem_alloc : memref<!tpu.dma_semaphore, #tpu.memory_space<semaphore_mem>>
      tpu.enqueue_dma source(%arg4 : memref<8192xf32, #tpu.memory_space<hbm>>) target(%arg9 : memref<8192xf32, #tpu.memory_space<vmem>>) target_semaphore(%run_scoped3A_19 : memref<!tpu.dma_semaphore, #tpu.memory_space<semaphore_mem>>)
      tpu.wait_dma2 semaphore(%run_scoped3A_19 : memref<!tpu.dma_semaphore, #tpu.memory_space<semaphore_mem>>) src(%arg4 : memref<8192xf32, #tpu.memory_space<hbm>>) dst(%arg9 : memref<8192xf32, #tpu.memory_space<vmem>>)
      tpu.yield
    }) : () -> ()
    %run_scoped3A = arith.constant 0 : i32
    "tpu.region"() ({
      %run_scoped3A_19 = tpu.sem_alloc : memref<!tpu.dma_semaphore, #tpu.memory_space<semaphore_mem>>
      %dma_start3A = tpu.memref_slice %arg5[%run_scoped3A, %mul3A_2] : memref<2x65536xi32, #tpu.memory_space<hbm>> -> memref<1x2048xi32, #tpu.memory_space<hbm>>
      %dma_start3A_20 = tpu.memref_squeeze %dma_start3A : memref<1x2048xi32, #tpu.memory_space<hbm>> -> memref<2048xi32, #tpu.memory_space<hbm>>
      %dma_start3A_21 = tpu.memref_slice %arg5[%run_scoped3A, %mul3A_2] : memref<2x65536xi32, #tpu.memory_space<hbm>> -> memref<1x2048xi32, #tpu.memory_space<hbm>>
      %dma_start3A_22 = tpu.memref_squeeze %dma_start3A_21 : memref<1x2048xi32, #tpu.memory_space<hbm>> -> memref<2048xi32, #tpu.memory_space<hbm>>
      tpu.enqueue_dma source(%dma_start3A_22 : memref<2048xi32, #tpu.memory_space<hbm>>) target(%arg10 : memref<2048xi32, #tpu.memory_space<vmem>>) target_semaphore(%run_scoped3A_19 : memref<!tpu.dma_semaphore, #tpu.memory_space<semaphore_mem>>)
      %dma_wait3A = tpu.memref_slice %arg5[%run_scoped3A, %mul3A_2] : memref<2x65536xi32, #tpu.memory_space<hbm>> -> memref<1x2048xi32, #tpu.memory_space<hbm>>
      %dma_wait3A_23 = tpu.memref_squeeze %dma_wait3A : memref<1x2048xi32, #tpu.memory_space<hbm>> -> memref<2048xi32, #tpu.memory_space<hbm>>
      %dma_wait3A_24 = tpu.memref_slice %arg5[%run_scoped3A, %mul3A_2] : memref<2x65536xi32, #tpu.memory_space<hbm>> -> memref<1x2048xi32, #tpu.memory_space<hbm>>
      %dma_wait3A_25 = tpu.memref_squeeze %dma_wait3A_24 : memref<1x2048xi32, #tpu.memory_space<hbm>> -> memref<2048xi32, #tpu.memory_space<hbm>>
      tpu.wait_dma2 semaphore(%run_scoped3A_19 : memref<!tpu.dma_semaphore, #tpu.memory_space<semaphore_mem>>) src(%dma_wait3A_25 : memref<2048xi32, #tpu.memory_space<hbm>>) dst(%arg10 : memref<2048xi32, #tpu.memory_space<vmem>>)
      tpu.yield
    }) : () -> ()
    %run_scoped3A_3 = arith.constant 1 : i32
    "tpu.region"() ({
      %run_scoped3A_19 = tpu.sem_alloc : memref<!tpu.dma_semaphore, #tpu.memory_space<semaphore_mem>>
      %dma_start3A = tpu.memref_slice %arg5[%run_scoped3A_3, %mul3A_2] : memref<2x65536xi32, #tpu.memory_space<hbm>> -> memref<1x2048xi32, #tpu.memory_space<hbm>>
      %dma_start3A_20 = tpu.memref_squeeze %dma_start3A : memref<1x2048xi32, #tpu.memory_space<hbm>> -> memref<2048xi32, #tpu.memory_space<hbm>>
      %dma_start3A_21 = tpu.memref_slice %arg5[%run_scoped3A_3, %mul3A_2] : memref<2x65536xi32, #tpu.memory_space<hbm>> -> memref<1x2048xi32, #tpu.memory_space<hbm>>
      %dma_start3A_22 = tpu.memref_squeeze %dma_start3A_21 : memref<1x2048xi32, #tpu.memory_space<hbm>> -> memref<2048xi32, #tpu.memory_space<hbm>>
      tpu.enqueue_dma source(%dma_start3A_22 : memref<2048xi32, #tpu.memory_space<hbm>>) target(%arg11 : memref<2048xi32, #tpu.memory_space<vmem>>) target_semaphore(%run_scoped3A_19 : memref<!tpu.dma_semaphore, #tpu.memory_space<semaphore_mem>>)
      %dma_wait3A = tpu.memref_slice %arg5[%run_scoped3A_3, %mul3A_2] : memref<2x65536xi32, #tpu.memory_space<hbm>> -> memref<1x2048xi32, #tpu.memory_space<hbm>>
      %dma_wait3A_23 = tpu.memref_squeeze %dma_wait3A : memref<1x2048xi32, #tpu.memory_space<hbm>> -> memref<2048xi32, #tpu.memory_space<hbm>>
      %dma_wait3A_24 = tpu.memref_slice %arg5[%run_scoped3A_3, %mul3A_2] : memref<2x65536xi32, #tpu.memory_space<hbm>> -> memref<1x2048xi32, #tpu.memory_space<hbm>>
      %dma_wait3A_25 = tpu.memref_squeeze %dma_wait3A_24 : memref<1x2048xi32, #tpu.memory_space<hbm>> -> memref<2048xi32, #tpu.memory_space<hbm>>
      tpu.wait_dma2 semaphore(%run_scoped3A_19 : memref<!tpu.dma_semaphore, #tpu.memory_space<semaphore_mem>>) src(%dma_wait3A_25 : memref<2048xi32, #tpu.memory_space<hbm>>) dst(%arg11 : memref<2048xi32, #tpu.memory_space<vmem>>)
      tpu.yield
    }) : () -> ()
    %scan3A = arith.constant 0 : i32
    %scan3A_4 = arith.constant 0 : i32
    %scan3A_5 = arith.constant 512 : i32
    %scan3A_6 = arith.addi %scan3A_4, %scan3A_5 : i32
    %scan3A_7 = arith.constant 1 : i32
    scf.for %scan3A_19 = %scan3A_4 to %scan3A_6 step %scan3A_7  : i32 {
      %mul3A_20 = arith.constant 16 : i32
      %mul3A_21 = arith.muli %scan3A_19, %mul3A_20 : i32
      %broadcast_in_dim3A = arith.constant 0.000000e+00 : f32
      %broadcast_in_dim3A_22 = vector.broadcast %broadcast_in_dim3A : f32 to vector<16xf32>
      %swap3A = arith.index_cast %mul3A_21 : i32 to index
      %swap3A_23 = tpu.vector_load %arg12[%swap3A] {strides = array<i32>} : memref<8192xf32, #tpu.memory_space<vmem>>, vector<16xf32>,
      tpu.vector_store %arg12[%swap3A], %broadcast_in_dim3A_22 {strides = array<i32>} : memref<8192xf32, #tpu.memory_space<vmem>>, vector<16xf32>,
      %broadcast_in_dim3A_24 = arith.constant 0.000000e+00 : f32
      %broadcast_in_dim3A_25 = vector.broadcast %broadcast_in_dim3A_24 : f32 to vector<16xf32>
      %swap3A_26 = arith.index_cast %mul3A_21 : i32 to index
      %swap3A_27 = tpu.vector_load %arg13[%swap3A_26] {strides = array<i32>} : memref<8192xf32, #tpu.memory_space<vmem>>, vector<16xf32>,
      tpu.vector_store %arg13[%swap3A_26], %broadcast_in_dim3A_25 {strides = array<i32>} : memref<8192xf32, #tpu.memory_space<vmem>>, vector<16xf32>,
      %broadcast_in_dim3A_28 = arith.constant 0.000000e+00 : f32
      %broadcast_in_dim3A_29 = vector.broadcast %broadcast_in_dim3A_28 : f32 to vector<16xf32>
      %swap3A_30 = arith.index_cast %mul3A_21 : i32 to index
      %swap3A_31 = tpu.vector_load %arg14[%swap3A_30] {strides = array<i32>} : memref<8192xf32, #tpu.memory_space<vmem>>, vector<16xf32>,
      tpu.vector_store %arg14[%swap3A_30], %broadcast_in_dim3A_29 {strides = array<i32>} : memref<8192xf32, #tpu.memory_space<vmem>>, vector<16xf32>,
      %broadcast_in_dim3A_32 = arith.constant 0.000000e+00 : f32
      %broadcast_in_dim3A_33 = vector.broadcast %broadcast_in_dim3A_32 : f32 to vector<16xf32>
      %swap3A_34 = arith.index_cast %mul3A_21 : i32 to index
      %swap3A_35 = tpu.vector_load %arg15[%swap3A_34] {strides = array<i32>} : memref<8192xf32, #tpu.memory_space<vmem>>, vector<16xf32>,
      tpu.vector_store %arg15[%swap3A_34], %broadcast_in_dim3A_33 {strides = array<i32>} : memref<8192xf32, #tpu.memory_space<vmem>>, vector<16xf32>,
    }
    %scan3A_8 = arith.constant 512 : i32
    %scan3A_9 = arith.constant 0 : i32
    %scan3A_10 = arith.constant 0 : i32
    %scan3A_11 = arith.constant 128 : i32
    %scan3A_12 = arith.addi %scan3A_10, %scan3A_11 : i32
    %scan3A_13 = arith.constant 1 : i32
    scf.for %scan3A_19 = %scan3A_10 to %scan3A_12 step %scan3A_13  : i32 {
      %mul3A_20 = arith.constant 16 : i32
      %mul3A_21 = arith.muli %scan3A_19, %mul3A_20 : i32
      %get3A = arith.index_cast %mul3A_21 : i32 to index
      %get3A_22 = tpu.vector_load %arg10[%get3A] {strides = array<i32>} : memref<2048xi32, #tpu.memory_space<vmem>>, vector<16xi32>,
      %mul3A_23 = arith.constant 16 : i32
      %mul3A_24 = arith.muli %scan3A_19, %mul3A_23 : i32
      %get3A_25 = arith.index_cast %mul3A_24 : i32 to index
      %get3A_26 = tpu.vector_load %arg11[%get3A_25] {strides = array<i32>} : memref<2048xi32, #tpu.memory_space<vmem>>, vector<16xi32>,
      %gather3A = tpu.vector_load_idx %arg7[%get3A_22] : memref<8192xf32, #tpu.memory_space<vmem>>[vector<16xi32>], vector<16xf32>,
      %gather3A_27 = tpu.vector_load_idx %arg8[%get3A_22] : memref<8192xf32, #tpu.memory_space<vmem>>[vector<16xi32>], vector<16xf32>,
      %gather3A_28 = tpu.vector_load_idx %arg9[%get3A_22] : memref<8192xf32, #tpu.memory_space<vmem>>[vector<16xi32>], vector<16xf32>,
      %gather3A_29 = tpu.vector_load_idx %arg7[%get3A_26] : memref<8192xf32, #tpu.memory_space<vmem>>[vector<16xi32>], vector<16xf32>,
      %gather3A_30 = tpu.vector_load_idx %arg8[%get3A_26] : memref<8192xf32, #tpu.memory_space<vmem>>[vector<16xi32>], vector<16xf32>,
      %gather3A_31 = tpu.vector_load_idx %arg9[%get3A_26] : memref<8192xf32, #tpu.memory_space<vmem>>[vector<16xi32>], vector<16xf32>,
      %sub3A = arith.subf %gather3A_29, %gather3A : vector<16xf32>
      %sub3A_32 = arith.subf %gather3A_30, %gather3A_27 : vector<16xf32>
      %sub3A_33 = arith.subf %gather3A_31, %gather3A_28 : vector<16xf32>
      %mul3A_34 = arith.mulf %sub3A, %sub3A : vector<16xf32>
      %mul3A_35 = arith.mulf %sub3A_32, %sub3A_32 : vector<16xf32>
      %add3A_36 = arith.addf %mul3A_34, %mul3A_35 : vector<16xf32>
      %mul3A_37 = arith.mulf %sub3A_33, %sub3A_33 : vector<16xf32>
      %add3A_38 = arith.addf %add3A_36, %mul3A_37 : vector<16xf32>
      %bitcast3A = vector.bitcast %add3A_38 : vector<16xf32> to vector<16xi32>
      %shift_right_arithmetic3A = arith.constant 1 : i32
      %shift_right_arithmetic3A_39 = vector.broadcast %shift_right_arithmetic3A : i32 to vector<16xi32>
      %shift_right_arithmetic3A_40 = arith.shrsi %bitcast3A, %shift_right_arithmetic3A_39 : vector<16xi32>
      %sub3A_41 = arith.constant 1597463007 : i32
      %sub3A_42 = vector.broadcast %sub3A_41 : i32 to vector<16xi32>
      %sub3A_43 = arith.subi %sub3A_42, %shift_right_arithmetic3A_40 : vector<16xi32>
      %bitcast3A_44 = vector.bitcast %sub3A_43 : vector<16xi32> to vector<16xf32>
      %mul3A_45 = arith.constant 5.000000e-01 : f32
      %mul3A_46 = vector.broadcast %mul3A_45 : f32 to vector<16xf32>
      %mul3A_47 = arith.mulf %mul3A_46, %add3A_38 : vector<16xf32>
      %mul3A_48 = arith.mulf %mul3A_47, %bitcast3A_44 : vector<16xf32>
      %mul3A_49 = arith.mulf %mul3A_48, %bitcast3A_44 : vector<16xf32>
      %sub3A_50 = arith.constant 1.500000e+00 : f32
      %sub3A_51 = vector.broadcast %sub3A_50 : f32 to vector<16xf32>
      %sub3A_52 = arith.subf %sub3A_51, %mul3A_49 : vector<16xf32>
      %mul3A_53 = arith.mulf %bitcast3A_44, %sub3A_52 : vector<16xf32>
      %mul3A_54 = arith.constant 5.000000e-01 : f32
      %mul3A_55 = vector.broadcast %mul3A_54 : f32 to vector<16xf32>
      %mul3A_56 = arith.mulf %mul3A_55, %add3A_38 : vector<16xf32>
      %mul3A_57 = arith.mulf %mul3A_56, %mul3A_53 : vector<16xf32>
      %mul3A_58 = arith.mulf %mul3A_57, %mul3A_53 : vector<16xf32>
      %sub3A_59 = arith.constant 1.500000e+00 : f32
      %sub3A_60 = vector.broadcast %sub3A_59 : f32 to vector<16xf32>
      %sub3A_61 = arith.subf %sub3A_60, %mul3A_58 : vector<16xf32>
      %mul3A_62 = arith.mulf %mul3A_53, %sub3A_61 : vector<16xf32>
      %mul3A_63 = arith.constant 5.000000e-01 : f32
      %mul3A_64 = vector.broadcast %mul3A_63 : f32 to vector<16xf32>
      %mul3A_65 = arith.mulf %mul3A_64, %add3A_38 : vector<16xf32>
      %mul3A_66 = arith.mulf %mul3A_65, %mul3A_62 : vector<16xf32>
      %mul3A_67 = arith.mulf %mul3A_66, %mul3A_62 : vector<16xf32>
      %sub3A_68 = arith.constant 1.500000e+00 : f32
      %sub3A_69 = vector.broadcast %sub3A_68 : f32 to vector<16xf32>
      %sub3A_70 = arith.subf %sub3A_69, %mul3A_67 : vector<16xf32>
      %mul3A_71 = arith.mulf %mul3A_62, %sub3A_70 : vector<16xf32>
      %gt3A = arith.constant 0.000000e+00 : f32
      %gt3A_72 = vector.broadcast %gt3A : f32 to vector<16xf32>
      %gt3A_73 = arith.cmpf ogt, %add3A_38, %gt3A_72 : vector<16xf32>
      %jit3A = arith.constant 0.000000e+00 : f32
      %broadcast_in_dim3A = vector.broadcast %jit3A : f32 to vector<16xf32>
      %select_n3A = arith.select %gt3A_73, %mul3A_71, %broadcast_in_dim3A : vector<16xi1>, vector<16xf32>
      %mul3A_74 = arith.mulf %add3A_38, %select_n3A : vector<16xf32>
      %add3A_75 = arith.constant 9.99999971E-10 : f32
      %add3A_76 = vector.broadcast %add3A_75 : f32 to vector<16xf32>
      %add3A_77 = arith.addf %mul3A_74, %add3A_76 : vector<16xf32>
      %div3A = arith.constant 1.000000e+00 : f32
      %div3A_78 = vector.broadcast %div3A : f32 to vector<16xf32>
      %div3A_79 = arith.divf %div3A_78, %add3A_77 : vector<16xf32>
      %mul3A_80 = arith.mulf %sub3A, %div3A_79 : vector<16xf32>
      tpu.vector_store_idx %arg12[%get3A_26], %mul3A_80 {add = true} : memref<8192xf32, #tpu.memory_space<vmem>>[vector<16xi32>], vector<16xf32>,
      %mul3A_81 = arith.mulf %sub3A_32, %div3A_79 : vector<16xf32>
      tpu.vector_store_idx %arg13[%get3A_26], %mul3A_81 {add = true} : memref<8192xf32, #tpu.memory_space<vmem>>[vector<16xi32>], vector<16xf32>,
      %mul3A_82 = arith.mulf %sub3A_33, %div3A_79 : vector<16xf32>
      tpu.vector_store_idx %arg14[%get3A_26], %mul3A_82 {add = true} : memref<8192xf32, #tpu.memory_space<vmem>>[vector<16xi32>], vector<16xf32>,
      %broadcast_in_dim3A_83 = arith.constant 0.000000e+00 : f32
      %broadcast_in_dim3A_84 = vector.broadcast %broadcast_in_dim3A_83 : f32 to vector<16xf32>
      %add3A_85 = arith.constant 1.000000e+00 : f32
      %add3A_86 = vector.broadcast %add3A_85 : f32 to vector<16xf32>
      %add3A_87 = arith.addf %broadcast_in_dim3A_84, %add3A_86 : vector<16xf32>
      tpu.vector_store_idx %arg15[%get3A_26], %add3A_87 {add = true} : memref<8192xf32, #tpu.memory_space<vmem>>[vector<16xi32>], vector<16xf32>,
    }
    %scan3A_14 = arith.constant 128 : i32
    %run_scoped3A_15 = arith.constant 0 : i32
    "tpu.region"() ({
      %run_scoped3A_19 = tpu.sem_alloc : memref<!tpu.dma_semaphore, #tpu.memory_space<semaphore_mem>>
      %dma_start3A = arith.constant 0 : i32
      %dma_start3A_20 = tpu.memref_slice %arg6[%add3A, %run_scoped3A_15, %dma_start3A] : memref<32x4x8192xf32, #tpu.memory_space<hbm>> -> memref<1x1x8192xf32, #tpu.memory_space<hbm>>
      %dma_start3A_21 = tpu.memref_squeeze %dma_start3A_20 : memref<1x1x8192xf32, #tpu.memory_space<hbm>> -> memref<8192xf32, #tpu.memory_space<hbm>>
      %dma_start3A_22 = arith.constant 0 : i32
      %dma_start3A_23 = tpu.memref_slice %arg6[%add3A, %run_scoped3A_15, %dma_start3A_22] : memref<32x4x8192xf32, #tpu.memory_space<hbm>> -> memref<1x1x8192xf32, #tpu.memory_space<hbm>>
      %dma_start3A_24 = tpu.memref_squeeze %dma_start3A_23 : memref<1x1x8192xf32, #tpu.memory_space<hbm>> -> memref<8192xf32, #tpu.memory_space<hbm>>
      tpu.enqueue_dma source(%arg12 : memref<8192xf32, #tpu.memory_space<vmem>>) target(%dma_start3A_24 : memref<8192xf32, #tpu.memory_space<hbm>>) target_semaphore(%run_scoped3A_19 : memref<!tpu.dma_semaphore, #tpu.memory_space<semaphore_mem>>)
      %dma_wait3A = arith.constant 0 : i32
      %dma_wait3A_25 = tpu.memref_slice %arg6[%add3A, %run_scoped3A_15, %dma_wait3A] : memref<32x4x8192xf32, #tpu.memory_space<hbm>> -> memref<1x1x8192xf32, #tpu.memory_space<hbm>>
      %dma_wait3A_26 = tpu.memref_squeeze %dma_wait3A_25 : memref<1x1x8192xf32, #tpu.memory_space<hbm>> -> memref<8192xf32, #tpu.memory_space<hbm>>
      %dma_wait3A_27 = arith.constant 0 : i32
      %dma_wait3A_28 = tpu.memref_slice %arg6[%add3A, %run_scoped3A_15, %dma_wait3A_27] : memref<32x4x8192xf32, #tpu.memory_space<hbm>> -> memref<1x1x8192xf32, #tpu.memory_space<hbm>>
      %dma_wait3A_29 = tpu.memref_squeeze %dma_wait3A_28 : memref<1x1x8192xf32, #tpu.memory_space<hbm>> -> memref<8192xf32, #tpu.memory_space<hbm>>
      tpu.wait_dma2 semaphore(%run_scoped3A_19 : memref<!tpu.dma_semaphore, #tpu.memory_space<semaphore_mem>>) src(%arg12 : memref<8192xf32, #tpu.memory_space<vmem>>) dst(%dma_wait3A_29 : memref<8192xf32, #tpu.memory_space<hbm>>)
      tpu.yield
    }) : () -> ()
    %run_scoped3A_16 = arith.constant 1 : i32
    "tpu.region"() ({
      %run_scoped3A_19 = tpu.sem_alloc : memref<!tpu.dma_semaphore, #tpu.memory_space<semaphore_mem>>
      %dma_start3A = arith.constant 0 : i32
      %dma_start3A_20 = tpu.memref_slice %arg6[%add3A, %run_scoped3A_16, %dma_start3A] : memref<32x4x8192xf32, #tpu.memory_space<hbm>> -> memref<1x1x8192xf32, #tpu.memory_space<hbm>>
      %dma_start3A_21 = tpu.memref_squeeze %dma_start3A_20 : memref<1x1x8192xf32, #tpu.memory_space<hbm>> -> memref<8192xf32, #tpu.memory_space<hbm>>
      %dma_start3A_22 = arith.constant 0 : i32
      %dma_start3A_23 = tpu.memref_slice %arg6[%add3A, %run_scoped3A_16, %dma_start3A_22] : memref<32x4x8192xf32, #tpu.memory_space<hbm>> -> memref<1x1x8192xf32, #tpu.memory_space<hbm>>
      %dma_start3A_24 = tpu.memref_squeeze %dma_start3A_23 : memref<1x1x8192xf32, #tpu.memory_space<hbm>> -> memref<8192xf32, #tpu.memory_space<hbm>>
      tpu.enqueue_dma source(%arg13 : memref<8192xf32, #tpu.memory_space<vmem>>) target(%dma_start3A_24 : memref<8192xf32, #tpu.memory_space<hbm>>) target_semaphore(%run_scoped3A_19 : memref<!tpu.dma_semaphore, #tpu.memory_space<semaphore_mem>>)
      %dma_wait3A = arith.constant 0 : i32
      %dma_wait3A_25 = tpu.memref_slice %arg6[%add3A, %run_scoped3A_16, %dma_wait3A] : memref<32x4x8192xf32, #tpu.memory_space<hbm>> -> memref<1x1x8192xf32, #tpu.memory_space<hbm>>
      %dma_wait3A_26 = tpu.memref_squeeze %dma_wait3A_25 : memref<1x1x8192xf32, #tpu.memory_space<hbm>> -> memref<8192xf32, #tpu.memory_space<hbm>>
      %dma_wait3A_27 = arith.constant 0 : i32
      %dma_wait3A_28 = tpu.memref_slice %arg6[%add3A, %run_scoped3A_16, %dma_wait3A_27] : memref<32x4x8192xf32, #tpu.memory_space<hbm>> -> memref<1x1x8192xf32, #tpu.memory_space<hbm>>
      %dma_wait3A_29 = tpu.memref_squeeze %dma_wait3A_28 : memref<1x1x8192xf32, #tpu.memory_space<hbm>> -> memref<8192xf32, #tpu.memory_space<hbm>>
      tpu.wait_dma2 semaphore(%run_scoped3A_19 : memref<!tpu.dma_semaphore, #tpu.memory_space<semaphore_mem>>) src(%arg13 : memref<8192xf32, #tpu.memory_space<vmem>>) dst(%dma_wait3A_29 : memref<8192xf32, #tpu.memory_space<hbm>>)
      tpu.yield
    }) : () -> ()
    %run_scoped3A_17 = arith.constant 2 : i32
    "tpu.region"() ({
      %run_scoped3A_19 = tpu.sem_alloc : memref<!tpu.dma_semaphore, #tpu.memory_space<semaphore_mem>>
      %dma_start3A = arith.constant 0 : i32
      %dma_start3A_20 = tpu.memref_slice %arg6[%add3A, %run_scoped3A_17, %dma_start3A] : memref<32x4x8192xf32, #tpu.memory_space<hbm>> -> memref<1x1x8192xf32, #tpu.memory_space<hbm>>
      %dma_start3A_21 = tpu.memref_squeeze %dma_start3A_20 : memref<1x1x8192xf32, #tpu.memory_space<hbm>> -> memref<8192xf32, #tpu.memory_space<hbm>>
      %dma_start3A_22 = arith.constant 0 : i32
      %dma_start3A_23 = tpu.memref_slice %arg6[%add3A, %run_scoped3A_17, %dma_start3A_22] : memref<32x4x8192xf32, #tpu.memory_space<hbm>> -> memref<1x1x8192xf32, #tpu.memory_space<hbm>>
      %dma_start3A_24 = tpu.memref_squeeze %dma_start3A_23 : memref<1x1x8192xf32, #tpu.memory_space<hbm>> -> memref<8192xf32, #tpu.memory_space<hbm>>
      tpu.enqueue_dma source(%arg14 : memref<8192xf32, #tpu.memory_space<vmem>>) target(%dma_start3A_24 : memref<8192xf32, #tpu.memory_space<hbm>>) target_semaphore(%run_scoped3A_19 : memref<!tpu.dma_semaphore, #tpu.memory_space<semaphore_mem>>)
      %dma_wait3A = arith.constant 0 : i32
      %dma_wait3A_25 = tpu.memref_slice %arg6[%add3A, %run_scoped3A_17, %dma_wait3A] : memref<32x4x8192xf32, #tpu.memory_space<hbm>> -> memref<1x1x8192xf32, #tpu.memory_space<hbm>>
      %dma_wait3A_26 = tpu.memref_squeeze %dma_wait3A_25 : memref<1x1x8192xf32, #tpu.memory_space<hbm>> -> memref<8192xf32, #tpu.memory_space<hbm>>
      %dma_wait3A_27 = arith.constant 0 : i32
      %dma_wait3A_28 = tpu.memref_slice %arg6[%add3A, %run_scoped3A_17, %dma_wait3A_27] : memref<32x4x8192xf32, #tpu.memory_space<hbm>> -> memref<1x1x8192xf32, #tpu.memory_space<hbm>>
      %dma_wait3A_29 = tpu.memref_squeeze %dma_wait3A_28 : memref<1x1x8192xf32, #tpu.memory_space<hbm>> -> memref<8192xf32, #tpu.memory_space<hbm>>
      tpu.wait_dma2 semaphore(%run_scoped3A_19 : memref<!tpu.dma_semaphore, #tpu.memory_space<semaphore_mem>>) src(%arg14 : memref<8192xf32, #tpu.memory_space<vmem>>) dst(%dma_wait3A_29 : memref<8192xf32, #tpu.memory_space<hbm>>)
      tpu.yield
    }) : () -> ()
    %run_scoped3A_18 = arith.constant 3 : i32
    "tpu.region"() ({
      %run_scoped3A_19 = tpu.sem_alloc : memref<!tpu.dma_semaphore, #tpu.memory_space<semaphore_mem>>
      %dma_start3A = arith.constant 0 : i32
      %dma_start3A_20 = tpu.memref_slice %arg6[%add3A, %run_scoped3A_18, %dma_start3A] : memref<32x4x8192xf32, #tpu.memory_space<hbm>> -> memref<1x1x8192xf32, #tpu.memory_space<hbm>>
      %dma_start3A_21 = tpu.memref_squeeze %dma_start3A_20 : memref<1x1x8192xf32, #tpu.memory_space<hbm>> -> memref<8192xf32, #tpu.memory_space<hbm>>
      %dma_start3A_22 = arith.constant 0 : i32
      %dma_start3A_23 = tpu.memref_slice %arg6[%add3A, %run_scoped3A_18, %dma_start3A_22] : memref<32x4x8192xf32, #tpu.memory_space<hbm>> -> memref<1x1x8192xf32, #tpu.memory_space<hbm>>
      %dma_start3A_24 = tpu.memref_squeeze %dma_start3A_23 : memref<1x1x8192xf32, #tpu.memory_space<hbm>> -> memref<8192xf32, #tpu.memory_space<hbm>>
      tpu.enqueue_dma source(%arg15 : memref<8192xf32, #tpu.memory_space<vmem>>) target(%dma_start3A_24 : memref<8192xf32, #tpu.memory_space<hbm>>) target_semaphore(%run_scoped3A_19 : memref<!tpu.dma_semaphore, #tpu.memory_space<semaphore_mem>>)
      %dma_wait3A = arith.constant 0 : i32
      %dma_wait3A_25 = tpu.memref_slice %arg6[%add3A, %run_scoped3A_18, %dma_wait3A] : memref<32x4x8192xf32, #tpu.memory_space<hbm>> -> memref<1x1x8192xf32, #tpu.memory_space<hbm>>
      %dma_wait3A_26 = tpu.memref_squeeze %dma_wait3A_25 : memref<1x1x8192xf32, #tpu.memory_space<hbm>> -> memref<8192xf32, #tpu.memory_space<hbm>>
      %dma_wait3A_27 = arith.constant 0 : i32
      %dma_wait3A_28 = tpu.memref_slice %arg6[%add3A, %run_scoped3A_18, %dma_wait3A_27] : memref<32x4x8192xf32, #tpu.memory_space<hbm>> -> memref<1x1x8192xf32, #tpu.memory_space<hbm>>
      %dma_wait3A_29 = tpu.memref_squeeze %dma_wait3A_28 : memref<1x1x8192xf32, #tpu.memory_space<hbm>> -> memref<8192xf32, #tpu.memory_space<hbm>>
      tpu.wait_dma2 semaphore(%run_scoped3A_19 : memref<!tpu.dma_semaphore, #tpu.memory_space<semaphore_mem>>) src(%arg15 : memref<8192xf32, #tpu.memory_space<vmem>>) dst(%dma_wait3A_29 : memref<8192xf32, #tpu.memory_space<hbm>>)
      tpu.yield
    }) : () -> ()
    return
  }
}

#map = affine_map<(d0, d1) -> (0)>
#map1 = affine_map<(d0, d1) -> (0, 0)>
#map2 = affine_map<(d0, d1) -> (0, 0, 0)>
module attributes {stable_mosaic.version = 14 : i64} {
  func.func @k(%arg0: i32, %arg1: i32, %arg2: memref<8192xf32, #tpu.memory_space<hbm>>, %arg3: memref<8192xf32, #tpu.memory_space<hbm>>, %arg4: memref<8192xf32, #tpu.memory_space<hbm>>, %arg5: memref<2x65536xi32, #tpu.memory_space<hbm>>, %arg6: memref<32x4x8192xf32, #tpu.memory_space<hbm>>, %arg7: memref<8192xf32, #tpu.memory_space<vmem>>, %arg8: memref<8192xf32, #tpu.memory_space<vmem>>, %arg9: memref<8192xf32, #tpu.memory_space<vmem>>, %arg10: memref<2048xi32, #tpu.memory_space<vmem>>, %arg11: memref<2048xi32, #tpu.memory_space<vmem>>, %arg12: memref<8192xf32, #tpu.memory_space<vmem>>, %arg13: memref<8192xf32, #tpu.memory_space<vmem>>, %arg14: memref<8192xf32, #tpu.memory_space<vmem>>, %arg15: memref<8192xf32, #tpu.memory_space<vmem>>) attributes {dimension_semantics = [#tpu.dimension_semantics<core_parallel>, #tpu.dimension_semantics<subcore_parallel>], iteration_bounds = array<i64: 2, 16>, scalar_prefetch = 0 : i64, scratch_operands = 9 : i64, tpu.core_type = #tpu.core_type<sc_vector_subcore>, window_params = [{transform_indices = #map}, {transform_indices = #map}, {transform_indices = #map}, {transform_indices = #map1}, {transform_indices = #map2}]} {
    %mul3A = arith.constant 2 : i32
    %mul3A_0 = arith.muli %arg1, %mul3A : i32
    %add3A = arith.addi %mul3A_0, %arg0 : i32
    %mul3A_1 = arith.constant 2048 : i32
    %mul3A_2 = arith.muli %add3A, %mul3A_1 : i32
    "tpu.region"() ({
      %run_scoped3A_19 = tpu.sem_alloc : memref<!tpu.dma_semaphore, #tpu.memory_space<semaphore_mem>>
      tpu.enqueue_dma source(%arg2 : memref<8192xf32, #tpu.memory_space<hbm>>) target(%arg7 : memref<8192xf32, #tpu.memory_space<vmem>>) target_semaphore(%run_scoped3A_19 : memref<!tpu.dma_semaphore, #tpu.memory_space<semaphore_mem>>)
      tpu.wait_dma2 semaphore(%run_scoped3A_19 : memref<!tpu.dma_semaphore, #tpu.memory_space<semaphore_mem>>) src(%arg2 : memref<8192xf32, #tpu.memory_space<hbm>>) dst(%arg7 : memref<8192xf32, #tpu.memory_space<vmem>>)
      tpu.yield
    }) : () -> ()
    "tpu.region"() ({
      %run_scoped3A_19 = tpu.sem_alloc : memref<!tpu.dma_semaphore, #tpu.memory_space<semaphore_mem>>
      tpu.enqueue_dma source(%arg3 : memref<8192xf32, #tpu.memory_space<hbm>>) target(%arg8 : memref<8192xf32, #tpu.memory_space<vmem>>) target_semaphore(%run_scoped3A_19 : memref<!tpu.dma_semaphore, #tpu.memory_space<semaphore_mem>>)
      tpu.wait_dma2 semaphore(%run_scoped3A_19 : memref<!tpu.dma_semaphore, #tpu.memory_space<semaphore_mem>>) src(%arg3 : memref<8192xf32, #tpu.memory_space<hbm>>) dst(%arg8 : memref<8192xf32, #tpu.memory_space<vmem>>)
      tpu.yield
    }) : () -> ()
    "tpu.region"() ({
      %run_scoped3A_19 = tpu.sem_alloc : memref<!tpu.dma_semaphore, #tpu.memory_space<semaphore_mem>>
      tpu.enqueue_dma source(%arg4 : memref<8192xf32, #tpu.memory_space<hbm>>) target(%arg9 : memref<8192xf32, #tpu.memory_space<vmem>>) target_semaphore(%run_scoped3A_19 : memref<!tpu.dma_semaphore, #tpu.memory_space<semaphore_mem>>)
      tpu.wait_dma2 semaphore(%run_scoped3A_19 : memref<!tpu.dma_semaphore, #tpu.memory_space<semaphore_mem>>) src(%arg4 : memref<8192xf32, #tpu.memory_space<hbm>>) dst(%arg9 : memref<8192xf32, #tpu.memory_space<vmem>>)
      tpu.yield
    }) : () -> ()
    %run_scoped3A = arith.constant 0 : i32
    "tpu.region"() ({
      %run_scoped3A_19 = tpu.sem_alloc : memref<!tpu.dma_semaphore, #tpu.memory_space<semaphore_mem>>
      %dma_start3A = tpu.memref_slice %arg5[%run_scoped3A, %mul3A_2] : memref<2x65536xi32, #tpu.memory_space<hbm>> -> memref<1x2048xi32, #tpu.memory_space<hbm>>
      %dma_start3A_20 = tpu.memref_squeeze %dma_start3A : memref<1x2048xi32, #tpu.memory_space<hbm>> -> memref<2048xi32, #tpu.memory_space<hbm>>
      %dma_start3A_21 = tpu.memref_slice %arg5[%run_scoped3A, %mul3A_2] : memref<2x65536xi32, #tpu.memory_space<hbm>> -> memref<1x2048xi32, #tpu.memory_space<hbm>>
      %dma_start3A_22 = tpu.memref_squeeze %dma_start3A_21 : memref<1x2048xi32, #tpu.memory_space<hbm>> -> memref<2048xi32, #tpu.memory_space<hbm>>
      tpu.enqueue_dma source(%dma_start3A_22 : memref<2048xi32, #tpu.memory_space<hbm>>) target(%arg10 : memref<2048xi32, #tpu.memory_space<vmem>>) target_semaphore(%run_scoped3A_19 : memref<!tpu.dma_semaphore, #tpu.memory_space<semaphore_mem>>)
      %dma_wait3A = tpu.memref_slice %arg5[%run_scoped3A, %mul3A_2] : memref<2x65536xi32, #tpu.memory_space<hbm>> -> memref<1x2048xi32, #tpu.memory_space<hbm>>
      %dma_wait3A_23 = tpu.memref_squeeze %dma_wait3A : memref<1x2048xi32, #tpu.memory_space<hbm>> -> memref<2048xi32, #tpu.memory_space<hbm>>
      %dma_wait3A_24 = tpu.memref_slice %arg5[%run_scoped3A, %mul3A_2] : memref<2x65536xi32, #tpu.memory_space<hbm>> -> memref<1x2048xi32, #tpu.memory_space<hbm>>
      %dma_wait3A_25 = tpu.memref_squeeze %dma_wait3A_24 : memref<1x2048xi32, #tpu.memory_space<hbm>> -> memref<2048xi32, #tpu.memory_space<hbm>>
      tpu.wait_dma2 semaphore(%run_scoped3A_19 : memref<!tpu.dma_semaphore, #tpu.memory_space<semaphore_mem>>) src(%dma_wait3A_25 : memref<2048xi32, #tpu.memory_space<hbm>>) dst(%arg10 : memref<2048xi32, #tpu.memory_space<vmem>>)
      tpu.yield
    }) : () -> ()
    %run_scoped3A_3 = arith.constant 1 : i32
    "tpu.region"() ({
      %run_scoped3A_19 = tpu.sem_alloc : memref<!tpu.dma_semaphore, #tpu.memory_space<semaphore_mem>>
      %dma_start3A = tpu.memref_slice %arg5[%run_scoped3A_3, %mul3A_2] : memref<2x65536xi32, #tpu.memory_space<hbm>> -> memref<1x2048xi32, #tpu.memory_space<hbm>>
      %dma_start3A_20 = tpu.memref_squeeze %dma_start3A : memref<1x2048xi32, #tpu.memory_space<hbm>> -> memref<2048xi32, #tpu.memory_space<hbm>>
      %dma_start3A_21 = tpu.memref_slice %arg5[%run_scoped3A_3, %mul3A_2] : memref<2x65536xi32, #tpu.memory_space<hbm>> -> memref<1x2048xi32, #tpu.memory_space<hbm>>
      %dma_start3A_22 = tpu.memref_squeeze %dma_start3A_21 : memref<1x2048xi32, #tpu.memory_space<hbm>> -> memref<2048xi32, #tpu.memory_space<hbm>>
      tpu.enqueue_dma source(%dma_start3A_22 : memref<2048xi32, #tpu.memory_space<hbm>>) target(%arg11 : memref<2048xi32, #tpu.memory_space<vmem>>) target_semaphore(%run_scoped3A_19 : memref<!tpu.dma_semaphore, #tpu.memory_space<semaphore_mem>>)
      %dma_wait3A = tpu.memref_slice %arg5[%run_scoped3A_3, %mul3A_2] : memref<2x65536xi32, #tpu.memory_space<hbm>> -> memref<1x2048xi32, #tpu.memory_space<hbm>>
      %dma_wait3A_23 = tpu.memref_squeeze %dma_wait3A : memref<1x2048xi32, #tpu.memory_space<hbm>> -> memref<2048xi32, #tpu.memory_space<hbm>>
      %dma_wait3A_24 = tpu.memref_slice %arg5[%run_scoped3A_3, %mul3A_2] : memref<2x65536xi32, #tpu.memory_space<hbm>> -> memref<1x2048xi32, #tpu.memory_space<hbm>>
      %dma_wait3A_25 = tpu.memref_squeeze %dma_wait3A_24 : memref<1x2048xi32, #tpu.memory_space<hbm>> -> memref<2048xi32, #tpu.memory_space<hbm>>
      tpu.wait_dma2 semaphore(%run_scoped3A_19 : memref<!tpu.dma_semaphore, #tpu.memory_space<semaphore_mem>>) src(%dma_wait3A_25 : memref<2048xi32, #tpu.memory_space<hbm>>) dst(%arg11 : memref<2048xi32, #tpu.memory_space<vmem>>)
      tpu.yield
    }) : () -> ()
    %scan3A = arith.constant 0 : i32
    %scan3A_4 = arith.constant 0 : i32
    %scan3A_5 = arith.constant 512 : i32
    %scan3A_6 = arith.addi %scan3A_4, %scan3A_5 : i32
    %scan3A_7 = arith.constant 1 : i32
    scf.for %scan3A_19 = %scan3A_4 to %scan3A_6 step %scan3A_7  : i32 {
      %mul3A_20 = arith.constant 16 : i32
      %mul3A_21 = arith.muli %scan3A_19, %mul3A_20 : i32
      %broadcast_in_dim3A = arith.constant 0.000000e+00 : f32
      %broadcast_in_dim3A_22 = vector.broadcast %broadcast_in_dim3A : f32 to vector<16xf32>
      %swap3A = arith.index_cast %mul3A_21 : i32 to index
      %swap3A_23 = tpu.vector_load %arg12[%swap3A] {strides = array<i32>} : memref<8192xf32, #tpu.memory_space<vmem>>, vector<16xf32>,
      tpu.vector_store %arg12[%swap3A], %broadcast_in_dim3A_22 {strides = array<i32>} : memref<8192xf32, #tpu.memory_space<vmem>>, vector<16xf32>,
      %broadcast_in_dim3A_24 = arith.constant 0.000000e+00 : f32
      %broadcast_in_dim3A_25 = vector.broadcast %broadcast_in_dim3A_24 : f32 to vector<16xf32>
      %swap3A_26 = arith.index_cast %mul3A_21 : i32 to index
      %swap3A_27 = tpu.vector_load %arg13[%swap3A_26] {strides = array<i32>} : memref<8192xf32, #tpu.memory_space<vmem>>, vector<16xf32>,
      tpu.vector_store %arg13[%swap3A_26], %broadcast_in_dim3A_25 {strides = array<i32>} : memref<8192xf32, #tpu.memory_space<vmem>>, vector<16xf32>,
      %broadcast_in_dim3A_28 = arith.constant 0.000000e+00 : f32
      %broadcast_in_dim3A_29 = vector.broadcast %broadcast_in_dim3A_28 : f32 to vector<16xf32>
      %swap3A_30 = arith.index_cast %mul3A_21 : i32 to index
      %swap3A_31 = tpu.vector_load %arg14[%swap3A_30] {strides = array<i32>} : memref<8192xf32, #tpu.memory_space<vmem>>, vector<16xf32>,
      tpu.vector_store %arg14[%swap3A_30], %broadcast_in_dim3A_29 {strides = array<i32>} : memref<8192xf32, #tpu.memory_space<vmem>>, vector<16xf32>,
      %broadcast_in_dim3A_32 = arith.constant 0.000000e+00 : f32
      %broadcast_in_dim3A_33 = vector.broadcast %broadcast_in_dim3A_32 : f32 to vector<16xf32>
      %swap3A_34 = arith.index_cast %mul3A_21 : i32 to index
      %swap3A_35 = tpu.vector_load %arg15[%swap3A_34] {strides = array<i32>} : memref<8192xf32, #tpu.memory_space<vmem>>, vector<16xf32>,
      tpu.vector_store %arg15[%swap3A_34], %broadcast_in_dim3A_33 {strides = array<i32>} : memref<8192xf32, #tpu.memory_space<vmem>>, vector<16xf32>,
    }
    %scan3A_8 = arith.constant 512 : i32
    %scan3A_9 = arith.constant 0 : i32
    %scan3A_10 = arith.constant 0 : i32
    %scan3A_11 = arith.constant 128 : i32
    %scan3A_12 = arith.addi %scan3A_10, %scan3A_11 : i32
    %scan3A_13 = arith.constant 1 : i32
    scf.for %scan3A_19 = %scan3A_10 to %scan3A_12 step %scan3A_13  : i32 {
      %mul3A_20 = arith.constant 16 : i32
      %mul3A_21 = arith.muli %scan3A_19, %mul3A_20 : i32
      %get3A = arith.index_cast %mul3A_21 : i32 to index
      %get3A_22 = tpu.vector_load %arg10[%get3A] {strides = array<i32>} : memref<2048xi32, #tpu.memory_space<vmem>>, vector<16xi32>,
      %mul3A_23 = arith.constant 16 : i32
      %mul3A_24 = arith.muli %scan3A_19, %mul3A_23 : i32
      %get3A_25 = arith.index_cast %mul3A_24 : i32 to index
      %get3A_26 = tpu.vector_load %arg11[%get3A_25] {strides = array<i32>} : memref<2048xi32, #tpu.memory_space<vmem>>, vector<16xi32>,
      %gather3A = tpu.vector_load_idx %arg7[%get3A_22] : memref<8192xf32, #tpu.memory_space<vmem>>[vector<16xi32>], vector<16xf32>,
      %gather3A_27 = tpu.vector_load_idx %arg8[%get3A_22] : memref<8192xf32, #tpu.memory_space<vmem>>[vector<16xi32>], vector<16xf32>,
      %gather3A_28 = tpu.vector_load_idx %arg9[%get3A_22] : memref<8192xf32, #tpu.memory_space<vmem>>[vector<16xi32>], vector<16xf32>,
      %gather3A_29 = tpu.vector_load_idx %arg7[%get3A_26] : memref<8192xf32, #tpu.memory_space<vmem>>[vector<16xi32>], vector<16xf32>,
      %gather3A_30 = tpu.vector_load_idx %arg8[%get3A_26] : memref<8192xf32, #tpu.memory_space<vmem>>[vector<16xi32>], vector<16xf32>,
      %gather3A_31 = tpu.vector_load_idx %arg9[%get3A_26] : memref<8192xf32, #tpu.memory_space<vmem>>[vector<16xi32>], vector<16xf32>,
      %sub3A = arith.subf %gather3A_29, %gather3A : vector<16xf32>
      %sub3A_32 = arith.subf %gather3A_30, %gather3A_27 : vector<16xf32>
      %sub3A_33 = arith.subf %gather3A_31, %gather3A_28 : vector<16xf32>
      %mul3A_34 = arith.mulf %sub3A, %sub3A : vector<16xf32>
      %mul3A_35 = arith.mulf %sub3A_32, %sub3A_32 : vector<16xf32>
      %add3A_36 = arith.addf %mul3A_34, %mul3A_35 : vector<16xf32>
      %mul3A_37 = arith.mulf %sub3A_33, %sub3A_33 : vector<16xf32>
      %add3A_38 = arith.addf %add3A_36, %mul3A_37 : vector<16xf32>
      %bitcast3A = vector.bitcast %add3A_38 : vector<16xf32> to vector<16xi32>
      %shift_right_arithmetic3A = arith.constant 1 : i32
      %shift_right_arithmetic3A_39 = vector.broadcast %shift_right_arithmetic3A : i32 to vector<16xi32>
      %shift_right_arithmetic3A_40 = arith.shrsi %bitcast3A, %shift_right_arithmetic3A_39 : vector<16xi32>
      %sub3A_41 = arith.constant 1597463007 : i32
      %sub3A_42 = vector.broadcast %sub3A_41 : i32 to vector<16xi32>
      %sub3A_43 = arith.subi %sub3A_42, %shift_right_arithmetic3A_40 : vector<16xi32>
      %bitcast3A_44 = vector.bitcast %sub3A_43 : vector<16xi32> to vector<16xf32>
      %mul3A_45 = arith.constant 5.000000e-01 : f32
      %mul3A_46 = vector.broadcast %mul3A_45 : f32 to vector<16xf32>
      %mul3A_47 = arith.mulf %mul3A_46, %add3A_38 : vector<16xf32>
      %mul3A_48 = arith.mulf %mul3A_47, %bitcast3A_44 : vector<16xf32>
      %mul3A_49 = arith.mulf %mul3A_48, %bitcast3A_44 : vector<16xf32>
      %sub3A_50 = arith.constant 1.500000e+00 : f32
      %sub3A_51 = vector.broadcast %sub3A_50 : f32 to vector<16xf32>
      %sub3A_52 = arith.subf %sub3A_51, %mul3A_49 : vector<16xf32>
      %mul3A_53 = arith.mulf %bitcast3A_44, %sub3A_52 : vector<16xf32>
      %mul3A_54 = arith.constant 5.000000e-01 : f32
      %mul3A_55 = vector.broadcast %mul3A_54 : f32 to vector<16xf32>
      %mul3A_56 = arith.mulf %mul3A_55, %add3A_38 : vector<16xf32>
      %mul3A_57 = arith.mulf %mul3A_56, %mul3A_53 : vector<16xf32>
      %mul3A_58 = arith.mulf %mul3A_57, %mul3A_53 : vector<16xf32>
      %sub3A_59 = arith.constant 1.500000e+00 : f32
      %sub3A_60 = vector.broadcast %sub3A_59 : f32 to vector<16xf32>
      %sub3A_61 = arith.subf %sub3A_60, %mul3A_58 : vector<16xf32>
      %mul3A_62 = arith.mulf %mul3A_53, %sub3A_61 : vector<16xf32>
      %mul3A_63 = arith.constant 5.000000e-01 : f32
      %mul3A_64 = vector.broadcast %mul3A_63 : f32 to vector<16xf32>
      %mul3A_65 = arith.mulf %mul3A_64, %add3A_38 : vector<16xf32>
      %mul3A_66 = arith.mulf %mul3A_65, %mul3A_62 : vector<16xf32>
      %mul3A_67 = arith.mulf %mul3A_66, %mul3A_62 : vector<16xf32>
      %sub3A_68 = arith.constant 1.500000e+00 : f32
      %sub3A_69 = vector.broadcast %sub3A_68 : f32 to vector<16xf32>
      %sub3A_70 = arith.subf %sub3A_69, %mul3A_67 : vector<16xf32>
      %mul3A_71 = arith.mulf %mul3A_62, %sub3A_70 : vector<16xf32>
      %gt3A = arith.constant 0.000000e+00 : f32
      %gt3A_72 = vector.broadcast %gt3A : f32 to vector<16xf32>
      %gt3A_73 = arith.cmpf ogt, %add3A_38, %gt3A_72 : vector<16xf32>
      %jit3A = arith.constant 0.000000e+00 : f32
      %broadcast_in_dim3A = vector.broadcast %jit3A : f32 to vector<16xf32>
      %select_n3A = arith.select %gt3A_73, %mul3A_71, %broadcast_in_dim3A : vector<16xi1>, vector<16xf32>
      %mul3A_74 = arith.mulf %add3A_38, %select_n3A : vector<16xf32>
      %add3A_75 = arith.constant 9.99999971E-10 : f32
      %add3A_76 = vector.broadcast %add3A_75 : f32 to vector<16xf32>
      %add3A_77 = arith.addf %mul3A_74, %add3A_76 : vector<16xf32>
      %div3A = arith.constant 1.000000e+00 : f32
      %div3A_78 = vector.broadcast %div3A : f32 to vector<16xf32>
      %div3A_79 = arith.divf %div3A_78, %add3A_77 : vector<16xf32>
      %mul3A_80 = arith.mulf %sub3A, %div3A_79 : vector<16xf32>
      tpu.vector_store_idx %arg12[%get3A_26], %mul3A_80 {add = true} : memref<8192xf32, #tpu.memory_space<vmem>>[vector<16xi32>], vector<16xf32>,
      %mul3A_81 = arith.mulf %sub3A_32, %div3A_79 : vector<16xf32>
      tpu.vector_store_idx %arg13[%get3A_26], %mul3A_81 {add = true} : memref<8192xf32, #tpu.memory_space<vmem>>[vector<16xi32>], vector<16xf32>,
      %mul3A_82 = arith.mulf %sub3A_33, %div3A_79 : vector<16xf32>
      tpu.vector_store_idx %arg14[%get3A_26], %mul3A_82 {add = true} : memref<8192xf32, #tpu.memory_space<vmem>>[vector<16xi32>], vector<16xf32>,
      %broadcast_in_dim3A_83 = arith.constant 0.000000e+00 : f32
      %broadcast_in_dim3A_84 = vector.broadcast %broadcast_in_dim3A_83 : f32 to vector<16xf32>
      %add3A_85 = arith.constant 1.000000e+00 : f32
      %add3A_86 = vector.broadcast %add3A_85 : f32 to vector<16xf32>
      %add3A_87 = arith.addf %broadcast_in_dim3A_84, %add3A_86 : vector<16xf32>
      tpu.vector_store_idx %arg15[%get3A_26], %add3A_87 {add = true} : memref<8192xf32, #tpu.memory_space<vmem>>[vector<16xi32>], vector<16xf32>,
    }
    %scan3A_14 = arith.constant 128 : i32
    %run_scoped3A_15 = arith.constant 0 : i32
    "tpu.region"() ({
      %run_scoped3A_19 = tpu.sem_alloc : memref<!tpu.dma_semaphore, #tpu.memory_space<semaphore_mem>>
      %dma_start3A = arith.constant 0 : i32
      %dma_start3A_20 = tpu.memref_slice %arg6[%add3A, %run_scoped3A_15, %dma_start3A] : memref<32x4x8192xf32, #tpu.memory_space<hbm>> -> memref<1x1x8192xf32, #tpu.memory_space<hbm>>
      %dma_start3A_21 = tpu.memref_squeeze %dma_start3A_20 : memref<1x1x8192xf32, #tpu.memory_space<hbm>> -> memref<8192xf32, #tpu.memory_space<hbm>>
      %dma_start3A_22 = arith.constant 0 : i32
      %dma_start3A_23 = tpu.memref_slice %arg6[%add3A, %run_scoped3A_15, %dma_start3A_22] : memref<32x4x8192xf32, #tpu.memory_space<hbm>> -> memref<1x1x8192xf32, #tpu.memory_space<hbm>>
      %dma_start3A_24 = tpu.memref_squeeze %dma_start3A_23 : memref<1x1x8192xf32, #tpu.memory_space<hbm>> -> memref<8192xf32, #tpu.memory_space<hbm>>
      tpu.enqueue_dma source(%arg12 : memref<8192xf32, #tpu.memory_space<vmem>>) target(%dma_start3A_24 : memref<8192xf32, #tpu.memory_space<hbm>>) target_semaphore(%run_scoped3A_19 : memref<!tpu.dma_semaphore, #tpu.memory_space<semaphore_mem>>)
      %dma_wait3A = arith.constant 0 : i32
      %dma_wait3A_25 = tpu.memref_slice %arg6[%add3A, %run_scoped3A_15, %dma_wait3A] : memref<32x4x8192xf32, #tpu.memory_space<hbm>> -> memref<1x1x8192xf32, #tpu.memory_space<hbm>>
      %dma_wait3A_26 = tpu.memref_squeeze %dma_wait3A_25 : memref<1x1x8192xf32, #tpu.memory_space<hbm>> -> memref<8192xf32, #tpu.memory_space<hbm>>
      %dma_wait3A_27 = arith.constant 0 : i32
      %dma_wait3A_28 = tpu.memref_slice %arg6[%add3A, %run_scoped3A_15, %dma_wait3A_27] : memref<32x4x8192xf32, #tpu.memory_space<hbm>> -> memref<1x1x8192xf32, #tpu.memory_space<hbm>>
      %dma_wait3A_29 = tpu.memref_squeeze %dma_wait3A_28 : memref<1x1x8192xf32, #tpu.memory_space<hbm>> -> memref<8192xf32, #tpu.memory_space<hbm>>
      tpu.wait_dma2 semaphore(%run_scoped3A_19 : memref<!tpu.dma_semaphore, #tpu.memory_space<semaphore_mem>>) src(%arg12 : memref<8192xf32, #tpu.memory_space<vmem>>) dst(%dma_wait3A_29 : memref<8192xf32, #tpu.memory_space<hbm>>)
      tpu.yield
    }) : () -> ()
    %run_scoped3A_16 = arith.constant 1 : i32
    "tpu.region"() ({
      %run_scoped3A_19 = tpu.sem_alloc : memref<!tpu.dma_semaphore, #tpu.memory_space<semaphore_mem>>
      %dma_start3A = arith.constant 0 : i32
      %dma_start3A_20 = tpu.memref_slice %arg6[%add3A, %run_scoped3A_16, %dma_start3A] : memref<32x4x8192xf32, #tpu.memory_space<hbm>> -> memref<1x1x8192xf32, #tpu.memory_space<hbm>>
      %dma_start3A_21 = tpu.memref_squeeze %dma_start3A_20 : memref<1x1x8192xf32, #tpu.memory_space<hbm>> -> memref<8192xf32, #tpu.memory_space<hbm>>
      %dma_start3A_22 = arith.constant 0 : i32
      %dma_start3A_23 = tpu.memref_slice %arg6[%add3A, %run_scoped3A_16, %dma_start3A_22] : memref<32x4x8192xf32, #tpu.memory_space<hbm>> -> memref<1x1x8192xf32, #tpu.memory_space<hbm>>
      %dma_start3A_24 = tpu.memref_squeeze %dma_start3A_23 : memref<1x1x8192xf32, #tpu.memory_space<hbm>> -> memref<8192xf32, #tpu.memory_space<hbm>>
      tpu.enqueue_dma source(%arg13 : memref<8192xf32, #tpu.memory_space<vmem>>) target(%dma_start3A_24 : memref<8192xf32, #tpu.memory_space<hbm>>) target_semaphore(%run_scoped3A_19 : memref<!tpu.dma_semaphore, #tpu.memory_space<semaphore_mem>>)
      %dma_wait3A = arith.constant 0 : i32
      %dma_wait3A_25 = tpu.memref_slice %arg6[%add3A, %run_scoped3A_16, %dma_wait3A] : memref<32x4x8192xf32, #tpu.memory_space<hbm>> -> memref<1x1x8192xf32, #tpu.memory_space<hbm>>
      %dma_wait3A_26 = tpu.memref_squeeze %dma_wait3A_25 : memref<1x1x8192xf32, #tpu.memory_space<hbm>> -> memref<8192xf32, #tpu.memory_space<hbm>>
      %dma_wait3A_27 = arith.constant 0 : i32
      %dma_wait3A_28 = tpu.memref_slice %arg6[%add3A, %run_scoped3A_16, %dma_wait3A_27] : memref<32x4x8192xf32, #tpu.memory_space<hbm>> -> memref<1x1x8192xf32, #tpu.memory_space<hbm>>
      %dma_wait3A_29 = tpu.memref_squeeze %dma_wait3A_28 : memref<1x1x8192xf32, #tpu.memory_space<hbm>> -> memref<8192xf32, #tpu.memory_space<hbm>>
      tpu.wait_dma2 semaphore(%run_scoped3A_19 : memref<!tpu.dma_semaphore, #tpu.memory_space<semaphore_mem>>) src(%arg13 : memref<8192xf32, #tpu.memory_space<vmem>>) dst(%dma_wait3A_29 : memref<8192xf32, #tpu.memory_space<hbm>>)
      tpu.yield
    }) : () -> ()
    %run_scoped3A_17 = arith.constant 2 : i32
    "tpu.region"() ({
      %run_scoped3A_19 = tpu.sem_alloc : memref<!tpu.dma_semaphore, #tpu.memory_space<semaphore_mem>>
      %dma_start3A = arith.constant 0 : i32
      %dma_start3A_20 = tpu.memref_slice %arg6[%add3A, %run_scoped3A_17, %dma_start3A] : memref<32x4x8192xf32, #tpu.memory_space<hbm>> -> memref<1x1x8192xf32, #tpu.memory_space<hbm>>
      %dma_start3A_21 = tpu.memref_squeeze %dma_start3A_20 : memref<1x1x8192xf32, #tpu.memory_space<hbm>> -> memref<8192xf32, #tpu.memory_space<hbm>>
      %dma_start3A_22 = arith.constant 0 : i32
      %dma_start3A_23 = tpu.memref_slice %arg6[%add3A, %run_scoped3A_17, %dma_start3A_22] : memref<32x4x8192xf32, #tpu.memory_space<hbm>> -> memref<1x1x8192xf32, #tpu.memory_space<hbm>>
      %dma_start3A_24 = tpu.memref_squeeze %dma_start3A_23 : memref<1x1x8192xf32, #tpu.memory_space<hbm>> -> memref<8192xf32, #tpu.memory_space<hbm>>
      tpu.enqueue_dma source(%arg14 : memref<8192xf32, #tpu.memory_space<vmem>>) target(%dma_start3A_24 : memref<8192xf32, #tpu.memory_space<hbm>>) target_semaphore(%run_scoped3A_19 : memref<!tpu.dma_semaphore, #tpu.memory_space<semaphore_mem>>)
      %dma_wait3A = arith.constant 0 : i32
      %dma_wait3A_25 = tpu.memref_slice %arg6[%add3A, %run_scoped3A_17, %dma_wait3A] : memref<32x4x8192xf32, #tpu.memory_space<hbm>> -> memref<1x1x8192xf32, #tpu.memory_space<hbm>>
      %dma_wait3A_26 = tpu.memref_squeeze %dma_wait3A_25 : memref<1x1x8192xf32, #tpu.memory_space<hbm>> -> memref<8192xf32, #tpu.memory_space<hbm>>
      %dma_wait3A_27 = arith.constant 0 : i32
      %dma_wait3A_28 = tpu.memref_slice %arg6[%add3A, %run_scoped3A_17, %dma_wait3A_27] : memref<32x4x8192xf32, #tpu.memory_space<hbm>> -> memref<1x1x8192xf32, #tpu.memory_space<hbm>>
      %dma_wait3A_29 = tpu.memref_squeeze %dma_wait3A_28 : memref<1x1x8192xf32, #tpu.memory_space<hbm>> -> memref<8192xf32, #tpu.memory_space<hbm>>
      tpu.wait_dma2 semaphore(%run_scoped3A_19 : memref<!tpu.dma_semaphore, #tpu.memory_space<semaphore_mem>>) src(%arg14 : memref<8192xf32, #tpu.memory_space<vmem>>) dst(%dma_wait3A_29 : memref<8192xf32, #tpu.memory_space<hbm>>)
      tpu.yield
    }) : () -> ()
    %run_scoped3A_18 = arith.constant 3 : i32
    "tpu.region"() ({
      %run_scoped3A_19 = tpu.sem_alloc : memref<!tpu.dma_semaphore, #tpu.memory_space<semaphore_mem>>
      %dma_start3A = arith.constant 0 : i32
      %dma_start3A_20 = tpu.memref_slice %arg6[%add3A, %run_scoped3A_18, %dma_start3A] : memref<32x4x8192xf32, #tpu.memory_space<hbm>> -> memref<1x1x8192xf32, #tpu.memory_space<hbm>>
      %dma_start3A_21 = tpu.memref_squeeze %dma_start3A_20 : memref<1x1x8192xf32, #tpu.memory_space<hbm>> -> memref<8192xf32, #tpu.memory_space<hbm>>
      %dma_start3A_22 = arith.constant 0 : i32
      %dma_start3A_23 = tpu.memref_slice %arg6[%add3A, %run_scoped3A_18, %dma_start3A_22] : memref<32x4x8192xf32, #tpu.memory_space<hbm>> -> memref<1x1x8192xf32, #tpu.memory_space<hbm>>
      %dma_start3A_24 = tpu.memref_squeeze %dma_start3A_23 : memref<1x1x8192xf32, #tpu.memory_space<hbm>> -> memref<8192xf32, #tpu.memory_space<hbm>>
      tpu.enqueue_dma source(%arg15 : memref<8192xf32, #tpu.memory_space<vmem>>) target(%dma_start3A_24 : memref<8192xf32, #tpu.memory_space<hbm>>) target_semaphore(%run_scoped3A_19 : memref<!tpu.dma_semaphore, #tpu.memory_space<semaphore_mem>>)
      %dma_wait3A = arith.constant 0 : i32
      %dma_wait3A_25 = tpu.memref_slice %arg6[%add3A, %run_scoped3A_18, %dma_wait3A] : memref<32x4x8192xf32, #tpu.memory_space<hbm>> -> memref<1x1x8192xf32, #tpu.memory_space<hbm>>
      %dma_wait3A_26 = tpu.memref_squeeze %dma_wait3A_25 : memref<1x1x8192xf32, #tpu.memory_space<hbm>> -> memref<8192xf32, #tpu.memory_space<hbm>>
      %dma_wait3A_27 = arith.constant 0 : i32
      %dma_wait3A_28 = tpu.memref_slice %arg6[%add3A, %run_scoped3A_18, %dma_wait3A_27] : memref<32x4x8192xf32, #tpu.memory_space<hbm>> -> memref<1x1x8192xf32, #tpu.memory_space<hbm>>
      %dma_wait3A_29 = tpu.memref_squeeze %dma_wait3A_28 : memref<1x1x8192xf32, #tpu.memory_space<hbm>> -> memref<8192xf32, #tpu.memory_space<hbm>>
      tpu.wait_dma2 semaphore(%run_scoped3A_19 : memref<!tpu.dma_semaphore, #tpu.memory_space<semaphore_mem>>) src(%arg15 : memref<8192xf32, #tpu.memory_space<vmem>>) dst(%dma_wait3A_29 : memref<8192xf32, #tpu.memory_space<hbm>>)
      tpu.yield
    }) : () -> ()
    return
  }
}

module attributes {stable_mosaic.version = 14 : i64} {
  func.func @_nn_lidar_body(%arg0: i32, %arg1: i32, %arg2: memref<16xi32, #tpu.memory_space<smem>>, %arg3: memref<16xi32, #tpu.memory_space<smem>>, %arg4: memref<1024x3xf32, #tpu.memory_space<vmem>>, %arg5: memref<1024x3xf32, #tpu.memory_space<vmem>>, %arg6: memref<1024x1xi32, #tpu.memory_space<vmem>>, %arg7: memref<3x1024xf32, #tpu.memory_space<vmem>>, %arg8: memref<1x1024xi32, #tpu.memory_space<vmem>>, %arg9: memref<1024x1xf32, #tpu.memory_space<vmem>>) attributes {dimension_semantics = [#tpu.dimension_semantics<arbitrary>, #tpu.dimension_semantics<arbitrary>], iteration_bounds = array<i64: 16, 16>, scalar_prefetch = 2 : i64, scratch_operands = 0 : i64, tpu.core_type = #tpu.core_type<tc>, window_params = [{transform_indices = @transform_0, window_bounds = array<i64: 1024, 3>}, {transform_indices = @transform_1, window_bounds = array<i64: 1024, 3>}, {transform_indices = @transform_2, window_bounds = array<i64: 1024, 1>}, {transform_indices = @transform_3, window_bounds = array<i64: 3, 1024>}, {transform_indices = @transform_4, window_bounds = array<i64: 1, 1024>}, {transform_indices = @transform_5, window_bounds = array<i64: 1024, 1>}]} {
    %eq3A = arith.constant 0 : i32
    %eq3A_0 = arith.cmpi eq, %arg1, %eq3A : i32
    %convert_element_type3A = arith.extui %eq3A_0 : i1 to i32
    %cond3A = arith.constant 0 : i32
    %cond3A_1 = arith.cmpi ne, %convert_element_type3A, %cond3A : i32
    scf.if %cond3A_1 {
      %broadcast_in_dim3A = arith.constant 1.000000e+30 : f32
      %broadcast_in_dim3A_6 = vector.broadcast %broadcast_in_dim3A : f32 to vector<1024x1xf32>
      %swap3A = arith.constant 0 : index
      %swap3A_7 = arith.constant 0 : index
      %swap3A_8 = vector.load %arg9[%swap3A, %swap3A_7] : memref<1024x1xf32, #tpu.memory_space<vmem>>, vector<1024x1xf32>
      tpu.vector_store %arg9[%swap3A, %swap3A_7], %broadcast_in_dim3A_6 {strides = array<i32>} : memref<1024x1xf32, #tpu.memory_space<vmem>>, vector<1024x1xf32>,
    } else {
    }
    %get3A = arith.index_cast %arg0 : i32 to index
    %get3A_2 = memref.load %arg3[%get3A] : memref<16xi32, #tpu.memory_space<smem>>
    %lt3A = arith.cmpi slt, %arg1, %get3A_2 : i32
    %convert_element_type3A_3 = arith.extui %lt3A : i1 to i32
    %cond3A_4 = arith.constant 0 : i32
    %cond3A_5 = arith.cmpi ne, %convert_element_type3A_3, %cond3A_4 : i32
    scf.if %cond3A_5 {
      %get3A_6 = arith.constant 0 : index
      %get3A_7 = arith.constant 0 : index
      %get3A_8 = vector.load %arg4[%get3A_6, %get3A_7] : memref<1024x3xf32, #tpu.memory_space<vmem>>, vector<1024x3xf32>
      %get3A_9 = arith.constant 0 : index
      %get3A_10 = arith.constant 0 : index
      %get3A_11 = vector.load %arg5[%get3A_9, %get3A_10] : memref<1024x3xf32, #tpu.memory_space<vmem>>, vector<1024x3xf32>
      %add3A = arith.addf %get3A_8, %get3A_11 : vector<1024x3xf32>
      %get3A_12 = arith.constant 0 : index
      %get3A_13 = arith.constant 0 : index
      %get3A_14 = vector.load %arg7[%get3A_12, %get3A_13] : memref<3x1024xf32, #tpu.memory_space<vmem>>, vector<3x1024xf32>
      %get3A_15 = arith.constant 0 : index
      %get3A_16 = arith.constant 0 : index
      %get3A_17 = vector.load %arg6[%get3A_15, %get3A_16] : memref<1024x1xi32, #tpu.memory_space<vmem>>, vector<1024x1xi32>
      %get3A_18 = arith.constant 0 : index
      %get3A_19 = arith.constant 0 : index
      %get3A_20 = vector.load %arg8[%get3A_18, %get3A_19] : memref<1x1024xi32, #tpu.memory_space<vmem>>, vector<1x1024xi32>
      %slice3A = vector.extract_strided_slice %add3A {offsets = [0, 0], sizes = [1024, 1], strides = [1, 1]} : vector<1024x3xf32> to vector<1024x1xf32>
      %slice3A_21 = vector.extract_strided_slice %get3A_14 {offsets = [0, 0], sizes = [1, 1024], strides = [1, 1]} : vector<3x1024xf32> to vector<1x1024xf32>
      %sub3A = vector.broadcast %slice3A : vector<1024x1xf32> to vector<1024x1024xf32>
      %sub3A_22 = vector.broadcast %slice3A_21 : vector<1x1024xf32> to vector<1024x1024xf32>
      %sub3A_23 = arith.subf %sub3A, %sub3A_22 : vector<1024x1024xf32>
      %slice3A_24 = vector.extract_strided_slice %add3A {offsets = [0, 1], sizes = [1024, 1], strides = [1, 1]} : vector<1024x3xf32> to vector<1024x1xf32>
      %slice3A_25 = vector.extract_strided_slice %get3A_14 {offsets = [1, 0], sizes = [1, 1024], strides = [1, 1]} : vector<3x1024xf32> to vector<1x1024xf32>
      %sub3A_26 = vector.broadcast %slice3A_24 : vector<1024x1xf32> to vector<1024x1024xf32>
      %sub3A_27 = vector.broadcast %slice3A_25 : vector<1x1024xf32> to vector<1024x1024xf32>
      %sub3A_28 = arith.subf %sub3A_26, %sub3A_27 : vector<1024x1024xf32>
      %slice3A_29 = vector.extract_strided_slice %add3A {offsets = [0, 2], sizes = [1024, 1], strides = [1, 1]} : vector<1024x3xf32> to vector<1024x1xf32>
      %slice3A_30 = vector.extract_strided_slice %get3A_14 {offsets = [2, 0], sizes = [1, 1024], strides = [1, 1]} : vector<3x1024xf32> to vector<1x1024xf32>
      %sub3A_31 = vector.broadcast %slice3A_29 : vector<1024x1xf32> to vector<1024x1024xf32>
      %sub3A_32 = vector.broadcast %slice3A_30 : vector<1x1024xf32> to vector<1024x1024xf32>
      %sub3A_33 = arith.subf %sub3A_31, %sub3A_32 : vector<1024x1024xf32>
      %mul3A = arith.mulf %sub3A_23, %sub3A_23 : vector<1024x1024xf32>
      %mul3A_34 = arith.mulf %sub3A_28, %sub3A_28 : vector<1024x1024xf32>
      %add3A_35 = arith.addf %mul3A, %mul3A_34 : vector<1024x1024xf32>
      %mul3A_36 = arith.mulf %sub3A_33, %sub3A_33 : vector<1024x1024xf32>
      %add3A_37 = arith.addf %add3A_35, %mul3A_36 : vector<1024x1024xf32>
      %eq3A_38 = vector.broadcast %get3A_17 : vector<1024x1xi32> to vector<1024x1024xi32>
      %eq3A_39 = vector.broadcast %get3A_20 : vector<1x1024xi32> to vector<1024x1024xi32>
      %eq3A_40 = arith.cmpi eq, %eq3A_38, %eq3A_39 : vector<1024x1024xi32>
      %jit3A = arith.constant 1.000000e+30 : f32
      %broadcast_in_dim3A = vector.broadcast %jit3A : f32 to vector<1024x1024xf32>
      %select_n3A = arith.select %eq3A_40, %add3A_37, %broadcast_in_dim3A : vector<1024x1024xi1>, vector<1024x1024xf32>
      %reduce_min3A = arith.constant dense<0x7F800000> : vector<1024xf32>
      %reduce_min3A_41 = vector.multi_reduction <minimumf>, %select_n3A, %reduce_min3A [1] : vector<1024x1024xf32> to vector<1024xf32>
      %broadcast_in_dim3A_42 = vector.shape_cast %reduce_min3A_41 : vector<1024xf32> to vector<1024x1xf32>
      %get3A_43 = arith.constant 0 : index
      %get3A_44 = arith.constant 0 : index
      %get3A_45 = vector.load %arg9[%get3A_43, %get3A_44] : memref<1024x1xf32, #tpu.memory_space<vmem>>, vector<1024x1xf32>
      %min3A = arith.minimumf %get3A_45, %broadcast_in_dim3A_42 : vector<1024x1xf32>
      %swap3A = arith.constant 0 : index
      %swap3A_46 = arith.constant 0 : index
      %swap3A_47 = vector.load %arg9[%swap3A, %swap3A_46] : memref<1024x1xf32, #tpu.memory_space<vmem>>, vector<1024x1xf32>
      tpu.vector_store %arg9[%swap3A, %swap3A_46], %min3A {strides = array<i32>} : memref<1024x1xf32, #tpu.memory_space<vmem>>, vector<1024x1xf32>,
    } else {
    }
    return
  }
  func.func @transform_0(%arg0: i32, %arg1: i32, %arg2: memref<16xi32, #tpu.memory_space<smem>>, %arg3: memref<16xi32, #tpu.memory_space<smem>>) -> (i32, i32) {
    %c0_i32 = arith.constant 0 : i32
    %c0_i32_0 = arith.constant 0 : i32
    return %arg0, %c0_i32 : i32, i32
  }
  func.func @transform_1(%arg0: i32, %arg1: i32, %arg2: memref<16xi32, #tpu.memory_space<smem>>, %arg3: memref<16xi32, #tpu.memory_space<smem>>) -> (i32, i32) {
    %c0_i32 = arith.constant 0 : i32
    %c0_i32_0 = arith.constant 0 : i32
    return %arg0, %c0_i32 : i32, i32
  }
  func.func @transform_2(%arg0: i32, %arg1: i32, %arg2: memref<16xi32, #tpu.memory_space<smem>>, %arg3: memref<16xi32, #tpu.memory_space<smem>>) -> (i32, i32) {
    %c0_i32 = arith.constant 0 : i32
    %c0_i32_0 = arith.constant 0 : i32
    return %arg0, %c0_i32 : i32, i32
  }
  func.func @transform_3(%arg0: i32, %arg1: i32, %arg2: memref<16xi32, #tpu.memory_space<smem>>, %arg3: memref<16xi32, #tpu.memory_space<smem>>) -> (i32, i32) {
    %get3A = arith.index_cast %arg0 : i32 to index
    %get3A_0 = memref.load %arg2[%get3A] : memref<16xi32, #tpu.memory_space<smem>>
    %get3A_1 = arith.index_cast %arg0 : i32 to index
    %get3A_2 = memref.load %arg3[%get3A_1] : memref<16xi32, #tpu.memory_space<smem>>
    %sub3A = arith.constant 1 : i32
    %sub3A_3 = arith.subi %get3A_2, %sub3A : i32
    %min3A = arith.minsi %arg1, %sub3A_3 : i32
    %add3A = arith.addi %get3A_0, %min3A : i32
    %jit3A = arith.constant 0 : i32
    %jit3A_4 = arith.constant 15 : i32
    %max3A = arith.maxsi %jit3A, %add3A : i32
    %min3A_5 = arith.minsi %jit3A_4, %max3A : i32
    %c0_i32 = arith.constant 0 : i32
    %c0_i32_6 = arith.constant 0 : i32
    return %c0_i32, %min3A_5 : i32, i32
  }
  func.func @transform_4(%arg0: i32, %arg1: i32, %arg2: memref<16xi32, #tpu.memory_space<smem>>, %arg3: memref<16xi32, #tpu.memory_space<smem>>) -> (i32, i32) {
    %get3A = arith.index_cast %arg0 : i32 to index
    %get3A_0 = memref.load %arg2[%get3A] : memref<16xi32, #tpu.memory_space<smem>>
    %get3A_1 = arith.index_cast %arg0 : i32 to index
    %get3A_2 = memref.load %arg3[%get3A_1] : memref<16xi32, #tpu.memory_space<smem>>
    %sub3A = arith.constant 1 : i32
    %sub3A_3 = arith.subi %get3A_2, %sub3A : i32
    %min3A = arith.minsi %arg1, %sub3A_3 : i32
    %add3A = arith.addi %get3A_0, %min3A : i32
    %jit3A = arith.constant 0 : i32
    %jit3A_4 = arith.constant 15 : i32
    %max3A = arith.maxsi %jit3A, %add3A : i32
    %min3A_5 = arith.minsi %jit3A_4, %max3A : i32
    %c0_i32 = arith.constant 0 : i32
    %c0_i32_6 = arith.constant 0 : i32
    return %c0_i32, %min3A_5 : i32, i32
  }
  func.func @transform_5(%arg0: i32, %arg1: i32, %arg2: memref<16xi32, #tpu.memory_space<smem>>, %arg3: memref<16xi32, #tpu.memory_space<smem>>) -> (i32, i32) {
    %c0_i32 = arith.constant 0 : i32
    %c0_i32_0 = arith.constant 0 : i32
    return %arg0, %c0_i32 : i32, i32
  }
}

module attributes {stable_mosaic.version = 14 : i64} {
  func.func @_nn_radar_body(%arg0: i32, %arg1: i32, %arg2: memref<8xi32, #tpu.memory_space<smem>>, %arg3: memref<8xi32, #tpu.memory_space<smem>>, %arg4: memref<3x1024xf32, #tpu.memory_space<vmem>>, %arg5: memref<1x1024xf32, #tpu.memory_space<vmem>>, %arg6: memref<32x4x1024xf32, #tpu.memory_space<vmem>>, %arg7: memref<1x1024xi32, #tpu.memory_space<vmem>>, %arg8: memref<1024x3xf32, #tpu.memory_space<vmem>>, %arg9: memref<1024x1xi32, #tpu.memory_space<vmem>>, %arg10: memref<1x1024xf32, #tpu.memory_space<vmem>>, %arg11: memref<3x1024xf32, #tpu.memory_space<vmem>>) attributes {dimension_semantics = [#tpu.dimension_semantics<arbitrary>, #tpu.dimension_semantics<arbitrary>], iteration_bounds = array<i64: 8, 8>, scalar_prefetch = 2 : i64, scratch_operands = 1 : i64, tpu.core_type = #tpu.core_type<tc>, window_params = [{transform_indices = @transform_0, window_bounds = array<i64: 3, 1024>}, {transform_indices = @transform_1, window_bounds = array<i64: 1, 1024>}, {transform_indices = @transform_2, window_bounds = array<i64: 32, 4, 1024>}, {transform_indices = @transform_3, window_bounds = array<i64: 1, 1024>}, {transform_indices = @transform_4, window_bounds = array<i64: 1024, 3>}, {transform_indices = @transform_5, window_bounds = array<i64: 1024, 1>}, {transform_indices = @transform_6, window_bounds = array<i64: 1, 1024>}]} {
    %eq3A = arith.constant 0 : i32
    %eq3A_0 = arith.cmpi eq, %arg1, %eq3A : i32
    %convert_element_type3A = arith.extui %eq3A_0 : i1 to i32
    %cond3A = arith.constant 0 : i32
    %cond3A_1 = arith.cmpi ne, %convert_element_type3A, %cond3A : i32
    scf.if %cond3A_1 {
      %broadcast_in_dim3A = arith.constant 1.000000e+30 : f32
      %broadcast_in_dim3A_6 = vector.broadcast %broadcast_in_dim3A : f32 to vector<1x1024xf32>
      %swap3A = arith.constant 0 : index
      %swap3A_7 = arith.constant 0 : index
      %swap3A_8 = vector.load %arg10[%swap3A, %swap3A_7] : memref<1x1024xf32, #tpu.memory_space<vmem>>, vector<1x1024xf32>
      tpu.vector_store %arg10[%swap3A, %swap3A_7], %broadcast_in_dim3A_6 {strides = array<i32>} : memref<1x1024xf32, #tpu.memory_space<vmem>>, vector<1x1024xf32>,
      %get3A_9 = arith.constant 0 : index
      %get3A_10 = arith.constant 0 : index
      %get3A_11 = arith.constant 0 : index
      %get3A_12 = vector.load %arg6[%get3A_9, %get3A_10, %get3A_11] : memref<32x4x1024xf32, #tpu.memory_space<vmem>>, vector<32x4x1024xf32>
      %reduce_sum3A = arith.constant dense<0.000000e+00> : vector<4x1024xf32>
      %reduce_sum3A_13 = vector.multi_reduction <add>, %get3A_12, %reduce_sum3A [0] : vector<32x4x1024xf32> to vector<4x1024xf32>
      %slice3A = vector.extract_strided_slice %reduce_sum3A_13 {offsets = [3, 0], sizes = [1, 1024], strides = [1, 1]} : vector<4x1024xf32> to vector<1x1024xf32>
      %max3A = arith.constant 1.000000e+00 : f32
      %max3A_14 = vector.broadcast %max3A : f32 to vector<1x1024xf32>
      %max3A_15 = arith.maximumf %slice3A, %max3A_14 : vector<1x1024xf32>
      %slice3A_16 = vector.extract_strided_slice %reduce_sum3A_13 {offsets = [0, 0], sizes = [1, 1024], strides = [1, 1]} : vector<4x1024xf32> to vector<1x1024xf32>
      %div3A = arith.divf %slice3A_16, %max3A_15 : vector<1x1024xf32>
      %slice3A_17 = vector.extract_strided_slice %reduce_sum3A_13 {offsets = [1, 0], sizes = [1, 1024], strides = [1, 1]} : vector<4x1024xf32> to vector<1x1024xf32>
      %div3A_18 = arith.divf %slice3A_17, %max3A_15 : vector<1x1024xf32>
      %slice3A_19 = vector.extract_strided_slice %reduce_sum3A_13 {offsets = [2, 0], sizes = [1, 1024], strides = [1, 1]} : vector<4x1024xf32> to vector<1x1024xf32>
      %div3A_20 = arith.divf %slice3A_19, %max3A_15 : vector<1x1024xf32>
      %mul3A = arith.mulf %div3A, %div3A : vector<1x1024xf32>
      %mul3A_21 = arith.mulf %div3A_18, %div3A_18 : vector<1x1024xf32>
      %add3A = arith.addf %mul3A, %mul3A_21 : vector<1x1024xf32>
      %mul3A_22 = arith.mulf %div3A_20, %div3A_20 : vector<1x1024xf32>
      %add3A_23 = arith.addf %add3A, %mul3A_22 : vector<1x1024xf32>
      %sqrt3A = math.sqrt %add3A_23 : vector<1x1024xf32>
      %add3A_24 = arith.constant 9.99999971E-10 : f32
      %add3A_25 = vector.broadcast %add3A_24 : f32 to vector<1x1024xf32>
      %add3A_26 = arith.addf %sqrt3A, %add3A_25 : vector<1x1024xf32>
      %get3A_27 = arith.constant 0 : index
      %get3A_28 = arith.constant 0 : index
      %get3A_29 = vector.load %arg5[%get3A_27, %get3A_28] : memref<1x1024xf32, #tpu.memory_space<vmem>>, vector<1x1024xf32>
      %mul3A_30 = arith.constant 1.000000e-01 : f32
      %mul3A_31 = vector.broadcast %mul3A_30 : f32 to vector<1x1024xf32>
      %mul3A_32 = arith.mulf %get3A_29, %mul3A_31 : vector<1x1024xf32>
      %div3A_33 = arith.divf %mul3A_32, %add3A_26 : vector<1x1024xf32>
      %mul3A_34 = arith.mulf %div3A, %div3A_33 : vector<1x1024xf32>
      %mul3A_35 = arith.mulf %div3A_18, %div3A_33 : vector<1x1024xf32>
      %mul3A_36 = arith.mulf %div3A_20, %div3A_33 : vector<1x1024xf32>
      %concatenate3A = tpu.concatenate %mul3A_34, %mul3A_35, %mul3A_36 in 0 : vector<1x1024xf32>, vector<1x1024xf32>, vector<1x1024xf32> -> vector<3x1024xf32>
      %get3A_37 = arith.constant 0 : index
      %get3A_38 = arith.constant 0 : index
      %get3A_39 = vector.load %arg4[%get3A_37, %get3A_38] : memref<3x1024xf32, #tpu.memory_space<vmem>>, vector<3x1024xf32>
      %add3A_40 = arith.addf %get3A_39, %concatenate3A : vector<3x1024xf32>
      %swap3A_41 = arith.constant 0 : index
      %swap3A_42 = arith.constant 0 : index
      %swap3A_43 = vector.load %arg11[%swap3A_41, %swap3A_42] : memref<3x1024xf32, #tpu.memory_space<vmem>>, vector<3x1024xf32>
      tpu.vector_store %arg11[%swap3A_41, %swap3A_42], %add3A_40 {strides = array<i32>} : memref<3x1024xf32, #tpu.memory_space<vmem>>, vector<3x1024xf32>,
    } else {
    }
    %get3A = arith.index_cast %arg0 : i32 to index
    %get3A_2 = memref.load %arg3[%get3A] : memref<8xi32, #tpu.memory_space<smem>>
    %lt3A = arith.cmpi slt, %arg1, %get3A_2 : i32
    %convert_element_type3A_3 = arith.extui %lt3A : i1 to i32
    %cond3A_4 = arith.constant 0 : i32
    %cond3A_5 = arith.cmpi ne, %convert_element_type3A_3, %cond3A_4 : i32
    scf.if %cond3A_5 {
      %get3A_6 = arith.constant 0 : index
      %get3A_7 = arith.constant 0 : index
      %get3A_8 = vector.load %arg11[%get3A_6, %get3A_7] : memref<3x1024xf32, #tpu.memory_space<vmem>>, vector<3x1024xf32>
      %get3A_9 = arith.constant 0 : index
      %get3A_10 = arith.constant 0 : index
      %get3A_11 = vector.load %arg8[%get3A_9, %get3A_10] : memref<1024x3xf32, #tpu.memory_space<vmem>>, vector<1024x3xf32>
      %get3A_12 = arith.constant 0 : index
      %get3A_13 = arith.constant 0 : index
      %get3A_14 = vector.load %arg7[%get3A_12, %get3A_13] : memref<1x1024xi32, #tpu.memory_space<vmem>>, vector<1x1024xi32>
      %get3A_15 = arith.constant 0 : index
      %get3A_16 = arith.constant 0 : index
      %get3A_17 = vector.load %arg9[%get3A_15, %get3A_16] : memref<1024x1xi32, #tpu.memory_space<vmem>>, vector<1024x1xi32>
      %slice3A = vector.extract_strided_slice %get3A_11 {offsets = [0, 0], sizes = [1024, 1], strides = [1, 1]} : vector<1024x3xf32> to vector<1024x1xf32>
      %slice3A_18 = vector.extract_strided_slice %get3A_8 {offsets = [0, 0], sizes = [1, 1024], strides = [1, 1]} : vector<3x1024xf32> to vector<1x1024xf32>
      %sub3A = vector.broadcast %slice3A : vector<1024x1xf32> to vector<1024x1024xf32>
      %sub3A_19 = vector.broadcast %slice3A_18 : vector<1x1024xf32> to vector<1024x1024xf32>
      %sub3A_20 = arith.subf %sub3A, %sub3A_19 : vector<1024x1024xf32>
      %slice3A_21 = vector.extract_strided_slice %get3A_11 {offsets = [0, 1], sizes = [1024, 1], strides = [1, 1]} : vector<1024x3xf32> to vector<1024x1xf32>
      %slice3A_22 = vector.extract_strided_slice %get3A_8 {offsets = [1, 0], sizes = [1, 1024], strides = [1, 1]} : vector<3x1024xf32> to vector<1x1024xf32>
      %sub3A_23 = vector.broadcast %slice3A_21 : vector<1024x1xf32> to vector<1024x1024xf32>
      %sub3A_24 = vector.broadcast %slice3A_22 : vector<1x1024xf32> to vector<1024x1024xf32>
      %sub3A_25 = arith.subf %sub3A_23, %sub3A_24 : vector<1024x1024xf32>
      %slice3A_26 = vector.extract_strided_slice %get3A_11 {offsets = [0, 2], sizes = [1024, 1], strides = [1, 1]} : vector<1024x3xf32> to vector<1024x1xf32>
      %slice3A_27 = vector.extract_strided_slice %get3A_8 {offsets = [2, 0], sizes = [1, 1024], strides = [1, 1]} : vector<3x1024xf32> to vector<1x1024xf32>
      %sub3A_28 = vector.broadcast %slice3A_26 : vector<1024x1xf32> to vector<1024x1024xf32>
      %sub3A_29 = vector.broadcast %slice3A_27 : vector<1x1024xf32> to vector<1024x1024xf32>
      %sub3A_30 = arith.subf %sub3A_28, %sub3A_29 : vector<1024x1024xf32>
      %mul3A = arith.mulf %sub3A_20, %sub3A_20 : vector<1024x1024xf32>
      %mul3A_31 = arith.mulf %sub3A_25, %sub3A_25 : vector<1024x1024xf32>
      %add3A = arith.addf %mul3A, %mul3A_31 : vector<1024x1024xf32>
      %mul3A_32 = arith.mulf %sub3A_30, %sub3A_30 : vector<1024x1024xf32>
      %add3A_33 = arith.addf %add3A, %mul3A_32 : vector<1024x1024xf32>
      %eq3A_34 = vector.broadcast %get3A_17 : vector<1024x1xi32> to vector<1024x1024xi32>
      %eq3A_35 = vector.broadcast %get3A_14 : vector<1x1024xi32> to vector<1024x1024xi32>
      %eq3A_36 = arith.cmpi eq, %eq3A_34, %eq3A_35 : vector<1024x1024xi32>
      %jit3A = arith.constant 1.000000e+30 : f32
      %broadcast_in_dim3A = vector.broadcast %jit3A : f32 to vector<1024x1024xf32>
      %select_n3A = arith.select %eq3A_36, %add3A_33, %broadcast_in_dim3A : vector<1024x1024xi1>, vector<1024x1024xf32>
      %reduce_min3A = arith.constant dense<0x7F800000> : vector<1024xf32>
      %reduce_min3A_37 = vector.multi_reduction <minimumf>, %select_n3A, %reduce_min3A [0] : vector<1024x1024xf32> to vector<1024xf32>
      %broadcast_in_dim3A_38 = vector.shape_cast %reduce_min3A_37 : vector<1024xf32> to vector<1x1024xf32>
      %get3A_39 = arith.constant 0 : index
      %get3A_40 = arith.constant 0 : index
      %get3A_41 = vector.load %arg10[%get3A_39, %get3A_40] : memref<1x1024xf32, #tpu.memory_space<vmem>>, vector<1x1024xf32>
      %min3A = arith.minimumf %get3A_41, %broadcast_in_dim3A_38 : vector<1x1024xf32>
      %swap3A = arith.constant 0 : index
      %swap3A_42 = arith.constant 0 : index
      %swap3A_43 = vector.load %arg10[%swap3A, %swap3A_42] : memref<1x1024xf32, #tpu.memory_space<vmem>>, vector<1x1024xf32>
      tpu.vector_store %arg10[%swap3A, %swap3A_42], %min3A {strides = array<i32>} : memref<1x1024xf32, #tpu.memory_space<vmem>>, vector<1x1024xf32>,
    } else {
    }
    return
  }
  func.func @transform_0(%arg0: i32, %arg1: i32, %arg2: memref<8xi32, #tpu.memory_space<smem>>, %arg3: memref<8xi32, #tpu.memory_space<smem>>) -> (i32, i32) {
    %c0_i32 = arith.constant 0 : i32
    %c0_i32_0 = arith.constant 0 : i32
    return %c0_i32, %arg0 : i32, i32
  }
  func.func @transform_1(%arg0: i32, %arg1: i32, %arg2: memref<8xi32, #tpu.memory_space<smem>>, %arg3: memref<8xi32, #tpu.memory_space<smem>>) -> (i32, i32) {
    %c0_i32 = arith.constant 0 : i32
    %c0_i32_0 = arith.constant 0 : i32
    return %c0_i32, %arg0 : i32, i32
  }
  func.func @transform_2(%arg0: i32, %arg1: i32, %arg2: memref<8xi32, #tpu.memory_space<smem>>, %arg3: memref<8xi32, #tpu.memory_space<smem>>) -> (i32, i32, i32) {
    %c0_i32 = arith.constant 0 : i32
    %c0_i32_0 = arith.constant 0 : i32
    %c0_i32_1 = arith.constant 0 : i32
    return %c0_i32, %c0_i32_0, %arg0 : i32, i32, i32
  }
  func.func @transform_3(%arg0: i32, %arg1: i32, %arg2: memref<8xi32, #tpu.memory_space<smem>>, %arg3: memref<8xi32, #tpu.memory_space<smem>>) -> (i32, i32) {
    %c0_i32 = arith.constant 0 : i32
    %c0_i32_0 = arith.constant 0 : i32
    return %c0_i32, %arg0 : i32, i32
  }
  func.func @transform_4(%arg0: i32, %arg1: i32, %arg2: memref<8xi32, #tpu.memory_space<smem>>, %arg3: memref<8xi32, #tpu.memory_space<smem>>) -> (i32, i32) {
    %get3A = arith.index_cast %arg0 : i32 to index
    %get3A_0 = memref.load %arg2[%get3A] : memref<8xi32, #tpu.memory_space<smem>>
    %get3A_1 = arith.index_cast %arg0 : i32 to index
    %get3A_2 = memref.load %arg3[%get3A_1] : memref<8xi32, #tpu.memory_space<smem>>
    %sub3A = arith.constant 1 : i32
    %sub3A_3 = arith.subi %get3A_2, %sub3A : i32
    %min3A = arith.minsi %arg1, %sub3A_3 : i32
    %add3A = arith.addi %get3A_0, %min3A : i32
    %jit3A = arith.constant 0 : i32
    %jit3A_4 = arith.constant 7 : i32
    %max3A = arith.maxsi %jit3A, %add3A : i32
    %min3A_5 = arith.minsi %jit3A_4, %max3A : i32
    %c0_i32 = arith.constant 0 : i32
    %c0_i32_6 = arith.constant 0 : i32
    return %min3A_5, %c0_i32 : i32, i32
  }
  func.func @transform_5(%arg0: i32, %arg1: i32, %arg2: memref<8xi32, #tpu.memory_space<smem>>, %arg3: memref<8xi32, #tpu.memory_space<smem>>) -> (i32, i32) {
    %get3A = arith.index_cast %arg0 : i32 to index
    %get3A_0 = memref.load %arg2[%get3A] : memref<8xi32, #tpu.memory_space<smem>>
    %get3A_1 = arith.index_cast %arg0 : i32 to index
    %get3A_2 = memref.load %arg3[%get3A_1] : memref<8xi32, #tpu.memory_space<smem>>
    %sub3A = arith.constant 1 : i32
    %sub3A_3 = arith.subi %get3A_2, %sub3A : i32
    %min3A = arith.minsi %arg1, %sub3A_3 : i32
    %add3A = arith.addi %get3A_0, %min3A : i32
    %jit3A = arith.constant 0 : i32
    %jit3A_4 = arith.constant 7 : i32
    %max3A = arith.maxsi %jit3A, %add3A : i32
    %min3A_5 = arith.minsi %jit3A_4, %max3A : i32
    %c0_i32 = arith.constant 0 : i32
    %c0_i32_6 = arith.constant 0 : i32
    return %min3A_5, %c0_i32 : i32, i32
  }
  func.func @transform_6(%arg0: i32, %arg1: i32, %arg2: memref<8xi32, #tpu.memory_space<smem>>, %arg3: memref<8xi32, #tpu.memory_space<smem>>) -> (i32, i32) {
    %c0_i32 = arith.constant 0 : i32
    %c0_i32_0 = arith.constant 0 : i32
    return %c0_i32, %arg0 : i32, i32
  }
}

module attributes {stable_mosaic.version = 14 : i64} {
  func.func @_asm_body(%arg0: memref<1x16384xf32, #tpu.memory_space<vmem>>, %arg1: memref<1x16384xf32, #tpu.memory_space<vmem>>, %arg2: memref<1x16384xi32, #tpu.memory_space<vmem>>, %arg3: memref<1x16384xi32, #tpu.memory_space<vmem>>, %arg4: memref<1x8192xf32, #tpu.memory_space<vmem>>, %arg5: memref<1x8192xf32, #tpu.memory_space<vmem>>, %arg6: memref<32x2x8192xf32, #tpu.memory_space<vmem>>, %arg7: memref<1x8192xi32, #tpu.memory_space<vmem>>, %arg8: memref<1x8192xf32, #tpu.memory_space<vmem>>, %arg9: memref<1x8192xf32, #tpu.memory_space<vmem>>, %arg10: memref<32x2x8192xf32, #tpu.memory_space<vmem>>, %arg11: memref<1x8192xi32, #tpu.memory_space<vmem>>, %arg12: memref<1x8192xi32, #tpu.memory_space<vmem>>, %arg13: memref<1x1xf32, #tpu.memory_space<smem>>) attributes {dimension_semantics = [], scalar_prefetch = 0 : i64, scratch_operands = 0 : i64, tpu.core_type = #tpu.core_type<tc>} {
    %get3A = arith.constant 0 : index
    %get3A_0 = arith.constant 0 : index
    %get3A_1 = vector.load %arg1[%get3A, %get3A_0] : memref<1x16384xf32, #tpu.memory_space<vmem>>, vector<1x16384xf32>
    %jit3A = arith.constant -11.6182852 : f32
    %jit3A_2 = arith.constant -7.82404613 : f32
    %max3A = vector.broadcast %jit3A : f32 to vector<1x16384xf32>
    %max3A_3 = arith.maximumf %max3A, %get3A_1 : vector<1x16384xf32>
    %min3A = vector.broadcast %jit3A_2 : f32 to vector<1x16384xf32>
    %min3A_4 = arith.minimumf %min3A, %max3A_3 : vector<1x16384xf32>
    %get3A_5 = arith.constant 0 : index
    %get3A_6 = arith.constant 0 : index
    %get3A_7 = vector.load %arg0[%get3A_5, %get3A_6] : memref<1x16384xf32, #tpu.memory_space<vmem>>, vector<1x16384xf32>
    %get3A_8 = arith.constant 0 : index
    %get3A_9 = arith.constant 0 : index
    %get3A_10 = vector.load %arg2[%get3A_8, %get3A_9] : memref<1x16384xi32, #tpu.memory_space<vmem>>, vector<1x16384xi32>
    %get3A_11 = arith.constant 0 : index
    %get3A_12 = arith.constant 0 : index
    %get3A_13 = vector.load %arg3[%get3A_11, %get3A_12] : memref<1x16384xi32, #tpu.memory_space<vmem>>, vector<1x16384xi32>
    %broadcast_in_dim3A = arith.constant false
    %broadcast_in_dim3A_14 = vector.broadcast %broadcast_in_dim3A : i1 to vector<1x16384xi1>
    %eq3A = arith.constant 0 : i32
    %eq3A_15 = vector.broadcast %eq3A : i32 to vector<1x16384xi32>
    %eq3A_16 = arith.cmpi eq, %get3A_13, %eq3A_15 : vector<1x16384xi32>
    %convert_element_type3A = arith.extui %eq3A_16 : vector<1x16384xi1> to vector<1x16384xi32>
    %convert_element_type3A_17 = arith.sitofp %convert_element_type3A : vector<1x16384xi32> to vector<1x16384xf32>
    %reduce_sum3A = vector.shape_cast %convert_element_type3A_17 : vector<1x16384xf32> to vector<1x1x16384xf32>
    %reduce_sum3A_18 = arith.constant dense<0.000000e+00> : vector<1xf32>
    %reduce_sum3A_19 = vector.multi_reduction <add>, %reduce_sum3A, %reduce_sum3A_18 [1, 2] : vector<1x1x16384xf32> to vector<1xf32>
    %reduce_sum3A_20 = vector.shape_cast %reduce_sum3A_19 : vector<1xf32> to vector<1x1x1xf32>
    %reduce_sum3A_21 = vector.extract %reduce_sum3A_20[0, 0, 0] : f32 from vector<1x1x1xf32>
    %eq3A_22 = arith.constant 0 : i32
    %eq3A_23 = vector.broadcast %eq3A_22 : i32 to vector<1x16384xi32>
    %eq3A_24 = arith.cmpi eq, %get3A_10, %eq3A_23 : vector<1x16384xi32>
    %gt3A = arith.constant 0.000000e+00 : f32
    %gt3A_25 = arith.cmpf ogt, %reduce_sum3A_21, %gt3A : f32
    %and3A = vector.broadcast %gt3A_25 : i1 to vector<1x16384xi1>
    %and3A_26 = arith.andi %eq3A_24, %and3A : vector<1x16384xi1>
    %or3A = arith.ori %broadcast_in_dim3A_14, %and3A_26 : vector<1x16384xi1>
    %eq3A_27 = arith.constant 1 : i32
    %eq3A_28 = vector.broadcast %eq3A_27 : i32 to vector<1x16384xi32>
    %eq3A_29 = arith.cmpi eq, %get3A_13, %eq3A_28 : vector<1x16384xi32>
    %convert_element_type3A_30 = arith.extui %eq3A_29 : vector<1x16384xi1> to vector<1x16384xi32>
    %convert_element_type3A_31 = arith.sitofp %convert_element_type3A_30 : vector<1x16384xi32> to vector<1x16384xf32>
    %reduce_sum3A_32 = vector.shape_cast %convert_element_type3A_31 : vector<1x16384xf32> to vector<1x1x16384xf32>
    %reduce_sum3A_33 = arith.constant dense<0.000000e+00> : vector<1xf32>
    %reduce_sum3A_34 = vector.multi_reduction <add>, %reduce_sum3A_32, %reduce_sum3A_33 [1, 2] : vector<1x1x16384xf32> to vector<1xf32>
    %reduce_sum3A_35 = vector.shape_cast %reduce_sum3A_34 : vector<1xf32> to vector<1x1x1xf32>
    %reduce_sum3A_36 = vector.extract %reduce_sum3A_35[0, 0, 0] : f32 from vector<1x1x1xf32>
    %eq3A_37 = arith.constant 1 : i32
    %eq3A_38 = vector.broadcast %eq3A_37 : i32 to vector<1x16384xi32>
    %eq3A_39 = arith.cmpi eq, %get3A_10, %eq3A_38 : vector<1x16384xi32>
    %gt3A_40 = arith.constant 0.000000e+00 : f32
    %gt3A_41 = arith.cmpf ogt, %reduce_sum3A_36, %gt3A_40 : f32
    %and3A_42 = vector.broadcast %gt3A_41 : i1 to vector<1x16384xi1>
    %and3A_43 = arith.andi %eq3A_39, %and3A_42 : vector<1x16384xi1>
    %or3A_44 = arith.ori %or3A, %and3A_43 : vector<1x16384xi1>
    %eq3A_45 = arith.constant 2 : i32
    %eq3A_46 = vector.broadcast %eq3A_45 : i32 to vector<1x16384xi32>
    %eq3A_47 = arith.cmpi eq, %get3A_13, %eq3A_46 : vector<1x16384xi32>
    %convert_element_type3A_48 = arith.extui %eq3A_47 : vector<1x16384xi1> to vector<1x16384xi32>
    %convert_element_type3A_49 = arith.sitofp %convert_element_type3A_48 : vector<1x16384xi32> to vector<1x16384xf32>
    %reduce_sum3A_50 = vector.shape_cast %convert_element_type3A_49 : vector<1x16384xf32> to vector<1x1x16384xf32>
    %reduce_sum3A_51 = arith.constant dense<0.000000e+00> : vector<1xf32>
    %reduce_sum3A_52 = vector.multi_reduction <add>, %reduce_sum3A_50, %reduce_sum3A_51 [1, 2] : vector<1x1x16384xf32> to vector<1xf32>
    %reduce_sum3A_53 = vector.shape_cast %reduce_sum3A_52 : vector<1xf32> to vector<1x1x1xf32>
    %reduce_sum3A_54 = vector.extract %reduce_sum3A_53[0, 0, 0] : f32 from vector<1x1x1xf32>
    %eq3A_55 = arith.constant 2 : i32
    %eq3A_56 = vector.broadcast %eq3A_55 : i32 to vector<1x16384xi32>
    %eq3A_57 = arith.cmpi eq, %get3A_10, %eq3A_56 : vector<1x16384xi32>
    %gt3A_58 = arith.constant 0.000000e+00 : f32
    %gt3A_59 = arith.cmpf ogt, %reduce_sum3A_54, %gt3A_58 : f32
    %and3A_60 = vector.broadcast %gt3A_59 : i1 to vector<1x16384xi1>
    %and3A_61 = arith.andi %eq3A_57, %and3A_60 : vector<1x16384xi1>
    %or3A_62 = arith.ori %or3A_44, %and3A_61 : vector<1x16384xi1>
    %eq3A_63 = arith.constant 3 : i32
    %eq3A_64 = vector.broadcast %eq3A_63 : i32 to vector<1x16384xi32>
    %eq3A_65 = arith.cmpi eq, %get3A_13, %eq3A_64 : vector<1x16384xi32>
    %convert_element_type3A_66 = arith.extui %eq3A_65 : vector<1x16384xi1> to vector<1x16384xi32>
    %convert_element_type3A_67 = arith.sitofp %convert_element_type3A_66 : vector<1x16384xi32> to vector<1x16384xf32>
    %reduce_sum3A_68 = vector.shape_cast %convert_element_type3A_67 : vector<1x16384xf32> to vector<1x1x16384xf32>
    %reduce_sum3A_69 = arith.constant dense<0.000000e+00> : vector<1xf32>
    %reduce_sum3A_70 = vector.multi_reduction <add>, %reduce_sum3A_68, %reduce_sum3A_69 [1, 2] : vector<1x1x16384xf32> to vector<1xf32>
    %reduce_sum3A_71 = vector.shape_cast %reduce_sum3A_70 : vector<1xf32> to vector<1x1x1xf32>
    %reduce_sum3A_72 = vector.extract %reduce_sum3A_71[0, 0, 0] : f32 from vector<1x1x1xf32>
    %eq3A_73 = arith.constant 3 : i32
    %eq3A_74 = vector.broadcast %eq3A_73 : i32 to vector<1x16384xi32>
    %eq3A_75 = arith.cmpi eq, %get3A_10, %eq3A_74 : vector<1x16384xi32>
    %gt3A_76 = arith.constant 0.000000e+00 : f32
    %gt3A_77 = arith.cmpf ogt, %reduce_sum3A_72, %gt3A_76 : f32
    %and3A_78 = vector.broadcast %gt3A_77 : i1 to vector<1x16384xi1>
    %and3A_79 = arith.andi %eq3A_75, %and3A_78 : vector<1x16384xi1>
    %or3A_80 = arith.ori %or3A_62, %and3A_79 : vector<1x16384xi1>
    %eq3A_81 = arith.constant 4 : i32
    %eq3A_82 = vector.broadcast %eq3A_81 : i32 to vector<1x16384xi32>
    %eq3A_83 = arith.cmpi eq, %get3A_13, %eq3A_82 : vector<1x16384xi32>
    %convert_element_type3A_84 = arith.extui %eq3A_83 : vector<1x16384xi1> to vector<1x16384xi32>
    %convert_element_type3A_85 = arith.sitofp %convert_element_type3A_84 : vector<1x16384xi32> to vector<1x16384xf32>
    %reduce_sum3A_86 = vector.shape_cast %convert_element_type3A_85 : vector<1x16384xf32> to vector<1x1x16384xf32>
    %reduce_sum3A_87 = arith.constant dense<0.000000e+00> : vector<1xf32>
    %reduce_sum3A_88 = vector.multi_reduction <add>, %reduce_sum3A_86, %reduce_sum3A_87 [1, 2] : vector<1x1x16384xf32> to vector<1xf32>
    %reduce_sum3A_89 = vector.shape_cast %reduce_sum3A_88 : vector<1xf32> to vector<1x1x1xf32>
    %reduce_sum3A_90 = vector.extract %reduce_sum3A_89[0, 0, 0] : f32 from vector<1x1x1xf32>
    %eq3A_91 = arith.constant 4 : i32
    %eq3A_92 = vector.broadcast %eq3A_91 : i32 to vector<1x16384xi32>
    %eq3A_93 = arith.cmpi eq, %get3A_10, %eq3A_92 : vector<1x16384xi32>
    %gt3A_94 = arith.constant 0.000000e+00 : f32
    %gt3A_95 = arith.cmpf ogt, %reduce_sum3A_90, %gt3A_94 : f32
    %and3A_96 = vector.broadcast %gt3A_95 : i1 to vector<1x16384xi1>
    %and3A_97 = arith.andi %eq3A_93, %and3A_96 : vector<1x16384xi1>
    %or3A_98 = arith.ori %or3A_80, %and3A_97 : vector<1x16384xi1>
    %eq3A_99 = arith.constant 5 : i32
    %eq3A_100 = vector.broadcast %eq3A_99 : i32 to vector<1x16384xi32>
    %eq3A_101 = arith.cmpi eq, %get3A_13, %eq3A_100 : vector<1x16384xi32>
    %convert_element_type3A_102 = arith.extui %eq3A_101 : vector<1x16384xi1> to vector<1x16384xi32>
    %convert_element_type3A_103 = arith.sitofp %convert_element_type3A_102 : vector<1x16384xi32> to vector<1x16384xf32>
    %reduce_sum3A_104 = vector.shape_cast %convert_element_type3A_103 : vector<1x16384xf32> to vector<1x1x16384xf32>
    %reduce_sum3A_105 = arith.constant dense<0.000000e+00> : vector<1xf32>
    %reduce_sum3A_106 = vector.multi_reduction <add>, %reduce_sum3A_104, %reduce_sum3A_105 [1, 2] : vector<1x1x16384xf32> to vector<1xf32>
    %reduce_sum3A_107 = vector.shape_cast %reduce_sum3A_106 : vector<1xf32> to vector<1x1x1xf32>
    %reduce_sum3A_108 = vector.extract %reduce_sum3A_107[0, 0, 0] : f32 from vector<1x1x1xf32>
    %eq3A_109 = arith.constant 5 : i32
    %eq3A_110 = vector.broadcast %eq3A_109 : i32 to vector<1x16384xi32>
    %eq3A_111 = arith.cmpi eq, %get3A_10, %eq3A_110 : vector<1x16384xi32>
    %gt3A_112 = arith.constant 0.000000e+00 : f32
    %gt3A_113 = arith.cmpf ogt, %reduce_sum3A_108, %gt3A_112 : f32
    %and3A_114 = vector.broadcast %gt3A_113 : i1 to vector<1x16384xi1>
    %and3A_115 = arith.andi %eq3A_111, %and3A_114 : vector<1x16384xi1>
    %or3A_116 = arith.ori %or3A_98, %and3A_115 : vector<1x16384xi1>
    %eq3A_117 = arith.constant 6 : i32
    %eq3A_118 = vector.broadcast %eq3A_117 : i32 to vector<1x16384xi32>
    %eq3A_119 = arith.cmpi eq, %get3A_13, %eq3A_118 : vector<1x16384xi32>
    %convert_element_type3A_120 = arith.extui %eq3A_119 : vector<1x16384xi1> to vector<1x16384xi32>
    %convert_element_type3A_121 = arith.sitofp %convert_element_type3A_120 : vector<1x16384xi32> to vector<1x16384xf32>
    %reduce_sum3A_122 = vector.shape_cast %convert_element_type3A_121 : vector<1x16384xf32> to vector<1x1x16384xf32>
    %reduce_sum3A_123 = arith.constant dense<0.000000e+00> : vector<1xf32>
    %reduce_sum3A_124 = vector.multi_reduction <add>, %reduce_sum3A_122, %reduce_sum3A_123 [1, 2] : vector<1x1x16384xf32> to vector<1xf32>
    %reduce_sum3A_125 = vector.shape_cast %reduce_sum3A_124 : vector<1xf32> to vector<1x1x1xf32>
    %reduce_sum3A_126 = vector.extract %reduce_sum3A_125[0, 0, 0] : f32 from vector<1x1x1xf32>
    %eq3A_127 = arith.constant 6 : i32
    %eq3A_128 = vector.broadcast %eq3A_127 : i32 to vector<1x16384xi32>
    %eq3A_129 = arith.cmpi eq, %get3A_10, %eq3A_128 : vector<1x16384xi32>
    %gt3A_130 = arith.constant 0.000000e+00 : f32
    %gt3A_131 = arith.cmpf ogt, %reduce_sum3A_126, %gt3A_130 : f32
    %and3A_132 = vector.broadcast %gt3A_131 : i1 to vector<1x16384xi1>
    %and3A_133 = arith.andi %eq3A_129, %and3A_132 : vector<1x16384xi1>
    %or3A_134 = arith.ori %or3A_116, %and3A_133 : vector<1x16384xi1>
    %eq3A_135 = arith.constant 7 : i32
    %eq3A_136 = vector.broadcast %eq3A_135 : i32 to vector<1x16384xi32>
    %eq3A_137 = arith.cmpi eq, %get3A_13, %eq3A_136 : vector<1x16384xi32>
    %convert_element_type3A_138 = arith.extui %eq3A_137 : vector<1x16384xi1> to vector<1x16384xi32>
    %convert_element_type3A_139 = arith.sitofp %convert_element_type3A_138 : vector<1x16384xi32> to vector<1x16384xf32>
    %reduce_sum3A_140 = vector.shape_cast %convert_element_type3A_139 : vector<1x16384xf32> to vector<1x1x16384xf32>
    %reduce_sum3A_141 = arith.constant dense<0.000000e+00> : vector<1xf32>
    %reduce_sum3A_142 = vector.multi_reduction <add>, %reduce_sum3A_140, %reduce_sum3A_141 [1, 2] : vector<1x1x16384xf32> to vector<1xf32>
    %reduce_sum3A_143 = vector.shape_cast %reduce_sum3A_142 : vector<1xf32> to vector<1x1x1xf32>
    %reduce_sum3A_144 = vector.extract %reduce_sum3A_143[0, 0, 0] : f32 from vector<1x1x1xf32>
    %eq3A_145 = arith.constant 7 : i32
    %eq3A_146 = vector.broadcast %eq3A_145 : i32 to vector<1x16384xi32>
    %eq3A_147 = arith.cmpi eq, %get3A_10, %eq3A_146 : vector<1x16384xi32>
    %gt3A_148 = arith.constant 0.000000e+00 : f32
    %gt3A_149 = arith.cmpf ogt, %reduce_sum3A_144, %gt3A_148 : f32
    %and3A_150 = vector.broadcast %gt3A_149 : i1 to vector<1x16384xi1>
    %and3A_151 = arith.andi %eq3A_147, %and3A_150 : vector<1x16384xi1>
    %or3A_152 = arith.ori %or3A_134, %and3A_151 : vector<1x16384xi1>
    %neg3A = arith.constant 0.000000e+00 : f32
    %neg3A_153 = vector.broadcast %neg3A : f32 to vector<1x16384xf32>
    %neg3A_154 = arith.subf %neg3A_153, %min3A_4 : vector<1x16384xf32>
    %exp3A = math.exp %neg3A_154 : vector<1x16384xf32>
    %mul3A = arith.constant 5.000000e-01 : f32
    %mul3A_155 = vector.broadcast %mul3A : f32 to vector<1x16384xf32>
    %mul3A_156 = arith.mulf %mul3A_155, %exp3A : vector<1x16384xf32>
    %mul3A_157 = arith.mulf %mul3A_156, %get3A_7 : vector<1x16384xf32>
    %mul3A_158 = arith.constant 5.000000e-01 : f32
    %mul3A_159 = vector.broadcast %mul3A_158 : f32 to vector<1x16384xf32>
    %mul3A_160 = arith.mulf %mul3A_159, %min3A_4 : vector<1x16384xf32>
    %add3A = arith.addf %mul3A_157, %mul3A_160 : vector<1x16384xf32>
    %add3A_161 = arith.addf %add3A, %get3A_7 : vector<1x16384xf32>
    %jit3A_162 = arith.constant 0.000000e+00 : f32
    %broadcast_in_dim3A_163 = vector.broadcast %jit3A_162 : f32 to vector<1x16384xf32>
    %select_n3A = arith.select %or3A_152, %add3A_161, %broadcast_in_dim3A_163 : vector<1x16384xi1>, vector<1x16384xf32>
    %reduce_sum3A_164 = vector.shape_cast %select_n3A : vector<1x16384xf32> to vector<1x1x16384xf32>
    %reduce_sum3A_165 = arith.constant dense<0.000000e+00> : vector<1xf32>
    %reduce_sum3A_166 = vector.multi_reduction <add>, %reduce_sum3A_164, %reduce_sum3A_165 [1, 2] : vector<1x1x16384xf32> to vector<1xf32>
    %reduce_sum3A_167 = vector.shape_cast %reduce_sum3A_166 : vector<1xf32> to vector<1x1x1xf32>
    %reduce_sum3A_168 = vector.extract %reduce_sum3A_167[0, 0, 0] : f32 from vector<1x1x1xf32>
    %convert_element_type3A_169 = arith.extui %or3A_152 : vector<1x16384xi1> to vector<1x16384xi32>
    %convert_element_type3A_170 = arith.sitofp %convert_element_type3A_169 : vector<1x16384xi32> to vector<1x16384xf32>
    %reduce_sum3A_171 = vector.shape_cast %convert_element_type3A_170 : vector<1x16384xf32> to vector<1x1x16384xf32>
    %reduce_sum3A_172 = arith.constant dense<0.000000e+00> : vector<1xf32>
    %reduce_sum3A_173 = vector.multi_reduction <add>, %reduce_sum3A_171, %reduce_sum3A_172 [1, 2] : vector<1x1x16384xf32> to vector<1xf32>
    %reduce_sum3A_174 = vector.shape_cast %reduce_sum3A_173 : vector<1xf32> to vector<1x1x1xf32>
    %reduce_sum3A_175 = vector.extract %reduce_sum3A_174[0, 0, 0] : f32 from vector<1x1x1xf32>
    %gt3A_176 = arith.constant 0.000000e+00 : f32
    %gt3A_177 = arith.cmpf ogt, %reduce_sum3A_175, %gt3A_176 : f32
    %max3A_178 = arith.constant 1.000000e+00 : f32
    %max3A_179 = arith.maximumf %reduce_sum3A_175, %max3A_178 : f32
    %div3A = arith.divf %reduce_sum3A_168, %max3A_179 : f32
    %jit3A_180 = arith.constant 0.000000e+00 : f32
    %select_n3A_181 = arith.select %gt3A_177, %div3A, %jit3A_180 : f32
    %mul3A_182 = arith.constant 1.000000e+00 : f32
    %mul3A_183 = arith.mulf %select_n3A_181, %mul3A_182 : f32
    %add3A_184 = arith.constant 0.000000e+00 : f32
    %add3A_185 = arith.addf %add3A_184, %mul3A_183 : f32
    %get3A_186 = arith.constant 0 : index
    %get3A_187 = arith.constant 0 : index
    %get3A_188 = vector.load %arg12[%get3A_186, %get3A_187] : memref<1x8192xi32, #tpu.memory_space<vmem>>, vector<1x8192xi32>
    %get3A_189 = arith.constant 0 : index
    %get3A_190 = arith.constant 0 : index
    %get3A_191 = vector.load %arg5[%get3A_189, %get3A_190] : memref<1x8192xf32, #tpu.memory_space<vmem>>, vector<1x8192xf32>
    %jit3A_192 = arith.constant -7.82404613 : f32
    %jit3A_193 = arith.constant -1.02165127 : f32
    %max3A_194 = vector.broadcast %jit3A_192 : f32 to vector<1x8192xf32>
    %max3A_195 = arith.maximumf %max3A_194, %get3A_191 : vector<1x8192xf32>
    %min3A_196 = vector.broadcast %jit3A_193 : f32 to vector<1x8192xf32>
    %min3A_197 = arith.minimumf %min3A_196, %max3A_195 : vector<1x8192xf32>
    %get3A_198 = arith.constant 0 : index
    %get3A_199 = arith.constant 0 : index
    %get3A_200 = vector.load %arg7[%get3A_198, %get3A_199] : memref<1x8192xi32, #tpu.memory_space<vmem>>, vector<1x8192xi32>
    %broadcast_in_dim3A_201 = arith.constant false
    %broadcast_in_dim3A_202 = vector.broadcast %broadcast_in_dim3A_201 : i1 to vector<1x8192xi1>
    %eq3A_203 = arith.constant 0 : i32
    %eq3A_204 = vector.broadcast %eq3A_203 : i32 to vector<1x8192xi32>
    %eq3A_205 = arith.cmpi eq, %get3A_188, %eq3A_204 : vector<1x8192xi32>
    %convert_element_type3A_206 = arith.extui %eq3A_205 : vector<1x8192xi1> to vector<1x8192xi32>
    %convert_element_type3A_207 = arith.sitofp %convert_element_type3A_206 : vector<1x8192xi32> to vector<1x8192xf32>
    %reduce_sum3A_208 = vector.shape_cast %convert_element_type3A_207 : vector<1x8192xf32> to vector<1x1x8192xf32>
    %reduce_sum3A_209 = arith.constant dense<0.000000e+00> : vector<1xf32>
    %reduce_sum3A_210 = vector.multi_reduction <add>, %reduce_sum3A_208, %reduce_sum3A_209 [1, 2] : vector<1x1x8192xf32> to vector<1xf32>
    %reduce_sum3A_211 = vector.shape_cast %reduce_sum3A_210 : vector<1xf32> to vector<1x1x1xf32>
    %reduce_sum3A_212 = vector.extract %reduce_sum3A_211[0, 0, 0] : f32 from vector<1x1x1xf32>
    %eq3A_213 = arith.constant 0 : i32
    %eq3A_214 = vector.broadcast %eq3A_213 : i32 to vector<1x8192xi32>
    %eq3A_215 = arith.cmpi eq, %get3A_200, %eq3A_214 : vector<1x8192xi32>
    %gt3A_216 = arith.constant 0.000000e+00 : f32
    %gt3A_217 = arith.cmpf ogt, %reduce_sum3A_212, %gt3A_216 : f32
    %and3A_218 = vector.broadcast %gt3A_217 : i1 to vector<1x8192xi1>
    %and3A_219 = arith.andi %eq3A_215, %and3A_218 : vector<1x8192xi1>
    %or3A_220 = arith.ori %broadcast_in_dim3A_202, %and3A_219 : vector<1x8192xi1>
    %eq3A_221 = arith.constant 1 : i32
    %eq3A_222 = vector.broadcast %eq3A_221 : i32 to vector<1x8192xi32>
    %eq3A_223 = arith.cmpi eq, %get3A_188, %eq3A_222 : vector<1x8192xi32>
    %convert_element_type3A_224 = arith.extui %eq3A_223 : vector<1x8192xi1> to vector<1x8192xi32>
    %convert_element_type3A_225 = arith.sitofp %convert_element_type3A_224 : vector<1x8192xi32> to vector<1x8192xf32>
    %reduce_sum3A_226 = vector.shape_cast %convert_element_type3A_225 : vector<1x8192xf32> to vector<1x1x8192xf32>
    %reduce_sum3A_227 = arith.constant dense<0.000000e+00> : vector<1xf32>
    %reduce_sum3A_228 = vector.multi_reduction <add>, %reduce_sum3A_226, %reduce_sum3A_227 [1, 2] : vector<1x1x8192xf32> to vector<1xf32>
    %reduce_sum3A_229 = vector.shape_cast %reduce_sum3A_228 : vector<1xf32> to vector<1x1x1xf32>
    %reduce_sum3A_230 = vector.extract %reduce_sum3A_229[0, 0, 0] : f32 from vector<1x1x1xf32>
    %eq3A_231 = arith.constant 1 : i32
    %eq3A_232 = vector.broadcast %eq3A_231 : i32 to vector<1x8192xi32>
    %eq3A_233 = arith.cmpi eq, %get3A_200, %eq3A_232 : vector<1x8192xi32>
    %gt3A_234 = arith.constant 0.000000e+00 : f32
    %gt3A_235 = arith.cmpf ogt, %reduce_sum3A_230, %gt3A_234 : f32
    %and3A_236 = vector.broadcast %gt3A_235 : i1 to vector<1x8192xi1>
    %and3A_237 = arith.andi %eq3A_233, %and3A_236 : vector<1x8192xi1>
    %or3A_238 = arith.ori %or3A_220, %and3A_237 : vector<1x8192xi1>
    %eq3A_239 = arith.constant 2 : i32
    %eq3A_240 = vector.broadcast %eq3A_239 : i32 to vector<1x8192xi32>
    %eq3A_241 = arith.cmpi eq, %get3A_188, %eq3A_240 : vector<1x8192xi32>
    %convert_element_type3A_242 = arith.extui %eq3A_241 : vector<1x8192xi1> to vector<1x8192xi32>
    %convert_element_type3A_243 = arith.sitofp %convert_element_type3A_242 : vector<1x8192xi32> to vector<1x8192xf32>
    %reduce_sum3A_244 = vector.shape_cast %convert_element_type3A_243 : vector<1x8192xf32> to vector<1x1x8192xf32>
    %reduce_sum3A_245 = arith.constant dense<0.000000e+00> : vector<1xf32>
    %reduce_sum3A_246 = vector.multi_reduction <add>, %reduce_sum3A_244, %reduce_sum3A_245 [1, 2] : vector<1x1x8192xf32> to vector<1xf32>
    %reduce_sum3A_247 = vector.shape_cast %reduce_sum3A_246 : vector<1xf32> to vector<1x1x1xf32>
    %reduce_sum3A_248 = vector.extract %reduce_sum3A_247[0, 0, 0] : f32 from vector<1x1x1xf32>
    %eq3A_249 = arith.constant 2 : i32
    %eq3A_250 = vector.broadcast %eq3A_249 : i32 to vector<1x8192xi32>
    %eq3A_251 = arith.cmpi eq, %get3A_200, %eq3A_250 : vector<1x8192xi32>
    %gt3A_252 = arith.constant 0.000000e+00 : f32
    %gt3A_253 = arith.cmpf ogt, %reduce_sum3A_248, %gt3A_252 : f32
    %and3A_254 = vector.broadcast %gt3A_253 : i1 to vector<1x8192xi1>
    %and3A_255 = arith.andi %eq3A_251, %and3A_254 : vector<1x8192xi1>
    %or3A_256 = arith.ori %or3A_238, %and3A_255 : vector<1x8192xi1>
    %eq3A_257 = arith.constant 3 : i32
    %eq3A_258 = vector.broadcast %eq3A_257 : i32 to vector<1x8192xi32>
    %eq3A_259 = arith.cmpi eq, %get3A_188, %eq3A_258 : vector<1x8192xi32>
    %convert_element_type3A_260 = arith.extui %eq3A_259 : vector<1x8192xi1> to vector<1x8192xi32>
    %convert_element_type3A_261 = arith.sitofp %convert_element_type3A_260 : vector<1x8192xi32> to vector<1x8192xf32>
    %reduce_sum3A_262 = vector.shape_cast %convert_element_type3A_261 : vector<1x8192xf32> to vector<1x1x8192xf32>
    %reduce_sum3A_263 = arith.constant dense<0.000000e+00> : vector<1xf32>
    %reduce_sum3A_264 = vector.multi_reduction <add>, %reduce_sum3A_262, %reduce_sum3A_263 [1, 2] : vector<1x1x8192xf32> to vector<1xf32>
    %reduce_sum3A_265 = vector.shape_cast %reduce_sum3A_264 : vector<1xf32> to vector<1x1x1xf32>
    %reduce_sum3A_266 = vector.extract %reduce_sum3A_265[0, 0, 0] : f32 from vector<1x1x1xf32>
    %eq3A_267 = arith.constant 3 : i32
    %eq3A_268 = vector.broadcast %eq3A_267 : i32 to vector<1x8192xi32>
    %eq3A_269 = arith.cmpi eq, %get3A_200, %eq3A_268 : vector<1x8192xi32>
    %gt3A_270 = arith.constant 0.000000e+00 : f32
    %gt3A_271 = arith.cmpf ogt, %reduce_sum3A_266, %gt3A_270 : f32
    %and3A_272 = vector.broadcast %gt3A_271 : i1 to vector<1x8192xi1>
    %and3A_273 = arith.andi %eq3A_269, %and3A_272 : vector<1x8192xi1>
    %or3A_274 = arith.ori %or3A_256, %and3A_273 : vector<1x8192xi1>
    %eq3A_275 = arith.constant 4 : i32
    %eq3A_276 = vector.broadcast %eq3A_275 : i32 to vector<1x8192xi32>
    %eq3A_277 = arith.cmpi eq, %get3A_188, %eq3A_276 : vector<1x8192xi32>
    %convert_element_type3A_278 = arith.extui %eq3A_277 : vector<1x8192xi1> to vector<1x8192xi32>
    %convert_element_type3A_279 = arith.sitofp %convert_element_type3A_278 : vector<1x8192xi32> to vector<1x8192xf32>
    %reduce_sum3A_280 = vector.shape_cast %convert_element_type3A_279 : vector<1x8192xf32> to vector<1x1x8192xf32>
    %reduce_sum3A_281 = arith.constant dense<0.000000e+00> : vector<1xf32>
    %reduce_sum3A_282 = vector.multi_reduction <add>, %reduce_sum3A_280, %reduce_sum3A_281 [1, 2] : vector<1x1x8192xf32> to vector<1xf32>
    %reduce_sum3A_283 = vector.shape_cast %reduce_sum3A_282 : vector<1xf32> to vector<1x1x1xf32>
    %reduce_sum3A_284 = vector.extract %reduce_sum3A_283[0, 0, 0] : f32 from vector<1x1x1xf32>
    %eq3A_285 = arith.constant 4 : i32
    %eq3A_286 = vector.broadcast %eq3A_285 : i32 to vector<1x8192xi32>
    %eq3A_287 = arith.cmpi eq, %get3A_200, %eq3A_286 : vector<1x8192xi32>
    %gt3A_288 = arith.constant 0.000000e+00 : f32
    %gt3A_289 = arith.cmpf ogt, %reduce_sum3A_284, %gt3A_288 : f32
    %and3A_290 = vector.broadcast %gt3A_289 : i1 to vector<1x8192xi1>
    %and3A_291 = arith.andi %eq3A_287, %and3A_290 : vector<1x8192xi1>
    %or3A_292 = arith.ori %or3A_274, %and3A_291 : vector<1x8192xi1>
    %eq3A_293 = arith.constant 5 : i32
    %eq3A_294 = vector.broadcast %eq3A_293 : i32 to vector<1x8192xi32>
    %eq3A_295 = arith.cmpi eq, %get3A_188, %eq3A_294 : vector<1x8192xi32>
    %convert_element_type3A_296 = arith.extui %eq3A_295 : vector<1x8192xi1> to vector<1x8192xi32>
    %convert_element_type3A_297 = arith.sitofp %convert_element_type3A_296 : vector<1x8192xi32> to vector<1x8192xf32>
    %reduce_sum3A_298 = vector.shape_cast %convert_element_type3A_297 : vector<1x8192xf32> to vector<1x1x8192xf32>
    %reduce_sum3A_299 = arith.constant dense<0.000000e+00> : vector<1xf32>
    %reduce_sum3A_300 = vector.multi_reduction <add>, %reduce_sum3A_298, %reduce_sum3A_299 [1, 2] : vector<1x1x8192xf32> to vector<1xf32>
    %reduce_sum3A_301 = vector.shape_cast %reduce_sum3A_300 : vector<1xf32> to vector<1x1x1xf32>
    %reduce_sum3A_302 = vector.extract %reduce_sum3A_301[0, 0, 0] : f32 from vector<1x1x1xf32>
    %eq3A_303 = arith.constant 5 : i32
    %eq3A_304 = vector.broadcast %eq3A_303 : i32 to vector<1x8192xi32>
    %eq3A_305 = arith.cmpi eq, %get3A_200, %eq3A_304 : vector<1x8192xi32>
    %gt3A_306 = arith.constant 0.000000e+00 : f32
    %gt3A_307 = arith.cmpf ogt, %reduce_sum3A_302, %gt3A_306 : f32
    %and3A_308 = vector.broadcast %gt3A_307 : i1 to vector<1x8192xi1>
    %and3A_309 = arith.andi %eq3A_305, %and3A_308 : vector<1x8192xi1>
    %or3A_310 = arith.ori %or3A_292, %and3A_309 : vector<1x8192xi1>
    %eq3A_311 = arith.constant 6 : i32
    %eq3A_312 = vector.broadcast %eq3A_311 : i32 to vector<1x8192xi32>
    %eq3A_313 = arith.cmpi eq, %get3A_188, %eq3A_312 : vector<1x8192xi32>
    %convert_element_type3A_314 = arith.extui %eq3A_313 : vector<1x8192xi1> to vector<1x8192xi32>
    %convert_element_type3A_315 = arith.sitofp %convert_element_type3A_314 : vector<1x8192xi32> to vector<1x8192xf32>
    %reduce_sum3A_316 = vector.shape_cast %convert_element_type3A_315 : vector<1x8192xf32> to vector<1x1x8192xf32>
    %reduce_sum3A_317 = arith.constant dense<0.000000e+00> : vector<1xf32>
    %reduce_sum3A_318 = vector.multi_reduction <add>, %reduce_sum3A_316, %reduce_sum3A_317 [1, 2] : vector<1x1x8192xf32> to vector<1xf32>
    %reduce_sum3A_319 = vector.shape_cast %reduce_sum3A_318 : vector<1xf32> to vector<1x1x1xf32>
    %reduce_sum3A_320 = vector.extract %reduce_sum3A_319[0, 0, 0] : f32 from vector<1x1x1xf32>
    %eq3A_321 = arith.constant 6 : i32
    %eq3A_322 = vector.broadcast %eq3A_321 : i32 to vector<1x8192xi32>
    %eq3A_323 = arith.cmpi eq, %get3A_200, %eq3A_322 : vector<1x8192xi32>
    %gt3A_324 = arith.constant 0.000000e+00 : f32
    %gt3A_325 = arith.cmpf ogt, %reduce_sum3A_320, %gt3A_324 : f32
    %and3A_326 = vector.broadcast %gt3A_325 : i1 to vector<1x8192xi1>
    %and3A_327 = arith.andi %eq3A_323, %and3A_326 : vector<1x8192xi1>
    %or3A_328 = arith.ori %or3A_310, %and3A_327 : vector<1x8192xi1>
    %eq3A_329 = arith.constant 7 : i32
    %eq3A_330 = vector.broadcast %eq3A_329 : i32 to vector<1x8192xi32>
    %eq3A_331 = arith.cmpi eq, %get3A_188, %eq3A_330 : vector<1x8192xi32>
    %convert_element_type3A_332 = arith.extui %eq3A_331 : vector<1x8192xi1> to vector<1x8192xi32>
    %convert_element_type3A_333 = arith.sitofp %convert_element_type3A_332 : vector<1x8192xi32> to vector<1x8192xf32>
    %reduce_sum3A_334 = vector.shape_cast %convert_element_type3A_333 : vector<1x8192xf32> to vector<1x1x8192xf32>
    %reduce_sum3A_335 = arith.constant dense<0.000000e+00> : vector<1xf32>
    %reduce_sum3A_336 = vector.multi_reduction <add>, %reduce_sum3A_334, %reduce_sum3A_335 [1, 2] : vector<1x1x8192xf32> to vector<1xf32>
    %reduce_sum3A_337 = vector.shape_cast %reduce_sum3A_336 : vector<1xf32> to vector<1x1x1xf32>
    %reduce_sum3A_338 = vector.extract %reduce_sum3A_337[0, 0, 0] : f32 from vector<1x1x1xf32>
    %eq3A_339 = arith.constant 7 : i32
    %eq3A_340 = vector.broadcast %eq3A_339 : i32 to vector<1x8192xi32>
    %eq3A_341 = arith.cmpi eq, %get3A_200, %eq3A_340 : vector<1x8192xi32>
    %gt3A_342 = arith.constant 0.000000e+00 : f32
    %gt3A_343 = arith.cmpf ogt, %reduce_sum3A_338, %gt3A_342 : f32
    %and3A_344 = vector.broadcast %gt3A_343 : i1 to vector<1x8192xi1>
    %and3A_345 = arith.andi %eq3A_341, %and3A_344 : vector<1x8192xi1>
    %or3A_346 = arith.ori %or3A_328, %and3A_345 : vector<1x8192xi1>
    %get3A_347 = arith.constant 0 : index
    %get3A_348 = arith.constant 0 : index
    %get3A_349 = vector.load %arg4[%get3A_347, %get3A_348] : memref<1x8192xf32, #tpu.memory_space<vmem>>, vector<1x8192xf32>
    %jit3A_350 = arith.constant 0.000000e+00 : f32
    %broadcast_in_dim3A_351 = vector.broadcast %jit3A_350 : f32 to vector<1x8192xf32>
    %select_n3A_352 = arith.select %or3A_346, %get3A_349, %broadcast_in_dim3A_351 : vector<1x8192xi1>, vector<1x8192xf32>
    %get3A_353 = arith.constant 0 : index
    %get3A_354 = arith.constant 0 : index
    %get3A_355 = arith.constant 0 : index
    %get3A_356 = vector.load %arg6[%get3A_353, %get3A_354, %get3A_355] : memref<32x2x8192xf32, #tpu.memory_space<vmem>>, vector<32x2x8192xf32>
    %reduce_sum3A_357 = arith.constant dense<0.000000e+00> : vector<2x8192xf32>
    %reduce_sum3A_358 = vector.multi_reduction <add>, %get3A_356, %reduce_sum3A_357 [0] : vector<32x2x8192xf32> to vector<2x8192xf32>
    %slice3A = vector.extract_strided_slice %reduce_sum3A_358 {offsets = [0, 0], sizes = [1, 8192], strides = [1, 1]} : vector<2x8192xf32> to vector<1x8192xf32>
    %slice3A_359 = vector.extract_strided_slice %reduce_sum3A_358 {offsets = [1, 0], sizes = [1, 8192], strides = [1, 1]} : vector<2x8192xf32> to vector<1x8192xf32>
    %gt3A_360 = arith.constant 0.000000e+00 : f32
    %gt3A_361 = vector.broadcast %gt3A_360 : f32 to vector<1x8192xf32>
    %gt3A_362 = arith.cmpf ogt, %slice3A_359, %gt3A_361 : vector<1x8192xf32>
    %max3A_363 = arith.constant 1.000000e+00 : f32
    %max3A_364 = vector.broadcast %max3A_363 : f32 to vector<1x8192xf32>
    %max3A_365 = arith.maximumf %slice3A_359, %max3A_364 : vector<1x8192xf32>
    %integer_pow3A = arith.mulf %max3A_365, %max3A_365 : vector<1x8192xf32>
    %div3A_366 = arith.divf %slice3A, %integer_pow3A : vector<1x8192xf32>
    %jit3A_367 = arith.constant 2.000000e+00 : f32
    %broadcast_in_dim3A_368 = vector.broadcast %jit3A_367 : f32 to vector<1x8192xf32>
    %select_n3A_369 = arith.select %gt3A_362, %div3A_366, %broadcast_in_dim3A_368 : vector<1x8192xi1>, vector<1x8192xf32>
    %exp3A_370 = math.exp %min3A_197 : vector<1x8192xf32>
    %mul3A_371 = arith.constant 2.000000e+00 : f32
    %mul3A_372 = vector.broadcast %mul3A_371 : f32 to vector<1x8192xf32>
    %mul3A_373 = arith.mulf %mul3A_372, %exp3A_370 : vector<1x8192xf32>
    %mul3A_374 = arith.constant 0.00999999977 : f32
    %mul3A_375 = vector.broadcast %mul3A_374 : f32 to vector<1x8192xf32>
    %mul3A_376 = arith.mulf %mul3A_373, %mul3A_375 : vector<1x8192xf32>
    %add3A_377 = arith.constant 9.99999971E-10 : f32
    %add3A_378 = vector.broadcast %add3A_377 : f32 to vector<1x8192xf32>
    %add3A_379 = arith.addf %mul3A_376, %add3A_378 : vector<1x8192xf32>
    %div3A_380 = arith.divf %select_n3A_352, %add3A_379 : vector<1x8192xf32>
    %reduce_sum3A_381 = vector.shape_cast %div3A_380 : vector<1x8192xf32> to vector<1x1x8192xf32>
    %reduce_sum3A_382 = arith.constant dense<0.000000e+00> : vector<1xf32>
    %reduce_sum3A_383 = vector.multi_reduction <add>, %reduce_sum3A_381, %reduce_sum3A_382 [1, 2] : vector<1x1x8192xf32> to vector<1xf32>
    %reduce_sum3A_384 = vector.shape_cast %reduce_sum3A_383 : vector<1xf32> to vector<1x1x1xf32>
    %reduce_sum3A_385 = vector.extract %reduce_sum3A_384[0, 0, 0] : f32 from vector<1x1x1xf32>
    %div3A_386 = arith.constant 8.192000e+03 : f32
    %div3A_387 = arith.divf %reduce_sum3A_385, %div3A_386 : f32
    %div3A_388 = arith.divf %select_n3A_369, %add3A_379 : vector<1x8192xf32>
    %reduce_sum3A_389 = vector.shape_cast %div3A_388 : vector<1x8192xf32> to vector<1x1x8192xf32>
    %reduce_sum3A_390 = arith.constant dense<0.000000e+00> : vector<1xf32>
    %reduce_sum3A_391 = vector.multi_reduction <add>, %reduce_sum3A_389, %reduce_sum3A_390 [1, 2] : vector<1x1x8192xf32> to vector<1xf32>
    %reduce_sum3A_392 = vector.shape_cast %reduce_sum3A_391 : vector<1xf32> to vector<1x1x1xf32>
    %reduce_sum3A_393 = vector.extract %reduce_sum3A_392[0, 0, 0] : f32 from vector<1x1x1xf32>
    %div3A_394 = arith.constant 8.192000e+03 : f32
    %div3A_395 = arith.divf %reduce_sum3A_393, %div3A_394 : f32
    %mul3A_396 = arith.constant 5.000000e-01 : f32
    %mul3A_397 = vector.broadcast %mul3A_396 : f32 to vector<1x8192xf32>
    %mul3A_398 = arith.mulf %mul3A_397, %min3A_197 : vector<1x8192xf32>
    %reduce_sum3A_399 = vector.shape_cast %mul3A_398 : vector<1x8192xf32> to vector<1x1x8192xf32>
    %reduce_sum3A_400 = arith.constant dense<0.000000e+00> : vector<1xf32>
    %reduce_sum3A_401 = vector.multi_reduction <add>, %reduce_sum3A_399, %reduce_sum3A_400 [1, 2] : vector<1x1x8192xf32> to vector<1xf32>
    %reduce_sum3A_402 = vector.shape_cast %reduce_sum3A_401 : vector<1xf32> to vector<1x1x1xf32>
    %reduce_sum3A_403 = vector.extract %reduce_sum3A_402[0, 0, 0] : f32 from vector<1x1x1xf32>
    %div3A_404 = arith.constant 8.192000e+03 : f32
    %div3A_405 = arith.divf %reduce_sum3A_403, %div3A_404 : f32
    %mul3A_406 = arith.constant 1.000000e+00 : f32
    %mul3A_407 = arith.mulf %div3A_387, %mul3A_406 : f32
    %mul3A_408 = arith.constant 1.000000e-01 : f32
    %mul3A_409 = arith.mulf %div3A_395, %mul3A_408 : f32
    %add3A_410 = arith.addf %mul3A_407, %mul3A_409 : f32
    %add3A_411 = arith.addf %add3A_410, %div3A_405 : f32
    %mul3A_412 = arith.constant 1.000000e+00 : f32
    %mul3A_413 = arith.mulf %add3A_411, %mul3A_412 : f32
    %add3A_414 = arith.addf %add3A_185, %mul3A_413 : f32
    %get3A_415 = arith.constant 0 : index
    %get3A_416 = arith.constant 0 : index
    %get3A_417 = vector.load %arg9[%get3A_415, %get3A_416] : memref<1x8192xf32, #tpu.memory_space<vmem>>, vector<1x8192xf32>
    %jit3A_418 = arith.constant -7.82404613 : f32
    %jit3A_419 = arith.constant -1.02165127 : f32
    %max3A_420 = vector.broadcast %jit3A_418 : f32 to vector<1x8192xf32>
    %max3A_421 = arith.maximumf %max3A_420, %get3A_417 : vector<1x8192xf32>
    %min3A_422 = vector.broadcast %jit3A_419 : f32 to vector<1x8192xf32>
    %min3A_423 = arith.minimumf %min3A_422, %max3A_421 : vector<1x8192xf32>
    %get3A_424 = arith.constant 0 : index
    %get3A_425 = arith.constant 0 : index
    %get3A_426 = vector.load %arg11[%get3A_424, %get3A_425] : memref<1x8192xi32, #tpu.memory_space<vmem>>, vector<1x8192xi32>
    %broadcast_in_dim3A_427 = arith.constant false
    %broadcast_in_dim3A_428 = vector.broadcast %broadcast_in_dim3A_427 : i1 to vector<1x8192xi1>
    %eq3A_429 = arith.constant 0 : i32
    %eq3A_430 = vector.broadcast %eq3A_429 : i32 to vector<1x8192xi32>
    %eq3A_431 = arith.cmpi eq, %get3A_188, %eq3A_430 : vector<1x8192xi32>
    %convert_element_type3A_432 = arith.extui %eq3A_431 : vector<1x8192xi1> to vector<1x8192xi32>
    %convert_element_type3A_433 = arith.sitofp %convert_element_type3A_432 : vector<1x8192xi32> to vector<1x8192xf32>
    %reduce_sum3A_434 = vector.shape_cast %convert_element_type3A_433 : vector<1x8192xf32> to vector<1x1x8192xf32>
    %reduce_sum3A_435 = arith.constant dense<0.000000e+00> : vector<1xf32>
    %reduce_sum3A_436 = vector.multi_reduction <add>, %reduce_sum3A_434, %reduce_sum3A_435 [1, 2] : vector<1x1x8192xf32> to vector<1xf32>
    %reduce_sum3A_437 = vector.shape_cast %reduce_sum3A_436 : vector<1xf32> to vector<1x1x1xf32>
    %reduce_sum3A_438 = vector.extract %reduce_sum3A_437[0, 0, 0] : f32 from vector<1x1x1xf32>
    %eq3A_439 = arith.constant 0 : i32
    %eq3A_440 = vector.broadcast %eq3A_439 : i32 to vector<1x8192xi32>
    %eq3A_441 = arith.cmpi eq, %get3A_426, %eq3A_440 : vector<1x8192xi32>
    %gt3A_442 = arith.constant 0.000000e+00 : f32
    %gt3A_443 = arith.cmpf ogt, %reduce_sum3A_438, %gt3A_442 : f32
    %and3A_444 = vector.broadcast %gt3A_443 : i1 to vector<1x8192xi1>
    %and3A_445 = arith.andi %eq3A_441, %and3A_444 : vector<1x8192xi1>
    %or3A_446 = arith.ori %broadcast_in_dim3A_428, %and3A_445 : vector<1x8192xi1>
    %eq3A_447 = arith.constant 1 : i32
    %eq3A_448 = vector.broadcast %eq3A_447 : i32 to vector<1x8192xi32>
    %eq3A_449 = arith.cmpi eq, %get3A_188, %eq3A_448 : vector<1x8192xi32>
    %convert_element_type3A_450 = arith.extui %eq3A_449 : vector<1x8192xi1> to vector<1x8192xi32>
    %convert_element_type3A_451 = arith.sitofp %convert_element_type3A_450 : vector<1x8192xi32> to vector<1x8192xf32>
    %reduce_sum3A_452 = vector.shape_cast %convert_element_type3A_451 : vector<1x8192xf32> to vector<1x1x8192xf32>
    %reduce_sum3A_453 = arith.constant dense<0.000000e+00> : vector<1xf32>
    %reduce_sum3A_454 = vector.multi_reduction <add>, %reduce_sum3A_452, %reduce_sum3A_453 [1, 2] : vector<1x1x8192xf32> to vector<1xf32>
    %reduce_sum3A_455 = vector.shape_cast %reduce_sum3A_454 : vector<1xf32> to vector<1x1x1xf32>
    %reduce_sum3A_456 = vector.extract %reduce_sum3A_455[0, 0, 0] : f32 from vector<1x1x1xf32>
    %eq3A_457 = arith.constant 1 : i32
    %eq3A_458 = vector.broadcast %eq3A_457 : i32 to vector<1x8192xi32>
    %eq3A_459 = arith.cmpi eq, %get3A_426, %eq3A_458 : vector<1x8192xi32>
    %gt3A_460 = arith.constant 0.000000e+00 : f32
    %gt3A_461 = arith.cmpf ogt, %reduce_sum3A_456, %gt3A_460 : f32
    %and3A_462 = vector.broadcast %gt3A_461 : i1 to vector<1x8192xi1>
    %and3A_463 = arith.andi %eq3A_459, %and3A_462 : vector<1x8192xi1>
    %or3A_464 = arith.ori %or3A_446, %and3A_463 : vector<1x8192xi1>
    %eq3A_465 = arith.constant 2 : i32
    %eq3A_466 = vector.broadcast %eq3A_465 : i32 to vector<1x8192xi32>
    %eq3A_467 = arith.cmpi eq, %get3A_188, %eq3A_466 : vector<1x8192xi32>
    %convert_element_type3A_468 = arith.extui %eq3A_467 : vector<1x8192xi1> to vector<1x8192xi32>
    %convert_element_type3A_469 = arith.sitofp %convert_element_type3A_468 : vector<1x8192xi32> to vector<1x8192xf32>
    %reduce_sum3A_470 = vector.shape_cast %convert_element_type3A_469 : vector<1x8192xf32> to vector<1x1x8192xf32>
    %reduce_sum3A_471 = arith.constant dense<0.000000e+00> : vector<1xf32>
    %reduce_sum3A_472 = vector.multi_reduction <add>, %reduce_sum3A_470, %reduce_sum3A_471 [1, 2] : vector<1x1x8192xf32> to vector<1xf32>
    %reduce_sum3A_473 = vector.shape_cast %reduce_sum3A_472 : vector<1xf32> to vector<1x1x1xf32>
    %reduce_sum3A_474 = vector.extract %reduce_sum3A_473[0, 0, 0] : f32 from vector<1x1x1xf32>
    %eq3A_475 = arith.constant 2 : i32
    %eq3A_476 = vector.broadcast %eq3A_475 : i32 to vector<1x8192xi32>
    %eq3A_477 = arith.cmpi eq, %get3A_426, %eq3A_476 : vector<1x8192xi32>
    %gt3A_478 = arith.constant 0.000000e+00 : f32
    %gt3A_479 = arith.cmpf ogt, %reduce_sum3A_474, %gt3A_478 : f32
    %and3A_480 = vector.broadcast %gt3A_479 : i1 to vector<1x8192xi1>
    %and3A_481 = arith.andi %eq3A_477, %and3A_480 : vector<1x8192xi1>
    %or3A_482 = arith.ori %or3A_464, %and3A_481 : vector<1x8192xi1>
    %eq3A_483 = arith.constant 3 : i32
    %eq3A_484 = vector.broadcast %eq3A_483 : i32 to vector<1x8192xi32>
    %eq3A_485 = arith.cmpi eq, %get3A_188, %eq3A_484 : vector<1x8192xi32>
    %convert_element_type3A_486 = arith.extui %eq3A_485 : vector<1x8192xi1> to vector<1x8192xi32>
    %convert_element_type3A_487 = arith.sitofp %convert_element_type3A_486 : vector<1x8192xi32> to vector<1x8192xf32>
    %reduce_sum3A_488 = vector.shape_cast %convert_element_type3A_487 : vector<1x8192xf32> to vector<1x1x8192xf32>
    %reduce_sum3A_489 = arith.constant dense<0.000000e+00> : vector<1xf32>
    %reduce_sum3A_490 = vector.multi_reduction <add>, %reduce_sum3A_488, %reduce_sum3A_489 [1, 2] : vector<1x1x8192xf32> to vector<1xf32>
    %reduce_sum3A_491 = vector.shape_cast %reduce_sum3A_490 : vector<1xf32> to vector<1x1x1xf32>
    %reduce_sum3A_492 = vector.extract %reduce_sum3A_491[0, 0, 0] : f32 from vector<1x1x1xf32>
    %eq3A_493 = arith.constant 3 : i32
    %eq3A_494 = vector.broadcast %eq3A_493 : i32 to vector<1x8192xi32>
    %eq3A_495 = arith.cmpi eq, %get3A_426, %eq3A_494 : vector<1x8192xi32>
    %gt3A_496 = arith.constant 0.000000e+00 : f32
    %gt3A_497 = arith.cmpf ogt, %reduce_sum3A_492, %gt3A_496 : f32
    %and3A_498 = vector.broadcast %gt3A_497 : i1 to vector<1x8192xi1>
    %and3A_499 = arith.andi %eq3A_495, %and3A_498 : vector<1x8192xi1>
    %or3A_500 = arith.ori %or3A_482, %and3A_499 : vector<1x8192xi1>
    %eq3A_501 = arith.constant 4 : i32
    %eq3A_502 = vector.broadcast %eq3A_501 : i32 to vector<1x8192xi32>
    %eq3A_503 = arith.cmpi eq, %get3A_188, %eq3A_502 : vector<1x8192xi32>
    %convert_element_type3A_504 = arith.extui %eq3A_503 : vector<1x8192xi1> to vector<1x8192xi32>
    %convert_element_type3A_505 = arith.sitofp %convert_element_type3A_504 : vector<1x8192xi32> to vector<1x8192xf32>
    %reduce_sum3A_506 = vector.shape_cast %convert_element_type3A_505 : vector<1x8192xf32> to vector<1x1x8192xf32>
    %reduce_sum3A_507 = arith.constant dense<0.000000e+00> : vector<1xf32>
    %reduce_sum3A_508 = vector.multi_reduction <add>, %reduce_sum3A_506, %reduce_sum3A_507 [1, 2] : vector<1x1x8192xf32> to vector<1xf32>
    %reduce_sum3A_509 = vector.shape_cast %reduce_sum3A_508 : vector<1xf32> to vector<1x1x1xf32>
    %reduce_sum3A_510 = vector.extract %reduce_sum3A_509[0, 0, 0] : f32 from vector<1x1x1xf32>
    %eq3A_511 = arith.constant 4 : i32
    %eq3A_512 = vector.broadcast %eq3A_511 : i32 to vector<1x8192xi32>
    %eq3A_513 = arith.cmpi eq, %get3A_426, %eq3A_512 : vector<1x8192xi32>
    %gt3A_514 = arith.constant 0.000000e+00 : f32
    %gt3A_515 = arith.cmpf ogt, %reduce_sum3A_510, %gt3A_514 : f32
    %and3A_516 = vector.broadcast %gt3A_515 : i1 to vector<1x8192xi1>
    %and3A_517 = arith.andi %eq3A_513, %and3A_516 : vector<1x8192xi1>
    %or3A_518 = arith.ori %or3A_500, %and3A_517 : vector<1x8192xi1>
    %eq3A_519 = arith.constant 5 : i32
    %eq3A_520 = vector.broadcast %eq3A_519 : i32 to vector<1x8192xi32>
    %eq3A_521 = arith.cmpi eq, %get3A_188, %eq3A_520 : vector<1x8192xi32>
    %convert_element_type3A_522 = arith.extui %eq3A_521 : vector<1x8192xi1> to vector<1x8192xi32>
    %convert_element_type3A_523 = arith.sitofp %convert_element_type3A_522 : vector<1x8192xi32> to vector<1x8192xf32>
    %reduce_sum3A_524 = vector.shape_cast %convert_element_type3A_523 : vector<1x8192xf32> to vector<1x1x8192xf32>
    %reduce_sum3A_525 = arith.constant dense<0.000000e+00> : vector<1xf32>
    %reduce_sum3A_526 = vector.multi_reduction <add>, %reduce_sum3A_524, %reduce_sum3A_525 [1, 2] : vector<1x1x8192xf32> to vector<1xf32>
    %reduce_sum3A_527 = vector.shape_cast %reduce_sum3A_526 : vector<1xf32> to vector<1x1x1xf32>
    %reduce_sum3A_528 = vector.extract %reduce_sum3A_527[0, 0, 0] : f32 from vector<1x1x1xf32>
    %eq3A_529 = arith.constant 5 : i32
    %eq3A_530 = vector.broadcast %eq3A_529 : i32 to vector<1x8192xi32>
    %eq3A_531 = arith.cmpi eq, %get3A_426, %eq3A_530 : vector<1x8192xi32>
    %gt3A_532 = arith.constant 0.000000e+00 : f32
    %gt3A_533 = arith.cmpf ogt, %reduce_sum3A_528, %gt3A_532 : f32
    %and3A_534 = vector.broadcast %gt3A_533 : i1 to vector<1x8192xi1>
    %and3A_535 = arith.andi %eq3A_531, %and3A_534 : vector<1x8192xi1>
    %or3A_536 = arith.ori %or3A_518, %and3A_535 : vector<1x8192xi1>
    %eq3A_537 = arith.constant 6 : i32
    %eq3A_538 = vector.broadcast %eq3A_537 : i32 to vector<1x8192xi32>
    %eq3A_539 = arith.cmpi eq, %get3A_188, %eq3A_538 : vector<1x8192xi32>
    %convert_element_type3A_540 = arith.extui %eq3A_539 : vector<1x8192xi1> to vector<1x8192xi32>
    %convert_element_type3A_541 = arith.sitofp %convert_element_type3A_540 : vector<1x8192xi32> to vector<1x8192xf32>
    %reduce_sum3A_542 = vector.shape_cast %convert_element_type3A_541 : vector<1x8192xf32> to vector<1x1x8192xf32>
    %reduce_sum3A_543 = arith.constant dense<0.000000e+00> : vector<1xf32>
    %reduce_sum3A_544 = vector.multi_reduction <add>, %reduce_sum3A_542, %reduce_sum3A_543 [1, 2] : vector<1x1x8192xf32> to vector<1xf32>
    %reduce_sum3A_545 = vector.shape_cast %reduce_sum3A_544 : vector<1xf32> to vector<1x1x1xf32>
    %reduce_sum3A_546 = vector.extract %reduce_sum3A_545[0, 0, 0] : f32 from vector<1x1x1xf32>
    %eq3A_547 = arith.constant 6 : i32
    %eq3A_548 = vector.broadcast %eq3A_547 : i32 to vector<1x8192xi32>
    %eq3A_549 = arith.cmpi eq, %get3A_426, %eq3A_548 : vector<1x8192xi32>
    %gt3A_550 = arith.constant 0.000000e+00 : f32
    %gt3A_551 = arith.cmpf ogt, %reduce_sum3A_546, %gt3A_550 : f32
    %and3A_552 = vector.broadcast %gt3A_551 : i1 to vector<1x8192xi1>
    %and3A_553 = arith.andi %eq3A_549, %and3A_552 : vector<1x8192xi1>
    %or3A_554 = arith.ori %or3A_536, %and3A_553 : vector<1x8192xi1>
    %eq3A_555 = arith.constant 7 : i32
    %eq3A_556 = vector.broadcast %eq3A_555 : i32 to vector<1x8192xi32>
    %eq3A_557 = arith.cmpi eq, %get3A_188, %eq3A_556 : vector<1x8192xi32>
    %convert_element_type3A_558 = arith.extui %eq3A_557 : vector<1x8192xi1> to vector<1x8192xi32>
    %convert_element_type3A_559 = arith.sitofp %convert_element_type3A_558 : vector<1x8192xi32> to vector<1x8192xf32>
    %reduce_sum3A_560 = vector.shape_cast %convert_element_type3A_559 : vector<1x8192xf32> to vector<1x1x8192xf32>
    %reduce_sum3A_561 = arith.constant dense<0.000000e+00> : vector<1xf32>
    %reduce_sum3A_562 = vector.multi_reduction <add>, %reduce_sum3A_560, %reduce_sum3A_561 [1, 2] : vector<1x1x8192xf32> to vector<1xf32>
    %reduce_sum3A_563 = vector.shape_cast %reduce_sum3A_562 : vector<1xf32> to vector<1x1x1xf32>
    %reduce_sum3A_564 = vector.extract %reduce_sum3A_563[0, 0, 0] : f32 from vector<1x1x1xf32>
    %eq3A_565 = arith.constant 7 : i32
    %eq3A_566 = vector.broadcast %eq3A_565 : i32 to vector<1x8192xi32>
    %eq3A_567 = arith.cmpi eq, %get3A_426, %eq3A_566 : vector<1x8192xi32>
    %gt3A_568 = arith.constant 0.000000e+00 : f32
    %gt3A_569 = arith.cmpf ogt, %reduce_sum3A_564, %gt3A_568 : f32
    %and3A_570 = vector.broadcast %gt3A_569 : i1 to vector<1x8192xi1>
    %and3A_571 = arith.andi %eq3A_567, %and3A_570 : vector<1x8192xi1>
    %or3A_572 = arith.ori %or3A_554, %and3A_571 : vector<1x8192xi1>
    %get3A_573 = arith.constant 0 : index
    %get3A_574 = arith.constant 0 : index
    %get3A_575 = vector.load %arg8[%get3A_573, %get3A_574] : memref<1x8192xf32, #tpu.memory_space<vmem>>, vector<1x8192xf32>
    %jit3A_576 = arith.constant 0.000000e+00 : f32
    %broadcast_in_dim3A_577 = vector.broadcast %jit3A_576 : f32 to vector<1x8192xf32>
    %select_n3A_578 = arith.select %or3A_572, %get3A_575, %broadcast_in_dim3A_577 : vector<1x8192xi1>, vector<1x8192xf32>
    %get3A_579 = arith.constant 0 : index
    %get3A_580 = arith.constant 0 : index
    %get3A_581 = arith.constant 0 : index
    %get3A_582 = vector.load %arg10[%get3A_579, %get3A_580, %get3A_581] : memref<32x2x8192xf32, #tpu.memory_space<vmem>>, vector<32x2x8192xf32>
    %reduce_sum3A_583 = arith.constant dense<0.000000e+00> : vector<2x8192xf32>
    %reduce_sum3A_584 = vector.multi_reduction <add>, %get3A_582, %reduce_sum3A_583 [0] : vector<32x2x8192xf32> to vector<2x8192xf32>
    %slice3A_585 = vector.extract_strided_slice %reduce_sum3A_584 {offsets = [0, 0], sizes = [1, 8192], strides = [1, 1]} : vector<2x8192xf32> to vector<1x8192xf32>
    %slice3A_586 = vector.extract_strided_slice %reduce_sum3A_584 {offsets = [1, 0], sizes = [1, 8192], strides = [1, 1]} : vector<2x8192xf32> to vector<1x8192xf32>
    %gt3A_587 = arith.constant 0.000000e+00 : f32
    %gt3A_588 = vector.broadcast %gt3A_587 : f32 to vector<1x8192xf32>
    %gt3A_589 = arith.cmpf ogt, %slice3A_586, %gt3A_588 : vector<1x8192xf32>
    %max3A_590 = arith.constant 1.000000e+00 : f32
    %max3A_591 = vector.broadcast %max3A_590 : f32 to vector<1x8192xf32>
    %max3A_592 = arith.maximumf %slice3A_586, %max3A_591 : vector<1x8192xf32>
    %integer_pow3A_593 = arith.mulf %max3A_592, %max3A_592 : vector<1x8192xf32>
    %div3A_594 = arith.divf %slice3A_585, %integer_pow3A_593 : vector<1x8192xf32>
    %jit3A_595 = arith.constant 2.000000e+00 : f32
    %broadcast_in_dim3A_596 = vector.broadcast %jit3A_595 : f32 to vector<1x8192xf32>
    %select_n3A_597 = arith.select %gt3A_589, %div3A_594, %broadcast_in_dim3A_596 : vector<1x8192xi1>, vector<1x8192xf32>
    %exp3A_598 = math.exp %min3A_423 : vector<1x8192xf32>
    %mul3A_599 = arith.constant 2.000000e+00 : f32
    %mul3A_600 = vector.broadcast %mul3A_599 : f32 to vector<1x8192xf32>
    %mul3A_601 = arith.mulf %mul3A_600, %exp3A_598 : vector<1x8192xf32>
    %mul3A_602 = arith.constant 0.00999999977 : f32
    %mul3A_603 = vector.broadcast %mul3A_602 : f32 to vector<1x8192xf32>
    %mul3A_604 = arith.mulf %mul3A_601, %mul3A_603 : vector<1x8192xf32>
    %add3A_605 = arith.constant 9.99999971E-10 : f32
    %add3A_606 = vector.broadcast %add3A_605 : f32 to vector<1x8192xf32>
    %add3A_607 = arith.addf %mul3A_604, %add3A_606 : vector<1x8192xf32>
    %div3A_608 = arith.divf %select_n3A_578, %add3A_607 : vector<1x8192xf32>
    %reduce_sum3A_609 = vector.shape_cast %div3A_608 : vector<1x8192xf32> to vector<1x1x8192xf32>
    %reduce_sum3A_610 = arith.constant dense<0.000000e+00> : vector<1xf32>
    %reduce_sum3A_611 = vector.multi_reduction <add>, %reduce_sum3A_609, %reduce_sum3A_610 [1, 2] : vector<1x1x8192xf32> to vector<1xf32>
    %reduce_sum3A_612 = vector.shape_cast %reduce_sum3A_611 : vector<1xf32> to vector<1x1x1xf32>
    %reduce_sum3A_613 = vector.extract %reduce_sum3A_612[0, 0, 0] : f32 from vector<1x1x1xf32>
    %div3A_614 = arith.constant 8.192000e+03 : f32
    %div3A_615 = arith.divf %reduce_sum3A_613, %div3A_614 : f32
    %div3A_616 = arith.divf %select_n3A_597, %add3A_607 : vector<1x8192xf32>
    %reduce_sum3A_617 = vector.shape_cast %div3A_616 : vector<1x8192xf32> to vector<1x1x8192xf32>
    %reduce_sum3A_618 = arith.constant dense<0.000000e+00> : vector<1xf32>
    %reduce_sum3A_619 = vector.multi_reduction <add>, %reduce_sum3A_617, %reduce_sum3A_618 [1, 2] : vector<1x1x8192xf32> to vector<1xf32>
    %reduce_sum3A_620 = vector.shape_cast %reduce_sum3A_619 : vector<1xf32> to vector<1x1x1xf32>
    %reduce_sum3A_621 = vector.extract %reduce_sum3A_620[0, 0, 0] : f32 from vector<1x1x1xf32>
    %div3A_622 = arith.constant 8.192000e+03 : f32
    %div3A_623 = arith.divf %reduce_sum3A_621, %div3A_622 : f32
    %mul3A_624 = arith.constant 5.000000e-01 : f32
    %mul3A_625 = vector.broadcast %mul3A_624 : f32 to vector<1x8192xf32>
    %mul3A_626 = arith.mulf %mul3A_625, %min3A_423 : vector<1x8192xf32>
    %reduce_sum3A_627 = vector.shape_cast %mul3A_626 : vector<1x8192xf32> to vector<1x1x8192xf32>
    %reduce_sum3A_628 = arith.constant dense<0.000000e+00> : vector<1xf32>
    %reduce_sum3A_629 = vector.multi_reduction <add>, %reduce_sum3A_627, %reduce_sum3A_628 [1, 2] : vector<1x1x8192xf32> to vector<1xf32>
    %reduce_sum3A_630 = vector.shape_cast %reduce_sum3A_629 : vector<1xf32> to vector<1x1x1xf32>
    %reduce_sum3A_631 = vector.extract %reduce_sum3A_630[0, 0, 0] : f32 from vector<1x1x1xf32>
    %div3A_632 = arith.constant 8.192000e+03 : f32
    %div3A_633 = arith.divf %reduce_sum3A_631, %div3A_632 : f32
    %mul3A_634 = arith.constant 1.000000e+00 : f32
    %mul3A_635 = arith.mulf %div3A_615, %mul3A_634 : f32
    %mul3A_636 = arith.constant 1.000000e-01 : f32
    %mul3A_637 = arith.mulf %div3A_623, %mul3A_636 : f32
    %add3A_638 = arith.addf %mul3A_635, %mul3A_637 : f32
    %add3A_639 = arith.addf %add3A_638, %div3A_633 : f32
    %mul3A_640 = arith.constant 1.000000e+00 : f32
    %mul3A_641 = arith.mulf %add3A_639, %mul3A_640 : f32
    %add3A_642 = arith.addf %add3A_414, %mul3A_641 : f32
    %swap3A = arith.constant 0 : index
    %swap3A_643 = arith.constant 0 : index
    %swap3A_644 = memref.load %arg13[%swap3A, %swap3A_643] : memref<1x1xf32, #tpu.memory_space<smem>>
    memref.store %add3A_642, %arg13[%swap3A, %swap3A_643] : memref<1x1xf32, #tpu.memory_space<smem>>
    return
  }
}

</mosaic_0001>

<sc_bundles>
// kernel: kernel.10.cloned.1.call-start
scs
__scs_entry_jumppad:
0x0: {  	(pc) =	sbr.rel $0x88, $3  }
0x1: {  	(tag) =	ssettag $0x0;
	lr =	simm.s32 $0x1  }
0x2: {  	[smem:$0x3F8D] =	sst lr;
	_ =	strace $0xD0000000  }
0x3: {  	_ = 	snop  }
0x4: {  	_ = 	snop  }
0x5: {  	_ = 	snop  }
0x6: {  	_ = 	snop  }
0x7: {  	_ = 	snop  }
__scs_overlays_trampoline_lowered:
0x8: {  	[smem:$0x3F9C] =	sst s0  }
0x9: {  	[smem:$0x3F9D] =	sst s1  }
0xa: {  	[smem:$0x3F9E] =	sst s2  }
0xb: {  	[smem:$0x3F9F] =	sst s3  }
0xc: {  	[smem:$0x3FA0] =	sst s4  }
0xd: {  	[smem:$0x3FA1] =	sst s5  }
0xe: {  	[smem:$0x3FA2] =	sst s6  }
0xf: {  	[smem:$0x3FA3] =	sst s7  }
0x10: {  	[smem:$0x3FA4] =	sst s8  }
0x11: {  	[smem:$0x3FA5] =	sst s9;
	s0 =	simm.s32 @!p0 $0x0  }
0x12: {  	s1 =	sld [smem:$0x3F8B];
	s0 =	simm.s32 @p0 $0x1  }
0x13: {  	[smem:$0x3FA6] =	sst s0;
	s0 =	simm.s32 @!p1 $0x0  }
0x14: {  	s2 =	sld [smem:$0x3F8A];
	s0 =	simm.s32 @p1 $0x1  }
0x15: {  	[smem:$0x3FA7] =	sst s0;
	s0 =	simm.s32 @!p2 $0x0  }
0x16: {  	s3 =	sld [smem:$0x3FDB];
	s0 =	simm.s32 @p2 $0x1  }
0x17: {  	s4 =	simm.s32 $0x1BF5;
	[smem:$0x3FA9] =	sst s0  }
0x18: {  	s0 =	sld [smem:$0x3F8C];
	_ =	swait.ge [sflag:s4], $0x0  }
0x19: {  	s7 =	sld [smem:$0x3F8D]  }
0x1a: {  	s8 =	sadd.s32 $0xFFFFE003, lr  }
0x1b: {  	s9 =	sadd.s32 $0xFFFFFEF7, lr;
	s5 =	simm.s32 $0xFFFFFFFF;
	p2 =	slt.u32 s8, $0xFFFFF086  }
0x1c: {  	p1 =	slt.u32 s9, $0xF7A;
	s5 =	simm.s32 @!p2 $0x0  }
0x1d: {  	s5 =	simm.s32 @p1 $0x1;
	p0 =	seq.s32 s7, s2  }
0x1e: {  	s7 =	smul.u32 @!p0 $0xF7A, s2;
	p2 =	seq.s32 @!p0 s5, $0x0  }
0x1f: {  	s9 =	smul.u32 $0xF7A, s1;
	s8 =	simm.s32 @!p0 $0x1BF5;
	p2 =	por !p2, p0  }
0x20: {  	[sflag:s8] =	ssyncset.s32 @!p0 $0xFFFFF086;
	s6 =	sadd.s32 @!p0 s3, s7;
	s7 =	simm.s32 @!p0 $0x108  }
0x21: {  	s3 =	sadd.s32 s3, s9;
	s6 =	sadd.s32 @!p0 $0x88, s6;
	s7 =	simm.s32 @p2 $0x1082  }
0x22: {  	[simem:s7], [sflag:s8] =	dma.local @!p0 [hbm:s6], $0xF7A  }
0x23: {  	s9 =	sor.u32 $0xD0000000, s2;
	s6 =	simm.s32 $0x108;
	_ =	swait.ge @!p0 [sflag:s8], $0x0  }
0x24: {  	s3 =	sadd.s32 $0x88, s3;
	s6 =	simm.s32 @!p1 $0x1082;
	[sflag:s4] =	ssyncset.s32 $0xFFFFF086  }
0x25: {  	[simem:s6], [sflag:s4] =	dma.local [hbm:s3], $0xF7A  }
0x26: {  	[smem:$0x3F8D] =	sst s1;
	(tag) =	ssettag s2;
	_ =	strace s9  }
0x27: {  	s1 =	sld [smem:$0x3F9D]  }
0x28: {  	s2 =	sld [smem:$0x3F9E]  }
0x29: {  	s4 =	sld [smem:$0x3FA0]  }
0x2a: {  	p0 =	seq.s32 s5, $0x0;
	s5 =	sld [smem:$0x3FA1]  }
0x2b: {  	s6 =	sld [smem:$0x3FA2]  }
0x2c: {  	s7 =	sld [smem:$0x3FA3]  }
0x2d: {  	s3 =	simm.s32 $0x108;
	s8 =	sld [smem:$0x3FA4]  }
0x2e: {  	s3 =	simm.s32 @!p0 $0x1082;
	s9 =	sld [smem:$0x3FA5]  }
0x2f: {  	lr =	sadd.s32 s0, s3;
	s0 =	sld [smem:$0x3F9C]  }
0x30: {  	s3 =	sld [smem:$0x3F9F]  }
0x31: {  	[smem:$0x3FA8] =	sst s10  }
0x32: {  	s10 =	sld [smem:$0x3FA6];
	_ =	sdelay $0x3  }
0x33: {  	p0 =	seq.s32 s10, $0x1;
	s10 =	sld [smem:$0x3FA8];
	_ =	sdelay $0x3  }
0x34: {  	[smem:$0x3FA8] =	sst s10  }
0x35: {  	s10 =	sld [smem:$0x3FA7];
	_ =	sdelay $0x3  }
0x36: {  	p1 =	seq.s32 s10, $0x1;
	s10 =	sld [smem:$0x3FA8];
	_ =	sdelay $0x3  }
0x37: {  	[smem:$0x3FA8] =	sst s10  }
0x38: {  	s10 =	sld [smem:$0x3FA9]  }
0x39: {  	_ = 	snop;
	(pc) =	sbr.ind lr, $3  }
0x3a: {  	_ = 	snop  }
0x3b: {  	_ = 	snop  }
0x3c: {  	p2 =	seq.s32 s10, $0x1;
	s10 =	sld [smem:$0x3FA8]  }
0x3d: {  	_ =	shalt  }
0x3e: {  	_ =	shalt  }
0x3f: {  	_ =	shalt  }
0x40: {  	_ =	shalt  }
0x41: {  	_ =	shalt  }
0x42: {  	_ =	shalt  }
0x43: {  	_ =	shalt  }
0x44: {  	_ =	shalt  }
0x45: {  	_ =	shalt  }
0x46: {  	_ =	shalt  }
0x47: {  	_ =	shalt  }
0x48: {  	_ =	shalt  }
0x49: {  	_ =	shalt  }
0x4a: {  	_ =	shalt  }
0x4b: {  	_ =	shalt  }
0x4c: {  	_ =	shalt  }
0x4d: {  	_ =	shalt  }
0x4e: {  	_ =	shalt  }
0x4f: {  	_ =	shalt  }
0x50: {  	_ =	shalt  }
0x51: {  	_ =	shalt  }
0x52: {  	_ =	shalt  }
0x53: {  	_ =	shalt  }
0x54: {  	_ =	shalt  }
0x55: {  	_ =	shalt  }
0x56: {  	_ =	shalt  }
0x57: {  	_ =	shalt  }
0x58: {  	_ =	shalt  }
0x59: {  	_ =	shalt  }
0x5a: {  	_ =	shalt  }
0x5b: {  	_ =	shalt  }
0x5c: {  	_ =	shalt  }
0x5d: {  	_ =	shalt  }
0x5e: {  	_ =	shalt  }
0x5f: {  	_ =	shalt  }
0x60: {  	_ =	shalt  }
0x61: {  	_ =	shalt  }
0x62: {  	_ =	shalt  }
0x63: {  	_ =	shalt  }
0x64: {  	_ =	shalt  }
0x65: {  	_ =	shalt  }
0x66: {  	_ =	shalt  }
0x67: {  	_ =	shalt  }
0x68: {  	_ =	shalt  }
0x69: {  	_ =	shalt  }
0x6a: {  	_ =	shalt  }
0x6b: {  	_ =	shalt  }
0x6c: {  	_ =	shalt  }
0x6d: {  	_ =	shalt  }
0x6e: {  	_ =	shalt  }
0x6f: {  	_ =	shalt  }
0x70: {  	_ =	shalt  }
0x71: {  	_ =	shalt  }
0x72: {  	_ =	shalt  }
0x73: {  	_ =	shalt  }
0x74: {  	_ =	shalt  }
0x75: {  	_ =	shalt  }
0x76: {  	_ =	shalt  }
0x77: {  	_ =	shalt  }
0x78: {  	_ =	shalt  }
0x79: {  	_ =	shalt  }
0x7a: {  	_ =	shalt  }
0x7b: {  	_ =	shalt  }
0x7c: {  	_ =	shalt  }
0x7d: {  	_ =	shalt  }
0x7e: {  	_ =	shalt  }
0x7f: {  	_ =	shalt  }
0x80: {  	_ =	shalt  }
0x81: {  	_ =	shalt  }
0x82: {  	_ =	shalt  }
0x83: {  	_ =	shalt  }
0x84: {  	_ =	shalt  }
0x85: {  	_ =	shalt  }
0x86: {  	_ =	shalt  }
0x87: {  	_ =	shalt  }
.Lfunc_end0:
.L_simem_size_0:
called_computation_lowered:
.L_overlay_start_0:
0x88: {  	s2 =	sld [smem:$0x3FD9]  }
0x89: {  	s3 =	sld [smem:$0x3FFE];
	_ =	sdelay $0x1  }
0x8a: {  	s1 =	srdreg.scid  }
0x8b: {  	s0 =	sand.u32 $0x1, s1  }
0x8c: {  	s17 =	sshll.u32 s0, $0xA;
	s2 =	sadd.s32 s3, s2  }
0x8d: {  	s2 =	sadd.s32 s2, s17  }
0x8e: {  	[smem:$0x3FB4] =	sst s2  }
0x8f: {  	_ = 	snop  }
0x90: {  	s2 =	sld [smem:$0x3FB9];
	(tm) =	ssettm $0x1  }
0x91: {  	s18 =	sld [smem:$0x3FFB];
	_ =	sdelay $0x3  }
0x92: {  	_ =	strace s18  }
0x93: {  	s3 =	sld [smem:$0x3FFC];
	_ =	sdelay $0x3  }
0x94: {  	_ =	strace s3  }
0x95: {  	s3 =	sld [smem:$0x3FFD];
	_ =	sdelay $0x3  }
0x96: {  	_ =	strace s3  }
0x97: {  	_ =	strace $0x8FFFFFFF  }
0x98: {  	s19 =	sld [smem:$0x3FDB];
	_ =	sdelay $0x1  }
0x99: {  	s4 =	simm.s32 $_scs_section_size  }
0x9a: {  	s5 =	simm.s32 $_size__tile_overlayer_lowered;
	s6 =	simm.s32 $_tile_overlayer_lowered  }
0x9b: {  	s22 =	simm.s32 $0x1BFF;
	s21 =	sshll.u32 s6, $0x1;
	s3 =	sadd.s32 s4, s19  }
0x9c: {  	s7 =	simm.s32 $0x0;
	s20 =	sshll.u32 s5, $0x1;
	s5 =	sadd.s32 s21, s3  }
0x9d: {  	[timem:s7], [sflag:s22] =	dma.local [hbm:s5], s20  }
0x9e: {  	_ =	swait.ge [sflag:s22], s20  }
0x9f: {  	s4 =	ssub.s32 $0x0, s20;
	[sflag:s22] =	ssyncset.done $0x0  }
0xa0: {  	[sflag:s22] =	ssyncadd.s32 s4;
	_ =	sdelay $0x1  }
0xa1: {  	s23 =	simm.s32 $0x1B8B  }
0xa2: {  	_ =	swait.ge [sflag:s23], $0x1  }
0xa3: {  	[sflag:s23] =	ssyncset.done $0x0  }
0xa4: {  	s25 =	simm.s32 $0x1B8E;
	s24 =	sld [smem:$0x3FFE];
	[sflag:s23] =	ssyncadd.s32 $0xFFFFFFFF  }
0xa5: {  	s26 =	simm.s32 $execute0_lowered;
	[smem:$0x3FD2] =	sst s25  }
0xa6: {  	s5 =	sshll.u32 s26, $0x1;
	_ =	strace $0x80000046;
	[dreg:$0x1] =	wrdreg $0xFFFFFFFF  }
0xa7: {  	s28 =	simm.s32 $_size_execute0_lowered;
	s3 =	sadd.s32 s3, s5;
	[dreg:$0x0] =	wrdreg $0x0  }
0xa8: {  	s5 =	sshll.u32 s28, $0x1;
	[dreg:$0x2] =	wrdreg s3  }
0xa9: {  	[dreg:$0x3] =	wrdreg s5  }
0xaa: {  	[dreg:$0x4] =	wrdreg $0xC0  }
0xab: {  	_ =	task [dreg:s7], $0x5FFFF  }
0xac: {  	[dreg:$0x1] =	wrdreg $0xFFFFFFFF  }
0xad: {  	[dreg:$0x0] =	wrdreg $0x60  }
0xae: {  	[dreg:$0x2] =	wrdreg s24  }
0xaf: {  	[dreg:$0x3] =	wrdreg s2  }
0xb0: {  	[dreg:$0x4] =	wrdreg $0x9  }
0xb1: {  	_ =	task.clear_ibuf [dreg:s7], $0x5FFFF;
	_ =	strace $0x90000046  }
0xb2: {  	s29 =	simm.s32 $0x9;
	_ =	strace $0x80000048  }
0xb3: {  	_ =	swait.ge [sflag:s29], $0x1  }
0xb4: {  	[sflag:s29] =	ssyncadd.s32 $0xFFFFFFFF  }
0xb5: {  	_ =	strace $0x90000048  }
0xb6: {  	_ =	sfence  }
0xb7: {  	s30 =	sld [smem:$0x0];
	_ =	sdelay $0x2  }
0xb8: {  	s31 =	sshll.u32 s1, $0xD;
	s1 =	sshrl.u32 s1, $0x2  }
0xb9: {  	s3 =	sand.u32 $0x4000, s31;
	s1 =	sadd.s32 s1, s30  }
0xba: {  	s0 =	sor.u32 s3, s0;
	s1 =	sshll.u32 s1, $0x11  }
0xbb: {  	s0 =	sor.u32 s1, s0  }
0xbc: {  	s0 =	sadd.s32 $0x8F2B, s0  }
0xbd: {  	[sflag:s0] =	ssyncadd.remote.s32 $0x1  }
0xbe: {  	_ =	sfence.sel $0xFFFF  }
0xbf: {  	[dreg:$0x0] =	wrdreg $0xFFFFFFFF;
	(pc) =	sbr.abs _section_cstart, $3  }
0xc0: {  	[dreg:$0x1] =	wrdreg $0xFFFFFFFF  }
0xc1: {  	_ =	task.clear_ibuf [dreg:s7], $0x2FFFF;
	_ =	strace $0x9FFFFFFF  }
0xc2: {  	(tm) =	ssettm $0x7FFFFFFF  }
0xc3: {  	_ =	shalt  }
tec
execute0_lowered:
.L_overlay_start_1:
0x0: {  	(tag) =	ssettag $0x1  }
0x1: {  	s7 =	rddreg [dreg:$0x0]  }
0x2: {  	s6 =	rddreg [dreg:$0x1]  }
0x3: {  	s0 =	rddreg [dreg:$0x2];
	s2 =	simm.s32 $0x0  }
0x4: {  	s3 =	srdreg.scid;
	s1 =	stileid.u32;
	s14 =	simm.s32 $0x2000  }
0x5: {  	s15 =	simm.s32 $0x4000;
	s16 =	simm.s32 $0x80;
	s17 =	simm.s32 $0x100  }
0x6: {  	s18 =	simm.s32 $0x6000;
	s19 =	simm.s32 $0x6800;
	s20 =	simm.s32 $0x7000  }
0x7: {  	s21 =	simm.s32 $0x9000;
	s22 =	simm.s32 $0xB000;
	s23 =	simm.s32 $0xD000  }
0x8: {  	s24 =	simm.s32 $0x200;
	s25 =	simm.s32 $0x0;
	[smem:$0x7FF] =	sst s2  }
0x9: {  	s8 =	sand.u32 $0x1, s3;
	s5 =	sshll.u32 s1, $0x1;
	s3 =	sadd.s32 $0x5600, s7  }
0xa: {  	s4 =	sadd.s32 $0x5200, s7;
	_ =	strace $0x80000047;
	s9 =	sor.u32 s8, s5  }
0xb: {  	s5 =	sadd.s32 $0x4E00, s7;
	s8 =	ssub.s32 $0x2, s8;
	s10 =	sshll.u32 s9, $0x9  }
0xc: {  	s9 =	sshll.u32 s9, $0xC;
	s11 =	sshrl.u32 s8, $0x1;
	s6 =	sadd.s32 s6, s10  }
0xd: {  	s12 =	sadd.s32 s9, s7;
	s13 =	ssub.s32 s8, s11;
	s7 =	sadd.s32 $0x10, s6  }
0xe: {  	s8 =	sadd.s32 $0x5A00, s12;
	s9 =	sadd.s32 $0x5A10, s12;
	s10 =	sadd.s32 $0x5A20, s12  }
0xf: {  	v0 =	vimm.f32 $0.0e+00;
	v1 =	vimm.f32 $1.000000000e+00;
	s11 =	sadd.s32 $0x5A30, s12;
	s12 =	smax.u32 s13, $0x1;
	s13 =	simm.s32 $0x1  }
.LBB2_1:
0x10: {  	[tilespmem:s2], [sflag:$0x1] =	stream.linear.gather [hbm4b:s3+s2], $0x2000, $0x38;
	[tilespmem:$0xF000] =	vst v63  }
0x11: {  	_ =	swait.ge [sflag:s13], $0x2000  }
0x12: {  	[sflag:s13] =	ssyncset.done $0x0  }
0x13: {  	[sflag:s13] =	ssyncadd.s32 $0xFFFFE000  }
0x14: {  	[tilespmem:s14], [sflag:$0x1] =	stream.linear.gather [hbm4b:s4+s2], $0x2000, $0x38;
	[tilespmem:$0xF000] =	vst v63  }
0x15: {  	_ =	swait.ge [sflag:s13], $0x2000  }
0x16: {  	[sflag:s13] =	ssyncset.done $0x0  }
0x17: {  	[sflag:s13] =	ssyncadd.s32 $0xFFFFE000  }
0x18: {  	[tilespmem:s15], [sflag:$0x1] =	stream.linear.gather [hbm4b:s5+s2], $0x2000, $0x38;
	[tilespmem:$0xF000] =	vst v63  }
0x19: {  	_ =	swait.ge [sflag:s13], $0x2000  }
0x1a: {  	[sflag:s13] =	ssyncset.done $0x0  }
0x1b: {  	[sflag:s13] =	ssyncadd.s32 $0xFFFFE000  }
0x1c: {  	[tilespmem:s18], [sflag:$0x1] =	stream.strided.gather [hbm4b:s6+s16], $0x800, s17, s16, $0x38;
	[tilespmem:$0xF000] =	vst v63  }
0x1d: {  	_ =	swait.ge [sflag:s13], $0x800  }
0x1e: {  	[sflag:s13] =	ssyncset.done $0x0  }
0x1f: {  	[sflag:s13] =	ssyncadd.s32 $0xFFFFF800  }
0x20: {  	[tilespmem:s19], [sflag:$0x1] =	stream.strided.gather [hbm4b:s7+s16], $0x800, s17, s16, $0x38;
	[tilespmem:$0xF000] =	vst v63  }
0x21: {  	_ =	swait.ge [sflag:s13], $0x800  }
0x22: {  	[sflag:s13] =	ssyncset.done $0x0  }
0x23: {  	s26 =	simm.s32 $0x0;
	[sflag:s13] =	ssyncadd.s32 $0xFFFFF800  }
.LBB2_2:
0x24: {  	p0 =	sne.s32 s26, $0x7FC0  }
.Ltmp0:
0x25: {  	s28 =	sshra.s32 s26, $0x2;
	(pc) =	sbr.rel @p0 .LBB2_2-.Ltmp0, $4  }
0x26: {  	[tilespmem:s28+$0x7000] =	vst v0  }
0x27: {  	[tilespmem:s28+$0x9000] =	vst v0  }
0x28: {  	[tilespmem:s28+$0xB000] =	vst v0  }
0x29: {  	s26 =	sadd.s32 $0x40, s26;
	[tilespmem:s28+$0xD000] =	vst v0  }
0x2a: {  	s26 =	simm.s32 $0x0  }
0x2b: {  	v3 =	vld [tilespmem:s26+$0x6000];
	_ =	sdelay $0x1  }
0x2c: {  	v2 =	vld [tilespmem:s26+$0x6800];
	_ =	sdelay $0x5  }
0x2d: {  	v4 =	vld.idx.msk [tilespmem:v3+s2+$0x0], $0xffff  }
0x2e: {  	v5 =	vld.idx.msk [tilespmem:v3+s14+$0x0], $0xffff  }
0x2f: {  	v6 =	vld.idx.msk [tilespmem:v2+s2+$0x0], $0xffff  }
0x30: {  	v7 =	vld.idx.msk [tilespmem:v2+s14+$0x0], $0xffff  }
0x31: {  	v3 =	vld.idx.msk [tilespmem:v3+s15+$0x0], $0xffff  }
0x32: {  	v8 =	vld.idx.msk [tilespmem:v2+s15+$0x0], $0xffff;
	_ =	sdelay $0x2  }
0x33: {  	v4 =	vsub.f32 v6, v4;
	v7 =	vsub.f32 v7, v5;
	_ =	sdelay $0x1  }
0x34: {  	v3 =	vsub.f32 v8, v3;
	v5 =	vmul.f32 v4, v4;
	v6 =	vmul.f32 v7, v7;
	_ =	sdelay $0x1  }
0x35: {  	v8 =	vmul.f32 v3, v3;
	v5 =	vadd.f32 v6, v5;
	_ =	sdelay $0x1  }
0x36: {  	v5 =	vadd.f32 v8, v5;
	_ =	sdelay $0x1  }
0x37: {  	v6 =	vshra.s32 v5, $0x1;
	v8 =	vmul.f32 $5.000000000e-01, v5  }
0x38: {  	v6 =	vsub.s32 $0x5F3759DF, v6  }
0x39: {  	v9 =	vmul.f32 v6, v8;
	_ =	sdelay $0x1  }
0x3a: {  	v9 =	vmul.f32 v6, v9;
	_ =	sdelay $0x1  }
0x3b: {  	v9 =	vsub.f32 $1.500000000e+00, v9;
	_ =	sdelay $0x1  }
0x3c: {  	v6 =	vmul.f32 v6, v9;
	_ =	sdelay $0x1  }
0x3d: {  	v9 =	vmul.f32 v6, v8;
	_ =	sdelay $0x1  }
0x3e: {  	v9 =	vmul.f32 v9, v6;
	_ =	sdelay $0x1  }
0x3f: {  	v9 =	vsub.f32 $1.500000000e+00, v9;
	_ =	sdelay $0x1  }
0x40: {  	v6 =	vmul.f32 v9, v6;
	_ =	sdelay $0x1  }
0x41: {  	v8 =	vmul.f32 v6, v8;
	_ =	sdelay $0x1  }
0x42: {  	v8 =	vmul.f32 v8, v6;
	_ =	sdelay $0x1  }
0x43: {  	v8 =	vsub.f32 $1.500000000e+00, v8;
	_ =	sdelay $0x1  }
0x44: {  	v6 =	vmul.f32 v8, v6  }
0x45: {  	vm0 =	vgt.f32 v5, $0.0e+00  }
0x46: {  	v6 =	vnsel vm0, $0x0, v6  }
0x47: {  	v5 =	vmul.f32 v6, v5;
	_ =	sdelay $0x1  }
0x48: {  	v5 =	vadd.f32 $9.999999710e-10, v5;
	_ =	sdelay $0x1  }
0x49: {  	(erf) = vrcp.f32 v5;
	_ =	sdelay $0x8  }
0x4a: {  	v6 =	vpop (erf)  }
0x4b: {  	s26 =	simm.s32 $0x40;
	v5 =	vmul.f32 v6, v4;
	v4 =	vmul.f32 v6, v7  }
.LBB2_4:
0x4c: {  	p0 =	sne.s32 s26, $0x1FC0;
	v3 =	vmul.f32 v6, v3;
	s28 =	smov.u32 s26;
	s26 =	sadd.s32 $0x40, s26  }
0x4d: {  	[tilespmem:v2+s20+$0x0] =	vst.idx.add.f32.msk $0xffff, v5  }
0x4e: {  	[tilespmem:v2+s21+$0x0] =	vst.idx.add.f32.msk $0xffff, v4  }
0x4f: {  	[tilespmem:v2+s22+$0x0] =	vst.idx.add.f32.msk $0xffff, v3  }
0x50: {  	s28 =	sshra.s32 s28, $0x2;
	[tilespmem:v2+s23+$0x0] =	vst.idx.add.f32.msk $0xffff, v1  }
0x51: {  	v3 =	vld [tilespmem:s28+$0x6000]  }
0x52: {  	v2 =	vld [tilespmem:s28+$0x6800];
	_ =	sdelay $0x6  }
0x53: {  	v4 =	vld.idx.msk [tilespmem:v3+s15+$0x0], $0xffff  }
0x54: {  	v5 =	vld.idx.msk [tilespmem:v3+s2+$0x0], $0xffff  }
0x55: {  	v3 =	vld.idx.msk [tilespmem:v3+s14+$0x0], $0xffff  }
0x56: {  	v6 =	vld.idx.msk [tilespmem:v2+s2+$0x0], $0xffff  }
0x57: {  	v7 =	vld.idx.msk [tilespmem:v2+s14+$0x0], $0xffff  }
0x58: {  	v8 =	vld.idx.msk [tilespmem:v2+s15+$0x0], $0xffff;
	_ =	sdelay $0x3  }
0x59: {  	v5 =	vsub.f32 v6, v5  }
0x5a: {  	v7 =	vsub.f32 v7, v3  }
0x5b: {  	v3 =	vsub.f32 v8, v4;
	v4 =	vmul.f32 v5, v5  }
0x5c: {  	v6 =	vmul.f32 v7, v7  }
0x5d: {  	v8 =	vmul.f32 v3, v3  }
0x5e: {  	v4 =	vadd.f32 v6, v4;
	_ =	sdelay $0x1  }
0x5f: {  	v4 =	vadd.f32 v8, v4;
	_ =	sdelay $0x1  }
0x60: {  	v6 =	vshra.s32 v4, $0x1;
	v8 =	vmul.f32 $5.000000000e-01, v4  }
0x61: {  	v6 =	vsub.s32 $0x5F3759DF, v6  }
0x62: {  	v9 =	vmul.f32 v6, v8;
	_ =	sdelay $0x1  }
0x63: {  	v9 =	vmul.f32 v6, v9;
	_ =	sdelay $0x1  }
0x64: {  	v9 =	vsub.f32 $1.500000000e+00, v9;
	_ =	sdelay $0x1  }
0x65: {  	v6 =	vmul.f32 v6, v9;
	_ =	sdelay $0x1  }
0x66: {  	v9 =	vmul.f32 v6, v8;
	_ =	sdelay $0x1  }
0x67: {  	v9 =	vmul.f32 v9, v6;
	_ =	sdelay $0x1  }
0x68: {  	v9 =	vsub.f32 $1.500000000e+00, v9;
	_ =	sdelay $0x1  }
0x69: {  	v6 =	vmul.f32 v9, v6;
	_ =	sdelay $0x1  }
0x6a: {  	v8 =	vmul.f32 v6, v8;
	_ =	sdelay $0x1  }
0x6b: {  	v8 =	vmul.f32 v8, v6;
	_ =	sdelay $0x1  }
0x6c: {  	v8 =	vsub.f32 $1.500000000e+00, v8;
	_ =	sdelay $0x1  }
0x6d: {  	vm0 =	vgt.f32 v4, $0.0e+00;
	v6 =	vmul.f32 v8, v6;
	_ =	sdelay $0x1  }
0x6e: {  	v6 =	vnsel vm0, $0x0, v6  }
0x6f: {  	v4 =	vmul.f32 v6, v4;
	_ =	sdelay $0x1  }
0x70: {  	v4 =	vadd.f32 $9.999999710e-10, v4;
	_ =	sdelay $0x1  }
0x71: {  	(erf) = vrcp.f32 v4;
	_ =	sdelay $0x5  }
.Ltmp1:
0x72: {  	(pc) =	sbr.rel @p0 .LBB2_4-.Ltmp1, $3  }
0x73: {  	_ =	sdelay $0x1  }
0x74: {  	v6 =	vpop (erf)  }
0x75: {  	v5 =	vmul.f32 v6, v5;
	v4 =	vmul.f32 v6, v7  }
0x76: {  	_ =	sdelay $0x3  }
0x77: {  	v3 =	vmul.f32 v6, v3;
	[tilespmem:v2+s20+$0x0] =	vst.idx.add.f32.msk $0xffff, v5  }
0x78: {  	[tilespmem:v2+s21+$0x0] =	vst.idx.add.f32.msk $0xffff, v4  }
0x79: {  	[tilespmem:v2+s22+$0x0] =	vst.idx.add.f32.msk $0xffff, v3  }
0x7a: {  	[tilespmem:v2+s23+$0x0] =	vst.idx.add.f32.msk $0xffff, v1  }
0x7b: {  	[hbm4b:s8+s16] =	stream.strided.scatter [tilespmem:s20], [sflag:$0x1], $0x2000, s24, s16, $0x38;
	[tilespmem:$0xF000] =	vst v63  }
0x7c: {  	_ =	swait.ge [sflag:s13], $0x2000  }
0x7d: {  	[sflag:s13] =	ssyncset.done $0x0  }
0x7e: {  	[sflag:s13] =	ssyncadd.s32 $0xFFFFE000  }
0x7f: {  	[hbm4b:s9+s16] =	stream.strided.scatter [tilespmem:s21], [sflag:$0x1], $0x2000, s24, s16, $0x38;
	[tilespmem:$0xF000] =	vst v63  }
0x80: {  	_ =	swait.ge [sflag:s13], $0x2000  }
0x81: {  	[sflag:s13] =	ssyncset.done $0x0  }
0x82: {  	[sflag:s13] =	ssyncadd.s32 $0xFFFFE000  }
0x83: {  	[hbm4b:s10+s16] =	stream.strided.scatter [tilespmem:s22], [sflag:$0x1], $0x2000, s24, s16, $0x38;
	[tilespmem:$0xF000] =	vst v63  }
0x84: {  	s25 =	sadd.s32 $0x1, s25;
	_ =	swait.ge [sflag:s13], $0x2000  }
0x85: {  	p0 =	sne.s32 s25, s12;
	[sflag:s13] =	ssyncset.done $0x0  }
.Ltmp2:
0x86: {  	[sflag:s13] =	ssyncadd.s32 $0xFFFFE000;
	(pc) =	sbr.rel @p0 .LBB2_1-.Ltmp2, $4  }
0x87: {  	[hbm4b:s11+s16] =	stream.strided.scatter [tilespmem:s23], [sflag:$0x1], $0x2000, s24, s16, $0x38;
	[tilespmem:$0xF000] =	vst v63  }
0x88: {  	_ =	swait.ge [sflag:s13], $0x2000  }
0x89: {  	[sflag:s13] =	ssyncset.done $0x0  }
0x8a: {  	[sflag:s13] =	ssyncadd.s32 $0xFFFFE000  }
0x8b: {  	_ =	sfence.sel $0x180000  }
0x8c: {  	[bflag:$0x0] =	sbarrier.arrive $0xFFFF  }
0x8d: {  	p0 =	sne.s32 s1, $0x0;
	_ =	strace $0x90000047  }
0x8e: {  	s0 =	sadd.s32 @!p0 $0x100000, s0;
	[bflag:$0x2] =	sbarrier.arrive $0xFFFF  }
0x8f: {  	[sflag:s0] =	ssyncadd.tile.s32 @!p0 $0x1;
	_ =	shalt  }
.Lfunc_end2:
_tile_overlayer_lowered:
.L_overlay_start_2:
0x90: {  	(tag) =	ssettag $0x2  }
0x91: {  	s0 =	rddreg [dreg:$0x0];
	s2 =	stileid.u32  }
0x92: {  	s1 =	rddreg [dreg:$0x1];
	p0 =	sne.s32 s2, $0x0  }
0x93: {  	s3 =	rddreg [dreg:$0x2];
	[bflag:$0x3] =	sbarrier.arrive $0xFFFF;
	s2 =	simm.s32 @!p0 $0x1C01  }
0x94: {  	[timem:s3], [sflag:s2] =	dma.local @!p0 [hbm:s0], s1  }
0x95: {  	s0 =	simm.s32 @!p0 $0x1  }
0x96: {  	_ =	swait.ge @!p0 [sflag:s0], s1  }
0x97: {  	s1 =	ssub.s32 @!p0 $0x0, s1;
	[sflag:s0] =	ssyncset.done @!p0 $0x0  }
0x98: {  	[sflag:s0] =	ssyncadd.s32 @!p0 s1  }
0x99: {  	[bflag:$0x3] =	sbarrier.arrive $0xFFFF  }
0x9a: {  	_ =	shalt  }

// kernel: kernel.13.cloned.1.call-start
scs
__scs_entry_jumppad:
0x0: {  	(pc) =	sbr.rel $0x88, $3  }
0x1: {  	(tag) =	ssettag $0x0;
	lr =	simm.s32 $0x1  }
0x2: {  	[smem:$0x3F8D] =	sst lr;
	_ =	strace $0xD0000000  }
0x3: {  	_ = 	snop  }
0x4: {  	_ = 	snop  }
0x5: {  	_ = 	snop  }
0x6: {  	_ = 	snop  }
0x7: {  	_ = 	snop  }
__scs_overlays_trampoline_lowered:
0x8: {  	[smem:$0x3F9C] =	sst s0  }
0x9: {  	[smem:$0x3F9D] =	sst s1  }
0xa: {  	[smem:$0x3F9E] =	sst s2  }
0xb: {  	[smem:$0x3F9F] =	sst s3  }
0xc: {  	[smem:$0x3FA0] =	sst s4  }
0xd: {  	[smem:$0x3FA1] =	sst s5  }
0xe: {  	[smem:$0x3FA2] =	sst s6  }
0xf: {  	[smem:$0x3FA3] =	sst s7  }
0x10: {  	[smem:$0x3FA4] =	sst s8  }
0x11: {  	[smem:$0x3FA5] =	sst s9;
	s0 =	simm.s32 @!p0 $0x0  }
0x12: {  	s1 =	sld [smem:$0x3F8B];
	s0 =	simm.s32 @p0 $0x1  }
0x13: {  	[smem:$0x3FA6] =	sst s0;
	s0 =	simm.s32 @!p1 $0x0  }
0x14: {  	s2 =	sld [smem:$0x3F8A];
	s0 =	simm.s32 @p1 $0x1  }
0x15: {  	[smem:$0x3FA7] =	sst s0;
	s0 =	simm.s32 @!p2 $0x0  }
0x16: {  	s3 =	sld [smem:$0x3FDB];
	s0 =	simm.s32 @p2 $0x1  }
0x17: {  	s4 =	simm.s32 $0x1BF5;
	[smem:$0x3FA9] =	sst s0  }
0x18: {  	s0 =	sld [smem:$0x3F8C];
	_ =	swait.ge [sflag:s4], $0x0  }
0x19: {  	s7 =	sld [smem:$0x3F8D]  }
0x1a: {  	s8 =	sadd.s32 $0xFFFFE003, lr  }
0x1b: {  	s9 =	sadd.s32 $0xFFFFFEF7, lr;
	s5 =	simm.s32 $0xFFFFFFFF;
	p2 =	slt.u32 s8, $0xFFFFF086  }
0x1c: {  	p1 =	slt.u32 s9, $0xF7A;
	s5 =	simm.s32 @!p2 $0x0  }
0x1d: {  	s5 =	simm.s32 @p1 $0x1;
	p0 =	seq.s32 s7, s2  }
0x1e: {  	s7 =	smul.u32 @!p0 $0xF7A, s2;
	p2 =	seq.s32 @!p0 s5, $0x0  }
0x1f: {  	s9 =	smul.u32 $0xF7A, s1;
	s8 =	simm.s32 @!p0 $0x1BF5;
	p2 =	por !p2, p0  }
0x20: {  	[sflag:s8] =	ssyncset.s32 @!p0 $0xFFFFF086;
	s6 =	sadd.s32 @!p0 s3, s7;
	s7 =	simm.s32 @!p0 $0x108  }
0x21: {  	s3 =	sadd.s32 s3, s9;
	s6 =	sadd.s32 @!p0 $0x88, s6;
	s7 =	simm.s32 @p2 $0x1082  }
0x22: {  	[simem:s7], [sflag:s8] =	dma.local @!p0 [hbm:s6], $0xF7A  }
0x23: {  	s9 =	sor.u32 $0xD0000000, s2;
	s6 =	simm.s32 $0x108;
	_ =	swait.ge @!p0 [sflag:s8], $0x0  }
0x24: {  	s3 =	sadd.s32 $0x88, s3;
	s6 =	simm.s32 @!p1 $0x1082;
	[sflag:s4] =	ssyncset.s32 $0xFFFFF086  }
0x25: {  	[simem:s6], [sflag:s4] =	dma.local [hbm:s3], $0xF7A  }
0x26: {  	[smem:$0x3F8D] =	sst s1;
	(tag) =	ssettag s2;
	_ =	strace s9  }
0x27: {  	s1 =	sld [smem:$0x3F9D]  }
0x28: {  	s2 =	sld [smem:$0x3F9E]  }
0x29: {  	s4 =	sld [smem:$0x3FA0]  }
0x2a: {  	p0 =	seq.s32 s5, $0x0;
	s5 =	sld [smem:$0x3FA1]  }
0x2b: {  	s6 =	sld [smem:$0x3FA2]  }
0x2c: {  	s7 =	sld [smem:$0x3FA3]  }
0x2d: {  	s3 =	simm.s32 $0x108;
	s8 =	sld [smem:$0x3FA4]  }
0x2e: {  	s3 =	simm.s32 @!p0 $0x1082;
	s9 =	sld [smem:$0x3FA5]  }
0x2f: {  	lr =	sadd.s32 s0, s3;
	s0 =	sld [smem:$0x3F9C]  }
0x30: {  	s3 =	sld [smem:$0x3F9F]  }
0x31: {  	[smem:$0x3FA8] =	sst s10  }
0x32: {  	s10 =	sld [smem:$0x3FA6];
	_ =	sdelay $0x3  }
0x33: {  	p0 =	seq.s32 s10, $0x1;
	s10 =	sld [smem:$0x3FA8];
	_ =	sdelay $0x3  }
0x34: {  	[smem:$0x3FA8] =	sst s10  }
0x35: {  	s10 =	sld [smem:$0x3FA7];
	_ =	sdelay $0x3  }
0x36: {  	p1 =	seq.s32 s10, $0x1;
	s10 =	sld [smem:$0x3FA8];
	_ =	sdelay $0x3  }
0x37: {  	[smem:$0x3FA8] =	sst s10  }
0x38: {  	s10 =	sld [smem:$0x3FA9]  }
0x39: {  	_ = 	snop;
	(pc) =	sbr.ind lr, $3  }
0x3a: {  	_ = 	snop  }
0x3b: {  	_ = 	snop  }
0x3c: {  	p2 =	seq.s32 s10, $0x1;
	s10 =	sld [smem:$0x3FA8]  }
0x3d: {  	_ =	shalt  }
0x3e: {  	_ =	shalt  }
0x3f: {  	_ =	shalt  }
0x40: {  	_ =	shalt  }
0x41: {  	_ =	shalt  }
0x42: {  	_ =	shalt  }
0x43: {  	_ =	shalt  }
0x44: {  	_ =	shalt  }
0x45: {  	_ =	shalt  }
0x46: {  	_ =	shalt  }
0x47: {  	_ =	shalt  }
0x48: {  	_ =	shalt  }
0x49: {  	_ =	shalt  }
0x4a: {  	_ =	shalt  }
0x4b: {  	_ =	shalt  }
0x4c: {  	_ =	shalt  }
0x4d: {  	_ =	shalt  }
0x4e: {  	_ =	shalt  }
0x4f: {  	_ =	shalt  }
0x50: {  	_ =	shalt  }
0x51: {  	_ =	shalt  }
0x52: {  	_ =	shalt  }
0x53: {  	_ =	shalt  }
0x54: {  	_ =	shalt  }
0x55: {  	_ =	shalt  }
0x56: {  	_ =	shalt  }
0x57: {  	_ =	shalt  }
0x58: {  	_ =	shalt  }
0x59: {  	_ =	shalt  }
0x5a: {  	_ =	shalt  }
0x5b: {  	_ =	shalt  }
0x5c: {  	_ =	shalt  }
0x5d: {  	_ =	shalt  }
0x5e: {  	_ =	shalt  }
0x5f: {  	_ =	shalt  }
0x60: {  	_ =	shalt  }
0x61: {  	_ =	shalt  }
0x62: {  	_ =	shalt  }
0x63: {  	_ =	shalt  }
0x64: {  	_ =	shalt  }
0x65: {  	_ =	shalt  }
0x66: {  	_ =	shalt  }
0x67: {  	_ =	shalt  }
0x68: {  	_ =	shalt  }
0x69: {  	_ =	shalt  }
0x6a: {  	_ =	shalt  }
0x6b: {  	_ =	shalt  }
0x6c: {  	_ =	shalt  }
0x6d: {  	_ =	shalt  }
0x6e: {  	_ =	shalt  }
0x6f: {  	_ =	shalt  }
0x70: {  	_ =	shalt  }
0x71: {  	_ =	shalt  }
0x72: {  	_ =	shalt  }
0x73: {  	_ =	shalt  }
0x74: {  	_ =	shalt  }
0x75: {  	_ =	shalt  }
0x76: {  	_ =	shalt  }
0x77: {  	_ =	shalt  }
0x78: {  	_ =	shalt  }
0x79: {  	_ =	shalt  }
0x7a: {  	_ =	shalt  }
0x7b: {  	_ =	shalt  }
0x7c: {  	_ =	shalt  }
0x7d: {  	_ =	shalt  }
0x7e: {  	_ =	shalt  }
0x7f: {  	_ =	shalt  }
0x80: {  	_ =	shalt  }
0x81: {  	_ =	shalt  }
0x82: {  	_ =	shalt  }
0x83: {  	_ =	shalt  }
0x84: {  	_ =	shalt  }
0x85: {  	_ =	shalt  }
0x86: {  	_ =	shalt  }
0x87: {  	_ =	shalt  }
.Lfunc_end0:
.L_simem_size_0:
called_computation.1_lowered:
.L_overlay_start_0:
0x88: {  	s2 =	sld [smem:$0x3FD9]  }
0x89: {  	s3 =	sld [smem:$0x3FFE];
	_ =	sdelay $0x1  }
0x8a: {  	s1 =	srdreg.scid  }
0x8b: {  	s0 =	sand.u32 $0x1, s1  }
0x8c: {  	s17 =	sshll.u32 s0, $0xA;
	s2 =	sadd.s32 s3, s2  }
0x8d: {  	s2 =	sadd.s32 s2, s17  }
0x8e: {  	[smem:$0x3FB4] =	sst s2  }
0x8f: {  	_ = 	snop  }
0x90: {  	s18 =	sld [smem:$0x3FB8];
	(tm) =	ssettm $0x1  }
0x91: {  	s19 =	sld [smem:$0x3FFB];
	_ =	sdelay $0x3  }
0x92: {  	_ =	strace s19  }
0x93: {  	s2 =	sld [smem:$0x3FFC];
	_ =	sdelay $0x3  }
0x94: {  	_ =	strace s2  }
0x95: {  	s2 =	sld [smem:$0x3FFD];
	_ =	sdelay $0x3  }
0x96: {  	_ =	strace s2  }
0x97: {  	_ =	strace $0x8FFFFFFF  }
0x98: {  	s20 =	sld [smem:$0x3FDB];
	_ =	sdelay $0x1  }
0x99: {  	s4 =	simm.s32 $_scs_section_size  }
0x9a: {  	s5 =	simm.s32 $_size__tile_overlayer_lowered;
	s6 =	simm.s32 $_tile_overlayer_lowered  }
0x9b: {  	s7 =	simm.s32 $0x1BFF;
	s21 =	sshll.u32 s6, $0x1;
	s4 =	sadd.s32 s4, s20  }
0x9c: {  	s22 =	simm.s32 $0x0;
	s5 =	sshll.u32 s5, $0x1;
	s6 =	sadd.s32 s21, s4  }
0x9d: {  	[timem:s22], [sflag:s7] =	dma.local [hbm:s6], s5  }
0x9e: {  	_ =	swait.ge [sflag:s7], s5  }
0x9f: {  	s5 =	ssub.s32 $0x0, s5;
	[sflag:s7] =	ssyncset.done $0x0  }
0xa0: {  	[sflag:s7] =	ssyncadd.s32 s5;
	_ =	sdelay $0x1  }
0xa1: {  	s23 =	simm.s32 $0x1B8B  }
0xa2: {  	_ =	swait.ge [sflag:s23], $0x1  }
0xa3: {  	[sflag:s23] =	ssyncset.done $0x0  }
0xa4: {  	[sflag:s23] =	ssyncadd.s32 $0xFFFFFFFF  }
0xa5: {  	s5 =	sld [smem:$0x0]  }
0xa6: {  	s6 =	sand.u32 $0xFFFFFFFE, s1  }
0xa7: {  	p0 =	sne.s32 s1, s6  }
0xa8: {  	s6 =	sshll.u32 @p0 s6, $0xE  }
0xa9: {  	s6 =	sadd.s32 @p0 $0x11B8D, s6;
	s7 =	sshll.u32 @p0 s5, $0x11  }
0xaa: {  	s6 =	sor.u32 @p0 s7, s6  }
0xab: {  	[sflag:s6] =	ssyncadd.remote.s32 @p0 $0x1;
	_ =	sdelay $0x1  }
0xac: {  	s6 =	simm.s32 @p0 $0x1B8D  }
0xad: {  	_ =	swait.eq @p0 [sflag:s6], $0x1  }
0xae: {  	[sflag:s6] =	ssyncadd.s32 @p0 $0xFFFFFFFF  }
0xaf: {  	s7 =	sshll.u32 @!p0 s1, $0xE  }
0xb0: {  	s7 =	sor.u32 @!p0 $0x4000, s7;
	s6 =	simm.s32 @!p0 $0x1B8D  }
0xb1: {  	s5 =	sshll.u32 @!p0 s5, $0x11;
	s7 =	sadd.s32 @!p0 $0x11B8D, s7;
	_ =	swait.eq @!p0 [sflag:s6], $0x1  }
0xb2: {  	s5 =	sor.u32 @!p0 s5, s7;
	[sflag:s6] =	ssyncadd.s32 @!p0 $0xFFFFFFFF  }
0xb3: {  	s25 =	simm.s32 $0x1B8E;
	s24 =	sld [smem:$0x3FFE];
	[sflag:s5] =	ssyncadd.remote.s32 @!p0 $0x1  }
0xb4: {  	s26 =	simm.s32 $execute0_lowered;
	[smem:$0x3FD2] =	sst s25  }
0xb5: {  	s6 =	sshll.u32 s26, $0x1;
	_ =	strace $0x80000049;
	[dreg:$0x1] =	wrdreg $0xFFFFFFFF  }
0xb6: {  	s28 =	simm.s32 $_size_execute0_lowered;
	s4 =	sadd.s32 s4, s6;
	[dreg:$0x0] =	wrdreg $0x0  }
0xb7: {  	s6 =	sshll.u32 s28, $0x1;
	[dreg:$0x2] =	wrdreg s4  }
0xb8: {  	[dreg:$0x3] =	wrdreg s6  }
0xb9: {  	[dreg:$0x4] =	wrdreg $0xC0  }
0xba: {  	_ =	task [dreg:s22], $0x5FFFF  }
0xbb: {  	[dreg:$0x1] =	wrdreg $0xFFFFFFFF  }
0xbc: {  	[dreg:$0x0] =	wrdreg $0x60  }
0xbd: {  	[dreg:$0x2] =	wrdreg s24  }
0xbe: {  	[dreg:$0x3] =	wrdreg s18  }
0xbf: {  	[dreg:$0x4] =	wrdreg $0xA  }
0xc0: {  	_ =	task.clear_ibuf [dreg:s22], $0x5FFFF;
	_ =	strace $0x90000049  }
0xc1: {  	s29 =	simm.s32 $0xA;
	_ =	strace $0x8000004B  }
0xc2: {  	_ =	swait.ge [sflag:s29], $0x1  }
0xc3: {  	[sflag:s29] =	ssyncadd.s32 $0xFFFFFFFF  }
0xc4: {  	_ =	strace $0x9000004B  }
0xc5: {  	_ =	sfence  }
0xc6: {  	s30 =	sld [smem:$0x0];
	_ =	sdelay $0x2  }
0xc7: {  	s31 =	sshll.u32 s1, $0xD;
	s1 =	sshrl.u32 s1, $0x2  }
0xc8: {  	s4 =	sand.u32 $0x4000, s31;
	s1 =	sadd.s32 s1, s30  }
0xc9: {  	s0 =	sor.u32 s4, s0;
	s1 =	sshll.u32 s1, $0x11  }
0xca: {  	s0 =	sor.u32 s1, s0  }
0xcb: {  	s0 =	sadd.s32 $0x8F2B, s0  }
0xcc: {  	[sflag:s0] =	ssyncadd.remote.s32 $0x1  }
0xcd: {  	_ =	sfence.sel $0xFFFF  }
0xce: {  	[dreg:$0x0] =	wrdreg $0xFFFFFFFF;
	(pc) =	sbr.abs _section_cstart, $3  }
0xcf: {  	[dreg:$0x1] =	wrdreg $0xFFFFFFFF  }
0xd0: {  	_ =	task.clear_ibuf [dreg:s22], $0x2FFFF;
	_ =	strace $0x9FFFFFFF  }
0xd1: {  	(tm) =	ssettm $0x7FFFFFFF  }
tec
execute0_lowered:
.L_overlay_start_1:
0x0: {  	(tag) =	ssettag $0x1  }
0x1: {  	s7 =	rddreg [dreg:$0x0]  }
0x2: {  	s6 =	rddreg [dreg:$0x1]  }
0x3: {  	s0 =	rddreg [dreg:$0x2];
	s2 =	simm.s32 $0x0  }
0x4: {  	s3 =	srdreg.scid;
	s1 =	stileid.u32;
	s14 =	simm.s32 $0x2000  }
0x5: {  	s15 =	simm.s32 $0x4000;
	s16 =	simm.s32 $0x80;
	s17 =	simm.s32 $0x100  }
0x6: {  	s18 =	simm.s32 $0x6000;
	s19 =	simm.s32 $0x6800;
	s20 =	simm.s32 $0x7000  }
0x7: {  	s21 =	simm.s32 $0x9000;
	s22 =	simm.s32 $0xB000;
	s23 =	simm.s32 $0xD000  }
0x8: {  	s24 =	simm.s32 $0x200;
	s25 =	simm.s32 $0x0;
	[smem:$0x7FF] =	sst s2  }
0x9: {  	s8 =	sand.u32 $0x1, s3;
	s5 =	sshll.u32 s1, $0x1;
	s3 =	sadd.s32 $0x26200, s7  }
0xa: {  	s4 =	sadd.s32 $0x25E00, s7;
	_ =	strace $0x8000004A;
	s9 =	sor.u32 s8, s5  }
0xb: {  	s5 =	sadd.s32 $0x25A00, s7;
	s8 =	ssub.s32 $0x2, s8;
	s10 =	sshll.u32 s9, $0x9  }
0xc: {  	s9 =	sshll.u32 s9, $0xC;
	s11 =	sshrl.u32 s8, $0x1;
	s6 =	sadd.s32 s6, s10  }
0xd: {  	s12 =	sadd.s32 s9, s7;
	s13 =	ssub.s32 s8, s11;
	s7 =	sadd.s32 $0x10, s6  }
0xe: {  	s8 =	sadd.s32 $0x26600, s12;
	s9 =	sadd.s32 $0x26610, s12;
	s10 =	sadd.s32 $0x26620, s12  }
0xf: {  	v0 =	vimm.f32 $0.0e+00;
	v1 =	vimm.f32 $1.000000000e+00;
	s11 =	sadd.s32 $0x26630, s12;
	s12 =	smax.u32 s13, $0x1;
	s13 =	simm.s32 $0x1  }
.LBB2_1:
0x10: {  	[tilespmem:s2], [sflag:$0x1] =	stream.linear.gather [hbm4b:s3+s2], $0x2000, $0x38;
	[tilespmem:$0xF000] =	vst v63  }
0x11: {  	_ =	swait.ge [sflag:s13], $0x2000  }
0x12: {  	[sflag:s13] =	ssyncset.done $0x0  }
0x13: {  	[sflag:s13] =	ssyncadd.s32 $0xFFFFE000  }
0x14: {  	[tilespmem:s14], [sflag:$0x1] =	stream.linear.gather [hbm4b:s4+s2], $0x2000, $0x38;
	[tilespmem:$0xF000] =	vst v63  }
0x15: {  	_ =	swait.ge [sflag:s13], $0x2000  }
0x16: {  	[sflag:s13] =	ssyncset.done $0x0  }
0x17: {  	[sflag:s13] =	ssyncadd.s32 $0xFFFFE000  }
0x18: {  	[tilespmem:s15], [sflag:$0x1] =	stream.linear.gather [hbm4b:s5+s2], $0x2000, $0x38;
	[tilespmem:$0xF000] =	vst v63  }
0x19: {  	_ =	swait.ge [sflag:s13], $0x2000  }
0x1a: {  	[sflag:s13] =	ssyncset.done $0x0  }
0x1b: {  	[sflag:s13] =	ssyncadd.s32 $0xFFFFE000  }
0x1c: {  	[tilespmem:s18], [sflag:$0x1] =	stream.strided.gather [hbm4b:s6+s16], $0x800, s17, s16, $0x38;
	[tilespmem:$0xF000] =	vst v63  }
0x1d: {  	_ =	swait.ge [sflag:s13], $0x800  }
0x1e: {  	[sflag:s13] =	ssyncset.done $0x0  }
0x1f: {  	[sflag:s13] =	ssyncadd.s32 $0xFFFFF800  }
0x20: {  	[tilespmem:s19], [sflag:$0x1] =	stream.strided.gather [hbm4b:s7+s16], $0x800, s17, s16, $0x38;
	[tilespmem:$0xF000] =	vst v63  }
0x21: {  	_ =	swait.ge [sflag:s13], $0x800  }
0x22: {  	[sflag:s13] =	ssyncset.done $0x0  }
0x23: {  	s26 =	simm.s32 $0x0;
	[sflag:s13] =	ssyncadd.s32 $0xFFFFF800  }
.LBB2_2:
0x24: {  	p0 =	sne.s32 s26, $0x7FC0  }
.Ltmp0:
0x25: {  	s28 =	sshra.s32 s26, $0x2;
	(pc) =	sbr.rel @p0 .LBB2_2-.Ltmp0, $4  }
0x26: {  	[tilespmem:s28+$0x7000] =	vst v0  }
0x27: {  	[tilespmem:s28+$0x9000] =	vst v0  }
0x28: {  	[tilespmem:s28+$0xB000] =	vst v0  }
0x29: {  	s26 =	sadd.s32 $0x40, s26;
	[tilespmem:s28+$0xD000] =	vst v0  }
0x2a: {  	s26 =	simm.s32 $0x0  }
0x2b: {  	v3 =	vld [tilespmem:s26+$0x6000];
	_ =	sdelay $0x1  }
0x2c: {  	v2 =	vld [tilespmem:s26+$0x6800];
	_ =	sdelay $0x5  }
0x2d: {  	v4 =	vld.idx.msk [tilespmem:v3+s2+$0x0], $0xffff  }
0x2e: {  	v5 =	vld.idx.msk [tilespmem:v3+s14+$0x0], $0xffff  }
0x2f: {  	v6 =	vld.idx.msk [tilespmem:v2+s2+$0x0], $0xffff  }
0x30: {  	v7 =	vld.idx.msk [tilespmem:v2+s14+$0x0], $0xffff  }
0x31: {  	v3 =	vld.idx.msk [tilespmem:v3+s15+$0x0], $0xffff  }
0x32: {  	v8 =	vld.idx.msk [tilespmem:v2+s15+$0x0], $0xffff;
	_ =	sdelay $0x2  }
0x33: {  	v4 =	vsub.f32 v6, v4;
	v7 =	vsub.f32 v7, v5;
	_ =	sdelay $0x1  }
0x34: {  	v3 =	vsub.f32 v8, v3;
	v5 =	vmul.f32 v4, v4;
	v6 =	vmul.f32 v7, v7;
	_ =	sdelay $0x1  }
0x35: {  	v8 =	vmul.f32 v3, v3;
	v5 =	vadd.f32 v6, v5;
	_ =	sdelay $0x1  }
0x36: {  	v5 =	vadd.f32 v8, v5;
	_ =	sdelay $0x1  }
0x37: {  	v6 =	vshra.s32 v5, $0x1;
	v8 =	vmul.f32 $5.000000000e-01, v5  }
0x38: {  	v6 =	vsub.s32 $0x5F3759DF, v6  }
0x39: {  	v9 =	vmul.f32 v6, v8;
	_ =	sdelay $0x1  }
0x3a: {  	v9 =	vmul.f32 v6, v9;
	_ =	sdelay $0x1  }
0x3b: {  	v9 =	vsub.f32 $1.500000000e+00, v9;
	_ =	sdelay $0x1  }
0x3c: {  	v6 =	vmul.f32 v6, v9;
	_ =	sdelay $0x1  }
0x3d: {  	v9 =	vmul.f32 v6, v8;
	_ =	sdelay $0x1  }
0x3e: {  	v9 =	vmul.f32 v9, v6;
	_ =	sdelay $0x1  }
0x3f: {  	v9 =	vsub.f32 $1.500000000e+00, v9;
	_ =	sdelay $0x1  }
0x40: {  	v6 =	vmul.f32 v9, v6;
	_ =	sdelay $0x1  }
0x41: {  	v8 =	vmul.f32 v6, v8;
	_ =	sdelay $0x1  }
0x42: {  	v8 =	vmul.f32 v8, v6;
	_ =	sdelay $0x1  }
0x43: {  	v8 =	vsub.f32 $1.500000000e+00, v8;
	_ =	sdelay $0x1  }
0x44: {  	v6 =	vmul.f32 v8, v6  }
0x45: {  	vm0 =	vgt.f32 v5, $0.0e+00  }
0x46: {  	v6 =	vnsel vm0, $0x0, v6  }
0x47: {  	v5 =	vmul.f32 v6, v5;
	_ =	sdelay $0x1  }
0x48: {  	v5 =	vadd.f32 $9.999999710e-10, v5;
	_ =	sdelay $0x1  }
0x49: {  	(erf) = vrcp.f32 v5;
	_ =	sdelay $0x8  }
0x4a: {  	v6 =	vpop (erf)  }
0x4b: {  	s26 =	simm.s32 $0x40;
	v5 =	vmul.f32 v6, v4;
	v4 =	vmul.f32 v6, v7  }
.LBB2_4:
0x4c: {  	p0 =	sne.s32 s26, $0x1FC0;
	v3 =	vmul.f32 v6, v3;
	s28 =	smov.u32 s26;
	s26 =	sadd.s32 $0x40, s26  }
0x4d: {  	[tilespmem:v2+s20+$0x0] =	vst.idx.add.f32.msk $0xffff, v5  }
0x4e: {  	[tilespmem:v2+s21+$0x0] =	vst.idx.add.f32.msk $0xffff, v4  }
0x4f: {  	[tilespmem:v2+s22+$0x0] =	vst.idx.add.f32.msk $0xffff, v3  }
0x50: {  	s28 =	sshra.s32 s28, $0x2;
	[tilespmem:v2+s23+$0x0] =	vst.idx.add.f32.msk $0xffff, v1  }
0x51: {  	v3 =	vld [tilespmem:s28+$0x6000]  }
0x52: {  	v2 =	vld [tilespmem:s28+$0x6800];
	_ =	sdelay $0x6  }
0x53: {  	v4 =	vld.idx.msk [tilespmem:v3+s15+$0x0], $0xffff  }
0x54: {  	v5 =	vld.idx.msk [tilespmem:v3+s2+$0x0], $0xffff  }
0x55: {  	v3 =	vld.idx.msk [tilespmem:v3+s14+$0x0], $0xffff  }
0x56: {  	v6 =	vld.idx.msk [tilespmem:v2+s2+$0x0], $0xffff  }
0x57: {  	v7 =	vld.idx.msk [tilespmem:v2+s14+$0x0], $0xffff  }
0x58: {  	v8 =	vld.idx.msk [tilespmem:v2+s15+$0x0], $0xffff;
	_ =	sdelay $0x3  }
0x59: {  	v5 =	vsub.f32 v6, v5  }
0x5a: {  	v7 =	vsub.f32 v7, v3  }
0x5b: {  	v3 =	vsub.f32 v8, v4;
	v4 =	vmul.f32 v5, v5  }
0x5c: {  	v6 =	vmul.f32 v7, v7  }
0x5d: {  	v8 =	vmul.f32 v3, v3  }
0x5e: {  	v4 =	vadd.f32 v6, v4;
	_ =	sdelay $0x1  }
0x5f: {  	v4 =	vadd.f32 v8, v4;
	_ =	sdelay $0x1  }
0x60: {  	v6 =	vshra.s32 v4, $0x1;
	v8 =	vmul.f32 $5.000000000e-01, v4  }
0x61: {  	v6 =	vsub.s32 $0x5F3759DF, v6  }
0x62: {  	v9 =	vmul.f32 v6, v8;
	_ =	sdelay $0x1  }
0x63: {  	v9 =	vmul.f32 v6, v9;
	_ =	sdelay $0x1  }
0x64: {  	v9 =	vsub.f32 $1.500000000e+00, v9;
	_ =	sdelay $0x1  }
0x65: {  	v6 =	vmul.f32 v6, v9;
	_ =	sdelay $0x1  }
0x66: {  	v9 =	vmul.f32 v6, v8;
	_ =	sdelay $0x1  }
0x67: {  	v9 =	vmul.f32 v9, v6;
	_ =	sdelay $0x1  }
0x68: {  	v9 =	vsub.f32 $1.500000000e+00, v9;
	_ =	sdelay $0x1  }
0x69: {  	v6 =	vmul.f32 v9, v6;
	_ =	sdelay $0x1  }
0x6a: {  	v8 =	vmul.f32 v6, v8;
	_ =	sdelay $0x1  }
0x6b: {  	v8 =	vmul.f32 v8, v6;
	_ =	sdelay $0x1  }
0x6c: {  	v8 =	vsub.f32 $1.500000000e+00, v8;
	_ =	sdelay $0x1  }
0x6d: {  	vm0 =	vgt.f32 v4, $0.0e+00;
	v6 =	vmul.f32 v8, v6;
	_ =	sdelay $0x1  }
0x6e: {  	v6 =	vnsel vm0, $0x0, v6  }
0x6f: {  	v4 =	vmul.f32 v6, v4;
	_ =	sdelay $0x1  }
0x70: {  	v4 =	vadd.f32 $9.999999710e-10, v4;
	_ =	sdelay $0x1  }
0x71: {  	(erf) = vrcp.f32 v4;
	_ =	sdelay $0x5  }
.Ltmp1:
0x72: {  	(pc) =	sbr.rel @p0 .LBB2_4-.Ltmp1, $3  }
0x73: {  	_ =	sdelay $0x1  }
0x74: {  	v6 =	vpop (erf)  }
0x75: {  	v5 =	vmul.f32 v6, v5;
	v4 =	vmul.f32 v6, v7  }
0x76: {  	_ =	sdelay $0x3  }
0x77: {  	v3 =	vmul.f32 v6, v3;
	[tilespmem:v2+s20+$0x0] =	vst.idx.add.f32.msk $0xffff, v5  }
0x78: {  	[tilespmem:v2+s21+$0x0] =	vst.idx.add.f32.msk $0xffff, v4  }
0x79: {  	[tilespmem:v2+s22+$0x0] =	vst.idx.add.f32.msk $0xffff, v3  }
0x7a: {  	[tilespmem:v2+s23+$0x0] =	vst.idx.add.f32.msk $0xffff, v1  }
0x7b: {  	[hbm4b:s8+s16] =	stream.strided.scatter [tilespmem:s20], [sflag:$0x1], $0x2000, s24, s16, $0x38;
	[tilespmem:$0xF000] =	vst v63  }
0x7c: {  	_ =	swait.ge [sflag:s13], $0x2000  }
0x7d: {  	[sflag:s13] =	ssyncset.done $0x0  }
0x7e: {  	[sflag:s13] =	ssyncadd.s32 $0xFFFFE000  }
0x7f: {  	[hbm4b:s9+s16] =	stream.strided.scatter [tilespmem:s21], [sflag:$0x1], $0x2000, s24, s16, $0x38;
	[tilespmem:$0xF000] =	vst v63  }
0x80: {  	_ =	swait.ge [sflag:s13], $0x2000  }
0x81: {  	[sflag:s13] =	ssyncset.done $0x0  }
0x82: {  	[sflag:s13] =	ssyncadd.s32 $0xFFFFE000  }
0x83: {  	[hbm4b:s10+s16] =	stream.strided.scatter [tilespmem:s22], [sflag:$0x1], $0x2000, s24, s16, $0x38;
	[tilespmem:$0xF000] =	vst v63  }
0x84: {  	s25 =	sadd.s32 $0x1, s25;
	_ =	swait.ge [sflag:s13], $0x2000  }
0x85: {  	p0 =	sne.s32 s25, s12;
	[sflag:s13] =	ssyncset.done $0x0  }
.Ltmp2:
0x86: {  	[sflag:s13] =	ssyncadd.s32 $0xFFFFE000;
	(pc) =	sbr.rel @p0 .LBB2_1-.Ltmp2, $4  }
0x87: {  	[hbm4b:s11+s16] =	stream.strided.scatter [tilespmem:s23], [sflag:$0x1], $0x2000, s24, s16, $0x38;
	[tilespmem:$0xF000] =	vst v63  }
0x88: {  	_ =	swait.ge [sflag:s13], $0x2000  }
0x89: {  	[sflag:s13] =	ssyncset.done $0x0  }
0x8a: {  	[sflag:s13] =	ssyncadd.s32 $0xFFFFE000  }
0x8b: {  	_ =	sfence.sel $0x180000  }
0x8c: {  	[bflag:$0x0] =	sbarrier.arrive $0xFFFF  }
0x8d: {  	p0 =	sne.s32 s1, $0x0;
	_ =	strace $0x9000004A  }
0x8e: {  	s0 =	sadd.s32 @!p0 $0x100000, s0;
	[bflag:$0x2] =	sbarrier.arrive $0xFFFF  }
0x8f: {  	[sflag:s0] =	ssyncadd.tile.s32 @!p0 $0x1;
	_ =	shalt  }
.Lfunc_end2:
_tile_overlayer_lowered:
.L_overlay_start_2:
0x90: {  	(tag) =	ssettag $0x2  }
0x91: {  	s0 =	rddreg [dreg:$0x0];
	s2 =	stileid.u32  }
0x92: {  	s1 =	rddreg [dreg:$0x1];
	p0 =	sne.s32 s2, $0x0  }
0x93: {  	s3 =	rddreg [dreg:$0x2];
	[bflag:$0x3] =	sbarrier.arrive $0xFFFF;
	s2 =	simm.s32 @!p0 $0x1C01  }
0x94: {  	[timem:s3], [sflag:s2] =	dma.local @!p0 [hbm:s0], s1  }
0x95: {  	s0 =	simm.s32 @!p0 $0x1  }
0x96: {  	_ =	swait.ge @!p0 [sflag:s0], s1  }
0x97: {  	s1 =	ssub.s32 @!p0 $0x0, s1;
	[sflag:s0] =	ssyncset.done @!p0 $0x0  }
0x98: {  	[sflag:s0] =	ssyncadd.s32 @!p0 s1  }
0x99: {  	[bflag:$0x3] =	sbarrier.arrive $0xFFFF  }
0x9a: {  	_ =	shalt  }

// kernel: kernel.16.cloned.1.call-start
scs
__scs_entry_jumppad:
0x0: {  	(pc) =	sbr.rel $0x88, $3  }
0x1: {  	(tag) =	ssettag $0x0;
	lr =	simm.s32 $0x1  }
0x2: {  	[smem:$0x3F8D] =	sst lr;
	_ =	strace $0xD0000000  }
0x3: {  	_ = 	snop  }
0x4: {  	_ = 	snop  }
0x5: {  	_ = 	snop  }
0x6: {  	_ = 	snop  }
0x7: {  	_ = 	snop  }
__scs_overlays_trampoline_lowered:
0x8: {  	[smem:$0x3F9C] =	sst s0  }
0x9: {  	[smem:$0x3F9D] =	sst s1  }
0xa: {  	[smem:$0x3F9E] =	sst s2  }
0xb: {  	[smem:$0x3F9F] =	sst s3  }
0xc: {  	[smem:$0x3FA0] =	sst s4  }
0xd: {  	[smem:$0x3FA1] =	sst s5  }
0xe: {  	[smem:$0x3FA2] =	sst s6  }
0xf: {  	[smem:$0x3FA3] =	sst s7  }
0x10: {  	[smem:$0x3FA4] =	sst s8  }
0x11: {  	[smem:$0x3FA5] =	sst s9;
	s0 =	simm.s32 @!p0 $0x0  }
0x12: {  	s1 =	sld [smem:$0x3F8B];
	s0 =	simm.s32 @p0 $0x1  }
0x13: {  	[smem:$0x3FA6] =	sst s0;
	s0 =	simm.s32 @!p1 $0x0  }
0x14: {  	s2 =	sld [smem:$0x3F8A];
	s0 =	simm.s32 @p1 $0x1  }
0x15: {  	[smem:$0x3FA7] =	sst s0;
	s0 =	simm.s32 @!p2 $0x0  }
0x16: {  	s3 =	sld [smem:$0x3FDB];
	s0 =	simm.s32 @p2 $0x1  }
0x17: {  	s4 =	simm.s32 $0x1BF5;
	[smem:$0x3FA9] =	sst s0  }
0x18: {  	s0 =	sld [smem:$0x3F8C];
	_ =	swait.ge [sflag:s4], $0x0  }
0x19: {  	s7 =	sld [smem:$0x3F8D]  }
0x1a: {  	s8 =	sadd.s32 $0xFFFFE003, lr  }
0x1b: {  	s9 =	sadd.s32 $0xFFFFFEF7, lr;
	s5 =	simm.s32 $0xFFFFFFFF;
	p2 =	slt.u32 s8, $0xFFFFF086  }
0x1c: {  	p1 =	slt.u32 s9, $0xF7A;
	s5 =	simm.s32 @!p2 $0x0  }
0x1d: {  	s5 =	simm.s32 @p1 $0x1;
	p0 =	seq.s32 s7, s2  }
0x1e: {  	s7 =	smul.u32 @!p0 $0xF7A, s2;
	p2 =	seq.s32 @!p0 s5, $0x0  }
0x1f: {  	s9 =	smul.u32 $0xF7A, s1;
	s8 =	simm.s32 @!p0 $0x1BF5;
	p2 =	por !p2, p0  }
0x20: {  	[sflag:s8] =	ssyncset.s32 @!p0 $0xFFFFF086;
	s6 =	sadd.s32 @!p0 s3, s7;
	s7 =	simm.s32 @!p0 $0x108  }
0x21: {  	s3 =	sadd.s32 s3, s9;
	s6 =	sadd.s32 @!p0 $0x88, s6;
	s7 =	simm.s32 @p2 $0x1082  }
0x22: {  	[simem:s7], [sflag:s8] =	dma.local @!p0 [hbm:s6], $0xF7A  }
0x23: {  	s9 =	sor.u32 $0xD0000000, s2;
	s6 =	simm.s32 $0x108;
	_ =	swait.ge @!p0 [sflag:s8], $0x0  }
0x24: {  	s3 =	sadd.s32 $0x88, s3;
	s6 =	simm.s32 @!p1 $0x1082;
	[sflag:s4] =	ssyncset.s32 $0xFFFFF086  }
0x25: {  	[simem:s6], [sflag:s4] =	dma.local [hbm:s3], $0xF7A  }
0x26: {  	[smem:$0x3F8D] =	sst s1;
	(tag) =	ssettag s2;
	_ =	strace s9  }
0x27: {  	s1 =	sld [smem:$0x3F9D]  }
0x28: {  	s2 =	sld [smem:$0x3F9E]  }
0x29: {  	s4 =	sld [smem:$0x3FA0]  }
0x2a: {  	p0 =	seq.s32 s5, $0x0;
	s5 =	sld [smem:$0x3FA1]  }
0x2b: {  	s6 =	sld [smem:$0x3FA2]  }
0x2c: {  	s7 =	sld [smem:$0x3FA3]  }
0x2d: {  	s3 =	simm.s32 $0x108;
	s8 =	sld [smem:$0x3FA4]  }
0x2e: {  	s3 =	simm.s32 @!p0 $0x1082;
	s9 =	sld [smem:$0x3FA5]  }
0x2f: {  	lr =	sadd.s32 s0, s3;
	s0 =	sld [smem:$0x3F9C]  }
0x30: {  	s3 =	sld [smem:$0x3F9F]  }
0x31: {  	[smem:$0x3FA8] =	sst s10  }
0x32: {  	s10 =	sld [smem:$0x3FA6];
	_ =	sdelay $0x3  }
0x33: {  	p0 =	seq.s32 s10, $0x1;
	s10 =	sld [smem:$0x3FA8];
	_ =	sdelay $0x3  }
0x34: {  	[smem:$0x3FA8] =	sst s10  }
0x35: {  	s10 =	sld [smem:$0x3FA7];
	_ =	sdelay $0x3  }
0x36: {  	p1 =	seq.s32 s10, $0x1;
	s10 =	sld [smem:$0x3FA8];
	_ =	sdelay $0x3  }
0x37: {  	[smem:$0x3FA8] =	sst s10  }
0x38: {  	s10 =	sld [smem:$0x3FA9]  }
0x39: {  	_ = 	snop;
	(pc) =	sbr.ind lr, $3  }
0x3a: {  	_ = 	snop  }
0x3b: {  	_ = 	snop  }
0x3c: {  	p2 =	seq.s32 s10, $0x1;
	s10 =	sld [smem:$0x3FA8]  }
0x3d: {  	_ =	shalt  }
0x3e: {  	_ =	shalt  }
0x3f: {  	_ =	shalt  }
0x40: {  	_ =	shalt  }
0x41: {  	_ =	shalt  }
0x42: {  	_ =	shalt  }
0x43: {  	_ =	shalt  }
0x44: {  	_ =	shalt  }
0x45: {  	_ =	shalt  }
0x46: {  	_ =	shalt  }
0x47: {  	_ =	shalt  }
0x48: {  	_ =	shalt  }
0x49: {  	_ =	shalt  }
0x4a: {  	_ =	shalt  }
0x4b: {  	_ =	shalt  }
0x4c: {  	_ =	shalt  }
0x4d: {  	_ =	shalt  }
0x4e: {  	_ =	shalt  }
0x4f: {  	_ =	shalt  }
0x50: {  	_ =	shalt  }
0x51: {  	_ =	shalt  }
0x52: {  	_ =	shalt  }
0x53: {  	_ =	shalt  }
0x54: {  	_ =	shalt  }
0x55: {  	_ =	shalt  }
0x56: {  	_ =	shalt  }
0x57: {  	_ =	shalt  }
0x58: {  	_ =	shalt  }
0x59: {  	_ =	shalt  }
0x5a: {  	_ =	shalt  }
0x5b: {  	_ =	shalt  }
0x5c: {  	_ =	shalt  }
0x5d: {  	_ =	shalt  }
0x5e: {  	_ =	shalt  }
0x5f: {  	_ =	shalt  }
0x60: {  	_ =	shalt  }
0x61: {  	_ =	shalt  }
0x62: {  	_ =	shalt  }
0x63: {  	_ =	shalt  }
0x64: {  	_ =	shalt  }
0x65: {  	_ =	shalt  }
0x66: {  	_ =	shalt  }
0x67: {  	_ =	shalt  }
0x68: {  	_ =	shalt  }
0x69: {  	_ =	shalt  }
0x6a: {  	_ =	shalt  }
0x6b: {  	_ =	shalt  }
0x6c: {  	_ =	shalt  }
0x6d: {  	_ =	shalt  }
0x6e: {  	_ =	shalt  }
0x6f: {  	_ =	shalt  }
0x70: {  	_ =	shalt  }
0x71: {  	_ =	shalt  }
0x72: {  	_ =	shalt  }
0x73: {  	_ =	shalt  }
0x74: {  	_ =	shalt  }
0x75: {  	_ =	shalt  }
0x76: {  	_ =	shalt  }
0x77: {  	_ =	shalt  }
0x78: {  	_ =	shalt  }
0x79: {  	_ =	shalt  }
0x7a: {  	_ =	shalt  }
0x7b: {  	_ =	shalt  }
0x7c: {  	_ =	shalt  }
0x7d: {  	_ =	shalt  }
0x7e: {  	_ =	shalt  }
0x7f: {  	_ =	shalt  }
0x80: {  	_ =	shalt  }
0x81: {  	_ =	shalt  }
0x82: {  	_ =	shalt  }
0x83: {  	_ =	shalt  }
0x84: {  	_ =	shalt  }
0x85: {  	_ =	shalt  }
0x86: {  	_ =	shalt  }
0x87: {  	_ =	shalt  }
.Lfunc_end0:
.L_simem_size_0:
called_computation.2_lowered:
.L_overlay_start_0:
0x88: {  	s2 =	sld [smem:$0x3FD9]  }
0x89: {  	s3 =	sld [smem:$0x3FFE];
	_ =	sdelay $0x1  }
0x8a: {  	s1 =	srdreg.scid  }
0x8b: {  	s0 =	sand.u32 $0x1, s1  }
0x8c: {  	s17 =	sshll.u32 s0, $0xA;
	s2 =	sadd.s32 s3, s2  }
0x8d: {  	s2 =	sadd.s32 s2, s17  }
0x8e: {  	[smem:$0x3FB4] =	sst s2  }
0x8f: {  	_ = 	snop  }
0x90: {  	s18 =	sld [smem:$0x3FB7];
	(tm) =	ssettm $0x1  }
0x91: {  	s19 =	sld [smem:$0x3FFB];
	_ =	sdelay $0x3  }
0x92: {  	_ =	strace s19  }
0x93: {  	s2 =	sld [smem:$0x3FFC];
	_ =	sdelay $0x3  }
0x94: {  	_ =	strace s2  }
0x95: {  	s2 =	sld [smem:$0x3FFD];
	_ =	sdelay $0x3  }
0x96: {  	_ =	strace s2  }
0x97: {  	_ =	strace $0x8FFFFFFF  }
0x98: {  	s20 =	sld [smem:$0x3FDB];
	_ =	sdelay $0x1  }
0x99: {  	s4 =	simm.s32 $_scs_section_size  }
0x9a: {  	s5 =	simm.s32 $_size__tile_overlayer_lowered;
	s6 =	simm.s32 $_tile_overlayer_lowered  }
0x9b: {  	s7 =	simm.s32 $0x1BFF;
	s21 =	sshll.u32 s6, $0x1;
	s4 =	sadd.s32 s4, s20  }
0x9c: {  	s22 =	simm.s32 $0x0;
	s5 =	sshll.u32 s5, $0x1;
	s6 =	sadd.s32 s21, s4  }
0x9d: {  	[timem:s22], [sflag:s7] =	dma.local [hbm:s6], s5  }
0x9e: {  	_ =	swait.ge [sflag:s7], s5  }
0x9f: {  	s5 =	ssub.s32 $0x0, s5;
	[sflag:s7] =	ssyncset.done $0x0  }
0xa0: {  	[sflag:s7] =	ssyncadd.s32 s5;
	_ =	sdelay $0x1  }
0xa1: {  	s23 =	simm.s32 $0x1B8B  }
0xa2: {  	_ =	swait.ge [sflag:s23], $0x1  }
0xa3: {  	[sflag:s23] =	ssyncset.done $0x0  }
0xa4: {  	[sflag:s23] =	ssyncadd.s32 $0xFFFFFFFF  }
0xa5: {  	s5 =	sld [smem:$0x0]  }
0xa6: {  	s6 =	sand.u32 $0xFFFFFFFE, s1  }
0xa7: {  	p0 =	sne.s32 s1, s6  }
0xa8: {  	s6 =	sshll.u32 @p0 s6, $0xE  }
0xa9: {  	s6 =	sadd.s32 @p0 $0x11B8D, s6;
	s7 =	sshll.u32 @p0 s5, $0x11  }
0xaa: {  	s6 =	sor.u32 @p0 s7, s6  }
0xab: {  	[sflag:s6] =	ssyncadd.remote.s32 @p0 $0x1;
	_ =	sdelay $0x1  }
0xac: {  	s6 =	simm.s32 @p0 $0x1B8D  }
0xad: {  	_ =	swait.eq @p0 [sflag:s6], $0x1  }
0xae: {  	[sflag:s6] =	ssyncadd.s32 @p0 $0xFFFFFFFF  }
0xaf: {  	s7 =	sshll.u32 @!p0 s1, $0xE  }
0xb0: {  	s7 =	sor.u32 @!p0 $0x4000, s7;
	s6 =	simm.s32 @!p0 $0x1B8D  }
0xb1: {  	s5 =	sshll.u32 @!p0 s5, $0x11;
	s7 =	sadd.s32 @!p0 $0x11B8D, s7;
	_ =	swait.eq @!p0 [sflag:s6], $0x1  }
0xb2: {  	s5 =	sor.u32 @!p0 s5, s7;
	[sflag:s6] =	ssyncadd.s32 @!p0 $0xFFFFFFFF  }
0xb3: {  	s25 =	simm.s32 $0x1B8E;
	s24 =	sld [smem:$0x3FFE];
	[sflag:s5] =	ssyncadd.remote.s32 @!p0 $0x1  }
0xb4: {  	s26 =	simm.s32 $execute0_lowered;
	[smem:$0x3FD2] =	sst s25  }
0xb5: {  	s6 =	sshll.u32 s26, $0x1;
	_ =	strace $0x8000004C;
	[dreg:$0x1] =	wrdreg $0xFFFFFFFF  }
0xb6: {  	s28 =	simm.s32 $_size_execute0_lowered;
	s4 =	sadd.s32 s4, s6;
	[dreg:$0x0] =	wrdreg $0x0  }
0xb7: {  	s6 =	sshll.u32 s28, $0x1;
	[dreg:$0x2] =	wrdreg s4  }
0xb8: {  	[dreg:$0x3] =	wrdreg s6  }
0xb9: {  	[dreg:$0x4] =	wrdreg $0xC0  }
0xba: {  	_ =	task [dreg:s22], $0x5FFFF  }
0xbb: {  	[dreg:$0x1] =	wrdreg $0xFFFFFFFF  }
0xbc: {  	[dreg:$0x0] =	wrdreg $0x60  }
0xbd: {  	[dreg:$0x2] =	wrdreg s24  }
0xbe: {  	[dreg:$0x3] =	wrdreg s18  }
0xbf: {  	[dreg:$0x4] =	wrdreg $0xB  }
0xc0: {  	_ =	task.clear_ibuf [dreg:s22], $0x5FFFF;
	_ =	strace $0x9000004C  }
0xc1: {  	s29 =	simm.s32 $0xB;
	_ =	strace $0x8000004E  }
0xc2: {  	_ =	swait.ge [sflag:s29], $0x1  }
0xc3: {  	[sflag:s29] =	ssyncadd.s32 $0xFFFFFFFF  }
0xc4: {  	_ =	strace $0x9000004E  }
0xc5: {  	_ =	sfence  }
0xc6: {  	s30 =	sld [smem:$0x0];
	_ =	sdelay $0x2  }
0xc7: {  	s31 =	sshll.u32 s1, $0xD;
	s1 =	sshrl.u32 s1, $0x2  }
0xc8: {  	s4 =	sand.u32 $0x4000, s31;
	s1 =	sadd.s32 s1, s30  }
0xc9: {  	s0 =	sor.u32 s4, s0;
	s1 =	sshll.u32 s1, $0x11  }
0xca: {  	s0 =	sor.u32 s1, s0  }
0xcb: {  	s0 =	sadd.s32 $0x8F2B, s0  }
0xcc: {  	[sflag:s0] =	ssyncadd.remote.s32 $0x1  }
0xcd: {  	_ =	sfence.sel $0xFFFF  }
0xce: {  	[dreg:$0x0] =	wrdreg $0xFFFFFFFF;
	(pc) =	sbr.abs _section_cstart, $3  }
0xcf: {  	[dreg:$0x1] =	wrdreg $0xFFFFFFFF  }
0xd0: {  	_ =	task.clear_ibuf [dreg:s22], $0x2FFFF;
	_ =	strace $0x9FFFFFFF  }
0xd1: {  	(tm) =	ssettm $0x7FFFFFFF  }
tec
execute0_lowered:
.L_overlay_start_1:
0x0: {  	(tag) =	ssettag $0x1  }
0x1: {  	s9 =	rddreg [dreg:$0x0]  }
0x2: {  	s10 =	rddreg [dreg:$0x1]  }
0x3: {  	s0 =	rddreg [dreg:$0x2];
	s1 =	simm.s32 $0x0;
	s7 =	srdreg.scid  }
0x4: {  	s2 =	stileid.u32;
	s15 =	simm.s32 $0x2000;
	s16 =	simm.s32 $0x4000  }
0x5: {  	s17 =	simm.s32 $0x6000;
	s18 =	simm.s32 $0xA000;
	s19 =	simm.s32 $0xE000  }
0x6: {  	s20 =	simm.s32 $0x80;
	s21 =	simm.s32 $0x100;
	s22 =	simm.s32 $0x12000  }
0x7: {  	s23 =	simm.s32 $0x12800;
	s24 =	simm.s32 $0x13000;
	s25 =	simm.s32 $0x15000  }
0x8: {  	s26 =	simm.s32 $0x0;
	[smem:$0x7FF] =	sst s1;
	s3 =	sadd.s32 $0x5600, s9  }
0x9: {  	s4 =	sadd.s32 $0x5200, s9;
	s5 =	sadd.s32 $0x4E00, s9;
	s6 =	sadd.s32 $0x47600, s9  }
0xa: {  	s11 =	sand.u32 $0x1, s7;
	s12 =	sshll.u32 s2, $0x1;
	s7 =	sadd.s32 $0x46E00, s9  }
0xb: {  	s8 =	sadd.s32 $0x46600, s9;
	_ =	strace $0x8000004D;
	s12 =	sor.u32 s11, s12  }
0xc: {  	s11 =	ssub.s32 $0x2, s11;
	s13 =	sshll.u32 s12, $0xB;
	s12 =	sshll.u32 s12, $0x9  }
0xd: {  	s14 =	sshrl.u32 s11, $0x1;
	s13 =	sadd.s32 s13, s9;
	s9 =	sadd.s32 s10, s12  }
0xe: {  	s14 =	ssub.s32 s11, s14;
	s10 =	sadd.s32 $0x10, s9;
	s11 =	sadd.s32 $0x47E00, s13  }
0xf: {  	v0 =	vimm.f32 $0.0e+00;
	v1 =	vimm.f32 $1.000000000e+00;
	s12 =	sadd.s32 $0x47E10, s13;
	s13 =	smax.u32 s14, $0x1;
	s14 =	simm.s32 $0x1  }
.LBB2_1:
0x10: {  	[tilespmem:s1], [sflag:$0x1] =	stream.linear.gather [hbm4b:s3+s1], $0x2000, $0x38;
	[tilespmem:$0x17000] =	vst v63  }
0x11: {  	_ =	swait.ge [sflag:s14], $0x2000  }
0x12: {  	[sflag:s14] =	ssyncset.done $0x0  }
0x13: {  	[sflag:s14] =	ssyncadd.s32 $0xFFFFE000  }
0x14: {  	[tilespmem:s15], [sflag:$0x1] =	stream.linear.gather [hbm4b:s4+s1], $0x2000, $0x38;
	[tilespmem:$0x17000] =	vst v63  }
0x15: {  	_ =	swait.ge [sflag:s14], $0x2000  }
0x16: {  	[sflag:s14] =	ssyncset.done $0x0  }
0x17: {  	[sflag:s14] =	ssyncadd.s32 $0xFFFFE000  }
0x18: {  	[tilespmem:s16], [sflag:$0x1] =	stream.linear.gather [hbm4b:s5+s1], $0x2000, $0x38;
	[tilespmem:$0x17000] =	vst v63  }
0x19: {  	_ =	swait.ge [sflag:s14], $0x2000  }
0x1a: {  	[sflag:s14] =	ssyncset.done $0x0  }
0x1b: {  	[sflag:s14] =	ssyncadd.s32 $0xFFFFE000  }
0x1c: {  	[tilespmem:s17], [sflag:$0x1] =	stream.linear.gather [hbm4b:s6+s1], $0x4000, $0x38;
	[tilespmem:$0x17000] =	vst v63  }
0x1d: {  	_ =	swait.ge [sflag:s14], $0x4000  }
0x1e: {  	[sflag:s14] =	ssyncset.done $0x0  }
0x1f: {  	[sflag:s14] =	ssyncadd.s32 $0xFFFFC000  }
0x20: {  	[tilespmem:s18], [sflag:$0x1] =	stream.linear.gather [hbm4b:s7+s1], $0x4000, $0x38;
	[tilespmem:$0x17000] =	vst v63  }
0x21: {  	_ =	swait.ge [sflag:s14], $0x4000  }
0x22: {  	[sflag:s14] =	ssyncset.done $0x0  }
0x23: {  	[sflag:s14] =	ssyncadd.s32 $0xFFFFC000  }
0x24: {  	[tilespmem:s19], [sflag:$0x1] =	stream.linear.gather [hbm4b:s8+s1], $0x4000, $0x38;
	[tilespmem:$0x17000] =	vst v63  }
0x25: {  	_ =	swait.ge [sflag:s14], $0x4000  }
0x26: {  	[sflag:s14] =	ssyncset.done $0x0  }
0x27: {  	[sflag:s14] =	ssyncadd.s32 $0xFFFFC000  }
0x28: {  	[tilespmem:s22], [sflag:$0x1] =	stream.strided.gather [hbm4b:s9+s20], $0x800, s21, s20, $0x38;
	[tilespmem:$0x17000] =	vst v63  }
0x29: {  	_ =	swait.ge [sflag:s14], $0x800  }
0x2a: {  	[sflag:s14] =	ssyncset.done $0x0  }
0x2b: {  	[sflag:s14] =	ssyncadd.s32 $0xFFFFF800  }
0x2c: {  	[tilespmem:s23], [sflag:$0x1] =	stream.strided.gather [hbm4b:s10+s20], $0x800, s21, s20, $0x38;
	[tilespmem:$0x17000] =	vst v63  }
0x2d: {  	_ =	swait.ge [sflag:s14], $0x800  }
0x2e: {  	[sflag:s14] =	ssyncset.done $0x0  }
0x2f: {  	s28 =	simm.s32 $0x0;
	[sflag:s14] =	ssyncadd.s32 $0xFFFFF800  }
.LBB2_2:
0x30: {  	p0 =	sne.s32 s28, $0x7FC0  }
.Ltmp0:
0x31: {  	_ = 	snop;
	(pc) =	sbr.rel @p0 .LBB2_2-.Ltmp0, $4  }
0x32: {  	_ = 	snop  }
0x33: {  	s29 =	sshra.s32 s28, $0x2  }
0x34: {  	[tilespmem:s29+$0x13000] =	vst v0  }
0x35: {  	s28 =	sadd.s32 $0x40, s28;
	[tilespmem:s29+$0x15000] =	vst v0  }
0x36: {  	s28 =	simm.s32 $0x0  }
0x37: {  	v2 =	vld [tilespmem:s28+$0x12000];
	_ =	sdelay $0x1  }
0x38: {  	v3 =	vld [tilespmem:s28+$0x12800]  }
0x39: {  	s28 =	simm.s32 $0x40  }
.LBB2_4:
0x3a: {  	p0 =	sne.s32 s28, $0x1FC0;
	_ =	sdelay $0x3  }
0x3b: {  	v4 =	vld.idx.msk [tilespmem:v2+s1+$0x0], $0xffff  }
0x3c: {  	v5 =	vld.idx.msk [tilespmem:v2+s15+$0x0], $0xffff  }
0x3d: {  	v6 =	vld.idx.msk [tilespmem:v3+s17+$0x0], $0xffff  }
0x3e: {  	v7 =	vld.idx.msk [tilespmem:v3+s18+$0x0], $0xffff  }
0x3f: {  	v8 =	vld.idx.msk [tilespmem:v2+s16+$0x0], $0xffff  }
0x40: {  	v3 =	vld.idx.msk [tilespmem:v3+s19+$0x0], $0xffff;
	_ =	sdelay $0x3  }
0x41: {  	v4 =	vsub.f32 v4, v6;
	v5 =	vsub.f32 v5, v7;
	_ =	sdelay $0x1  }
0x42: {  	v4 =	vmul.f32 v4, v4;
	v3 =	vsub.f32 v8, v3;
	v5 =	vmul.f32 v5, v5;
	_ =	sdelay $0x1  }
0x43: {  	v4 =	vadd.f32 v5, v4;
	v3 =	vmul.f32 v3, v3;
	_ =	sdelay $0x1  }
0x44: {  	v3 =	vadd.f32 v3, v4;
	_ =	sdelay $0x1  }
0x45: {  	[tilespmem:v2+s24+$0x0] =	vst.idx.add.f32.msk $0xffff, v3  }
.Ltmp1:
0x46: {  	s29 =	sshra.s32 s28, $0x2;
	[tilespmem:v2+s25+$0x0] =	vst.idx.add.f32.msk $0xffff, v1;
	(pc) =	sbr.rel @p0 .LBB2_4-.Ltmp1, $3  }
0x47: {  	v2 =	vld [tilespmem:s29+$0x12000];
	_ =	sdelay $0x1  }
0x48: {  	v3 =	vld [tilespmem:s29+$0x12800]  }
0x49: {  	s28 =	sadd.s32 $0x40, s28  }
0x4a: {  	_ =	sdelay $0x4  }
0x4b: {  	v4 =	vld.idx.msk [tilespmem:v2+s1+$0x0], $0xffff  }
0x4c: {  	v5 =	vld.idx.msk [tilespmem:v2+s15+$0x0], $0xffff  }
0x4d: {  	v6 =	vld.idx.msk [tilespmem:v3+s17+$0x0], $0xffff  }
0x4e: {  	v7 =	vld.idx.msk [tilespmem:v3+s18+$0x0], $0xffff  }
0x4f: {  	v8 =	vld.idx.msk [tilespmem:v2+s16+$0x0], $0xffff  }
0x50: {  	v3 =	vld.idx.msk [tilespmem:v3+s19+$0x0], $0xffff;
	_ =	sdelay $0x2  }
0x51: {  	v4 =	vsub.f32 v4, v6;
	v5 =	vsub.f32 v5, v7;
	_ =	sdelay $0x1  }
0x52: {  	v3 =	vsub.f32 v8, v3;
	v4 =	vmul.f32 v4, v4;
	v5 =	vmul.f32 v5, v5;
	_ =	sdelay $0x1  }
0x53: {  	v3 =	vmul.f32 v3, v3;
	v4 =	vadd.f32 v5, v4;
	_ =	sdelay $0x1  }
0x54: {  	v3 =	vadd.f32 v3, v4;
	_ =	sdelay $0x1  }
0x55: {  	[tilespmem:v2+s24+$0x0] =	vst.idx.add.f32.msk $0xffff, v3  }
0x56: {  	[tilespmem:v2+s25+$0x0] =	vst.idx.add.f32.msk $0xffff, v1  }
0x57: {  	[hbm4b:s11+s20] =	stream.strided.scatter [tilespmem:s24], [sflag:$0x1], $0x2000, s21, s20, $0x38;
	[tilespmem:$0x17000] =	vst v63  }
0x58: {  	s26 =	sadd.s32 $0x1, s26;
	_ =	swait.ge [sflag:s14], $0x2000  }
0x59: {  	p0 =	sne.s32 s26, s13;
	[sflag:s14] =	ssyncset.done $0x0  }
.Ltmp2:
0x5a: {  	[sflag:s14] =	ssyncadd.s32 $0xFFFFE000;
	(pc) =	sbr.rel @p0 .LBB2_1-.Ltmp2, $4  }
0x5b: {  	[hbm4b:s12+s20] =	stream.strided.scatter [tilespmem:s25], [sflag:$0x1], $0x2000, s21, s20, $0x38;
	[tilespmem:$0x17000] =	vst v63  }
0x5c: {  	_ =	swait.ge [sflag:s14], $0x2000  }
0x5d: {  	[sflag:s14] =	ssyncset.done $0x0  }
0x5e: {  	[sflag:s14] =	ssyncadd.s32 $0xFFFFE000  }
0x5f: {  	_ =	sfence.sel $0x180000  }
0x60: {  	[bflag:$0x0] =	sbarrier.arrive $0xFFFF  }
0x61: {  	p0 =	sne.s32 s2, $0x0;
	_ =	strace $0x9000004D  }
0x62: {  	s0 =	sadd.s32 @!p0 $0x100000, s0;
	[bflag:$0x2] =	sbarrier.arrive $0xFFFF  }
0x63: {  	[sflag:s0] =	ssyncadd.tile.s32 @!p0 $0x1;
	_ =	shalt  }
.Lfunc_end2:
_tile_overlayer_lowered:
.L_overlay_start_2:
0x64: {  	(tag) =	ssettag $0x2  }
0x65: {  	s0 =	rddreg [dreg:$0x0];
	s2 =	stileid.u32  }
0x66: {  	s1 =	rddreg [dreg:$0x1];
	p0 =	sne.s32 s2, $0x0  }
0x67: {  	s3 =	rddreg [dreg:$0x2];
	[bflag:$0x3] =	sbarrier.arrive $0xFFFF;
	s2 =	simm.s32 @!p0 $0x1C01  }
0x68: {  	[timem:s3], [sflag:s2] =	dma.local @!p0 [hbm:s0], s1  }
0x69: {  	s0 =	simm.s32 @!p0 $0x1  }
0x6a: {  	_ =	swait.ge @!p0 [sflag:s0], s1  }
0x6b: {  	s1 =	ssub.s32 @!p0 $0x0, s1;
	[sflag:s0] =	ssyncset.done @!p0 $0x0  }
0x6c: {  	[sflag:s0] =	ssyncadd.s32 @!p0 s1  }
0x6d: {  	[bflag:$0x3] =	sbarrier.arrive $0xFFFF  }
0x6e: {  	_ =	shalt  }

// kernel: kernel.19.cloned.1.call-start
scs
__scs_entry_jumppad:
0x0: {  	(pc) =	sbr.rel $0x88, $3  }
0x1: {  	(tag) =	ssettag $0x0;
	lr =	simm.s32 $0x1  }
0x2: {  	[smem:$0x3F8D] =	sst lr;
	_ =	strace $0xD0000000  }
0x3: {  	_ = 	snop  }
0x4: {  	_ = 	snop  }
0x5: {  	_ = 	snop  }
0x6: {  	_ = 	snop  }
0x7: {  	_ = 	snop  }
__scs_overlays_trampoline_lowered:
0x8: {  	[smem:$0x3F9C] =	sst s0  }
0x9: {  	[smem:$0x3F9D] =	sst s1  }
0xa: {  	[smem:$0x3F9E] =	sst s2  }
0xb: {  	[smem:$0x3F9F] =	sst s3  }
0xc: {  	[smem:$0x3FA0] =	sst s4  }
0xd: {  	[smem:$0x3FA1] =	sst s5  }
0xe: {  	[smem:$0x3FA2] =	sst s6  }
0xf: {  	[smem:$0x3FA3] =	sst s7  }
0x10: {  	[smem:$0x3FA4] =	sst s8  }
0x11: {  	[smem:$0x3FA5] =	sst s9;
	s0 =	simm.s32 @!p0 $0x0  }
0x12: {  	s1 =	sld [smem:$0x3F8B];
	s0 =	simm.s32 @p0 $0x1  }
0x13: {  	[smem:$0x3FA6] =	sst s0;
	s0 =	simm.s32 @!p1 $0x0  }
0x14: {  	s2 =	sld [smem:$0x3F8A];
	s0 =	simm.s32 @p1 $0x1  }
0x15: {  	[smem:$0x3FA7] =	sst s0;
	s0 =	simm.s32 @!p2 $0x0  }
0x16: {  	s3 =	sld [smem:$0x3FDB];
	s0 =	simm.s32 @p2 $0x1  }
0x17: {  	s4 =	simm.s32 $0x1BF5;
	[smem:$0x3FA9] =	sst s0  }
0x18: {  	s0 =	sld [smem:$0x3F8C];
	_ =	swait.ge [sflag:s4], $0x0  }
0x19: {  	s7 =	sld [smem:$0x3F8D]  }
0x1a: {  	s8 =	sadd.s32 $0xFFFFE003, lr  }
0x1b: {  	s9 =	sadd.s32 $0xFFFFFEF7, lr;
	s5 =	simm.s32 $0xFFFFFFFF;
	p2 =	slt.u32 s8, $0xFFFFF086  }
0x1c: {  	p1 =	slt.u32 s9, $0xF7A;
	s5 =	simm.s32 @!p2 $0x0  }
0x1d: {  	s5 =	simm.s32 @p1 $0x1;
	p0 =	seq.s32 s7, s2  }
0x1e: {  	s7 =	smul.u32 @!p0 $0xF7A, s2;
	p2 =	seq.s32 @!p0 s5, $0x0  }
0x1f: {  	s9 =	smul.u32 $0xF7A, s1;
	s8 =	simm.s32 @!p0 $0x1BF5;
	p2 =	por !p2, p0  }
0x20: {  	[sflag:s8] =	ssyncset.s32 @!p0 $0xFFFFF086;
	s6 =	sadd.s32 @!p0 s3, s7;
	s7 =	simm.s32 @!p0 $0x108  }
0x21: {  	s3 =	sadd.s32 s3, s9;
	s6 =	sadd.s32 @!p0 $0x88, s6;
	s7 =	simm.s32 @p2 $0x1082  }
0x22: {  	[simem:s7], [sflag:s8] =	dma.local @!p0 [hbm:s6], $0xF7A  }
0x23: {  	s9 =	sor.u32 $0xD0000000, s2;
	s6 =	simm.s32 $0x108;
	_ =	swait.ge @!p0 [sflag:s8], $0x0  }
0x24: {  	s3 =	sadd.s32 $0x88, s3;
	s6 =	simm.s32 @!p1 $0x1082;
	[sflag:s4] =	ssyncset.s32 $0xFFFFF086  }
0x25: {  	[simem:s6], [sflag:s4] =	dma.local [hbm:s3], $0xF7A  }
0x26: {  	[smem:$0x3F8D] =	sst s1;
	(tag) =	ssettag s2;
	_ =	strace s9  }
0x27: {  	s1 =	sld [smem:$0x3F9D]  }
0x28: {  	s2 =	sld [smem:$0x3F9E]  }
0x29: {  	s4 =	sld [smem:$0x3FA0]  }
0x2a: {  	p0 =	seq.s32 s5, $0x0;
	s5 =	sld [smem:$0x3FA1]  }
0x2b: {  	s6 =	sld [smem:$0x3FA2]  }
0x2c: {  	s7 =	sld [smem:$0x3FA3]  }
0x2d: {  	s3 =	simm.s32 $0x108;
	s8 =	sld [smem:$0x3FA4]  }
0x2e: {  	s3 =	simm.s32 @!p0 $0x1082;
	s9 =	sld [smem:$0x3FA5]  }
0x2f: {  	lr =	sadd.s32 s0, s3;
	s0 =	sld [smem:$0x3F9C]  }
0x30: {  	s3 =	sld [smem:$0x3F9F]  }
0x31: {  	[smem:$0x3FA8] =	sst s10  }
0x32: {  	s10 =	sld [smem:$0x3FA6];
	_ =	sdelay $0x3  }
0x33: {  	p0 =	seq.s32 s10, $0x1;
	s10 =	sld [smem:$0x3FA8];
	_ =	sdelay $0x3  }
0x34: {  	[smem:$0x3FA8] =	sst s10  }
0x35: {  	s10 =	sld [smem:$0x3FA7];
	_ =	sdelay $0x3  }
0x36: {  	p1 =	seq.s32 s10, $0x1;
	s10 =	sld [smem:$0x3FA8];
	_ =	sdelay $0x3  }
0x37: {  	[smem:$0x3FA8] =	sst s10  }
0x38: {  	s10 =	sld [smem:$0x3FA9]  }
0x39: {  	_ = 	snop;
	(pc) =	sbr.ind lr, $3  }
0x3a: {  	_ = 	snop  }
0x3b: {  	_ = 	snop  }
0x3c: {  	p2 =	seq.s32 s10, $0x1;
	s10 =	sld [smem:$0x3FA8]  }
0x3d: {  	_ =	shalt  }
0x3e: {  	_ =	shalt  }
0x3f: {  	_ =	shalt  }
0x40: {  	_ =	shalt  }
0x41: {  	_ =	shalt  }
0x42: {  	_ =	shalt  }
0x43: {  	_ =	shalt  }
0x44: {  	_ =	shalt  }
0x45: {  	_ =	shalt  }
0x46: {  	_ =	shalt  }
0x47: {  	_ =	shalt  }
0x48: {  	_ =	shalt  }
0x49: {  	_ =	shalt  }
0x4a: {  	_ =	shalt  }
0x4b: {  	_ =	shalt  }
0x4c: {  	_ =	shalt  }
0x4d: {  	_ =	shalt  }
0x4e: {  	_ =	shalt  }
0x4f: {  	_ =	shalt  }
0x50: {  	_ =	shalt  }
0x51: {  	_ =	shalt  }
0x52: {  	_ =	shalt  }
0x53: {  	_ =	shalt  }
0x54: {  	_ =	shalt  }
0x55: {  	_ =	shalt  }
0x56: {  	_ =	shalt  }
0x57: {  	_ =	shalt  }
0x58: {  	_ =	shalt  }
0x59: {  	_ =	shalt  }
0x5a: {  	_ =	shalt  }
0x5b: {  	_ =	shalt  }
0x5c: {  	_ =	shalt  }
0x5d: {  	_ =	shalt  }
0x5e: {  	_ =	shalt  }
0x5f: {  	_ =	shalt  }
0x60: {  	_ =	shalt  }
0x61: {  	_ =	shalt  }
0x62: {  	_ =	shalt  }
0x63: {  	_ =	shalt  }
0x64: {  	_ =	shalt  }
0x65: {  	_ =	shalt  }
0x66: {  	_ =	shalt  }
0x67: {  	_ =	shalt  }
0x68: {  	_ =	shalt  }
0x69: {  	_ =	shalt  }
0x6a: {  	_ =	shalt  }
0x6b: {  	_ =	shalt  }
0x6c: {  	_ =	shalt  }
0x6d: {  	_ =	shalt  }
0x6e: {  	_ =	shalt  }
0x6f: {  	_ =	shalt  }
0x70: {  	_ =	shalt  }
0x71: {  	_ =	shalt  }
0x72: {  	_ =	shalt  }
0x73: {  	_ =	shalt  }
0x74: {  	_ =	shalt  }
0x75: {  	_ =	shalt  }
0x76: {  	_ =	shalt  }
0x77: {  	_ =	shalt  }
0x78: {  	_ =	shalt  }
0x79: {  	_ =	shalt  }
0x7a: {  	_ =	shalt  }
0x7b: {  	_ =	shalt  }
0x7c: {  	_ =	shalt  }
0x7d: {  	_ =	shalt  }
0x7e: {  	_ =	shalt  }
0x7f: {  	_ =	shalt  }
0x80: {  	_ =	shalt  }
0x81: {  	_ =	shalt  }
0x82: {  	_ =	shalt  }
0x83: {  	_ =	shalt  }
0x84: {  	_ =	shalt  }
0x85: {  	_ =	shalt  }
0x86: {  	_ =	shalt  }
0x87: {  	_ =	shalt  }
.Lfunc_end0:
.L_simem_size_0:
called_computation.3_lowered:
.L_overlay_start_0:
0x88: {  	s2 =	sld [smem:$0x3FD9]  }
0x89: {  	s3 =	sld [smem:$0x3FFE];
	_ =	sdelay $0x1  }
0x8a: {  	s1 =	srdreg.scid  }
0x8b: {  	s0 =	sand.u32 $0x1, s1  }
0x8c: {  	s17 =	sshll.u32 s0, $0xA;
	s2 =	sadd.s32 s3, s2  }
0x8d: {  	s2 =	sadd.s32 s2, s17  }
0x8e: {  	[smem:$0x3FB4] =	sst s2  }
0x8f: {  	_ = 	snop  }
0x90: {  	s18 =	sld [smem:$0x3FB6];
	(tm) =	ssettm $0x1  }
0x91: {  	s19 =	sld [smem:$0x3FFB];
	_ =	sdelay $0x3  }
0x92: {  	_ =	strace s19  }
0x93: {  	s2 =	sld [smem:$0x3FFC];
	_ =	sdelay $0x3  }
0x94: {  	_ =	strace s2  }
0x95: {  	s2 =	sld [smem:$0x3FFD];
	_ =	sdelay $0x3  }
0x96: {  	_ =	strace s2  }
0x97: {  	_ =	strace $0x8FFFFFFF  }
0x98: {  	s20 =	sld [smem:$0x3FDB];
	_ =	sdelay $0x1  }
0x99: {  	s4 =	simm.s32 $_scs_section_size  }
0x9a: {  	s5 =	simm.s32 $_size__tile_overlayer_lowered;
	s6 =	simm.s32 $_tile_overlayer_lowered  }
0x9b: {  	s7 =	simm.s32 $0x1BFF;
	s21 =	sshll.u32 s6, $0x1;
	s4 =	sadd.s32 s4, s20  }
0x9c: {  	s22 =	simm.s32 $0x0;
	s5 =	sshll.u32 s5, $0x1;
	s6 =	sadd.s32 s21, s4  }
0x9d: {  	[timem:s22], [sflag:s7] =	dma.local [hbm:s6], s5  }
0x9e: {  	_ =	swait.ge [sflag:s7], s5  }
0x9f: {  	s5 =	ssub.s32 $0x0, s5;
	[sflag:s7] =	ssyncset.done $0x0  }
0xa0: {  	[sflag:s7] =	ssyncadd.s32 s5;
	_ =	sdelay $0x1  }
0xa1: {  	s23 =	simm.s32 $0x1B8B  }
0xa2: {  	_ =	swait.ge [sflag:s23], $0x1  }
0xa3: {  	[sflag:s23] =	ssyncset.done $0x0  }
0xa4: {  	[sflag:s23] =	ssyncadd.s32 $0xFFFFFFFF  }
0xa5: {  	s5 =	sld [smem:$0x0]  }
0xa6: {  	s6 =	sand.u32 $0xFFFFFFFE, s1  }
0xa7: {  	p0 =	sne.s32 s1, s6  }
0xa8: {  	s6 =	sshll.u32 @p0 s6, $0xE  }
0xa9: {  	s6 =	sadd.s32 @p0 $0x11B8D, s6;
	s7 =	sshll.u32 @p0 s5, $0x11  }
0xaa: {  	s6 =	sor.u32 @p0 s7, s6  }
0xab: {  	[sflag:s6] =	ssyncadd.remote.s32 @p0 $0x1;
	_ =	sdelay $0x1  }
0xac: {  	s6 =	simm.s32 @p0 $0x1B8D  }
0xad: {  	_ =	swait.eq @p0 [sflag:s6], $0x1  }
0xae: {  	[sflag:s6] =	ssyncadd.s32 @p0 $0xFFFFFFFF  }
0xaf: {  	s7 =	sshll.u32 @!p0 s1, $0xE  }
0xb0: {  	s7 =	sor.u32 @!p0 $0x4000, s7;
	s6 =	simm.s32 @!p0 $0x1B8D  }
0xb1: {  	s5 =	sshll.u32 @!p0 s5, $0x11;
	s7 =	sadd.s32 @!p0 $0x11B8D, s7;
	_ =	swait.eq @!p0 [sflag:s6], $0x1  }
0xb2: {  	s5 =	sor.u32 @!p0 s5, s7;
	[sflag:s6] =	ssyncadd.s32 @!p0 $0xFFFFFFFF  }
0xb3: {  	s25 =	simm.s32 $0x1B8E;
	s24 =	sld [smem:$0x3FFE];
	[sflag:s5] =	ssyncadd.remote.s32 @!p0 $0x1  }
0xb4: {  	s26 =	simm.s32 $execute0_lowered;
	[smem:$0x3FD2] =	sst s25  }
0xb5: {  	s6 =	sshll.u32 s26, $0x1;
	_ =	strace $0x8000004F;
	[dreg:$0x1] =	wrdreg $0xFFFFFFFF  }
0xb6: {  	s28 =	simm.s32 $_size_execute0_lowered;
	s4 =	sadd.s32 s4, s6;
	[dreg:$0x0] =	wrdreg $0x0  }
0xb7: {  	s6 =	sshll.u32 s28, $0x1;
	[dreg:$0x2] =	wrdreg s4  }
0xb8: {  	[dreg:$0x3] =	wrdreg s6  }
0xb9: {  	[dreg:$0x4] =	wrdreg $0xC0  }
0xba: {  	_ =	task [dreg:s22], $0x5FFFF  }
0xbb: {  	[dreg:$0x1] =	wrdreg $0xFFFFFFFF  }
0xbc: {  	[dreg:$0x0] =	wrdreg $0x60  }
0xbd: {  	[dreg:$0x2] =	wrdreg s24  }
0xbe: {  	[dreg:$0x3] =	wrdreg s18  }
0xbf: {  	[dreg:$0x4] =	wrdreg $0xC  }
0xc0: {  	_ =	task.clear_ibuf [dreg:s22], $0x5FFFF;
	_ =	strace $0x9000004F  }
0xc1: {  	s29 =	simm.s32 $0xC;
	_ =	strace $0x80000051  }
0xc2: {  	_ =	swait.ge [sflag:s29], $0x1  }
0xc3: {  	[sflag:s29] =	ssyncadd.s32 $0xFFFFFFFF  }
0xc4: {  	_ =	strace $0x90000051  }
0xc5: {  	_ =	sfence  }
0xc6: {  	s30 =	sld [smem:$0x0];
	_ =	sdelay $0x2  }
0xc7: {  	s31 =	sshll.u32 s1, $0xD;
	s1 =	sshrl.u32 s1, $0x2  }
0xc8: {  	s4 =	sand.u32 $0x4000, s31;
	s1 =	sadd.s32 s1, s30  }
0xc9: {  	s0 =	sor.u32 s4, s0;
	s1 =	sshll.u32 s1, $0x11  }
0xca: {  	s0 =	sor.u32 s1, s0  }
0xcb: {  	s0 =	sadd.s32 $0x8F2B, s0  }
0xcc: {  	[sflag:s0] =	ssyncadd.remote.s32 $0x1  }
0xcd: {  	_ =	sfence.sel $0xFFFF  }
0xce: {  	[dreg:$0x0] =	wrdreg $0xFFFFFFFF;
	(pc) =	sbr.abs _section_cstart, $3  }
0xcf: {  	[dreg:$0x1] =	wrdreg $0xFFFFFFFF  }
0xd0: {  	_ =	task.clear_ibuf [dreg:s22], $0x2FFFF;
	_ =	strace $0x9FFFFFFF  }
0xd1: {  	(tm) =	ssettm $0x7FFFFFFF  }
tec
execute0_lowered:
.L_overlay_start_1:
0x0: {  	(tag) =	ssettag $0x1  }
0x1: {  	s9 =	rddreg [dreg:$0x0]  }
0x2: {  	s10 =	rddreg [dreg:$0x1]  }
0x3: {  	s0 =	rddreg [dreg:$0x2];
	s1 =	simm.s32 $0x0;
	s7 =	srdreg.scid  }
0x4: {  	s2 =	stileid.u32;
	s15 =	simm.s32 $0x2000;
	s16 =	simm.s32 $0x4000  }
0x5: {  	s17 =	simm.s32 $0x6000;
	s18 =	simm.s32 $0xA000;
	s19 =	simm.s32 $0xE000  }
0x6: {  	s20 =	simm.s32 $0x80;
	s21 =	simm.s32 $0x100;
	s22 =	simm.s32 $0x12000  }
0x7: {  	s23 =	simm.s32 $0x12800;
	s24 =	simm.s32 $0x13000;
	s25 =	simm.s32 $0x15000  }
0x8: {  	s26 =	simm.s32 $0x0;
	[smem:$0x7FF] =	sst s1;
	s3 =	sadd.s32 $0x26200, s9  }
0x9: {  	s4 =	sadd.s32 $0x25E00, s9;
	s5 =	sadd.s32 $0x25A00, s9;
	s6 =	sadd.s32 $0x47600, s9  }
0xa: {  	s11 =	sand.u32 $0x1, s7;
	s12 =	sshll.u32 s2, $0x1;
	s7 =	sadd.s32 $0x46E00, s9  }
0xb: {  	s8 =	sadd.s32 $0x46600, s9;
	_ =	strace $0x80000050;
	s12 =	sor.u32 s11, s12  }
0xc: {  	s11 =	ssub.s32 $0x2, s11;
	s13 =	sshll.u32 s12, $0xB;
	s12 =	sshll.u32 s12, $0x9  }
0xd: {  	s14 =	sshrl.u32 s11, $0x1;
	s13 =	sadd.s32 s13, s9;
	s9 =	sadd.s32 s10, s12  }
0xe: {  	s14 =	ssub.s32 s11, s14;
	s10 =	sadd.s32 $0x10, s9;
	s11 =	sadd.s32 $0x57E00, s13  }
0xf: {  	v0 =	vimm.f32 $0.0e+00;
	v1 =	vimm.f32 $1.000000000e+00;
	s12 =	sadd.s32 $0x57E10, s13;
	s13 =	smax.u32 s14, $0x1;
	s14 =	simm.s32 $0x1  }
.LBB2_1:
0x10: {  	[tilespmem:s1], [sflag:$0x1] =	stream.linear.gather [hbm4b:s3+s1], $0x2000, $0x38;
	[tilespmem:$0x17000] =	vst v63  }
0x11: {  	_ =	swait.ge [sflag:s14], $0x2000  }
0x12: {  	[sflag:s14] =	ssyncset.done $0x0  }
0x13: {  	[sflag:s14] =	ssyncadd.s32 $0xFFFFE000  }
0x14: {  	[tilespmem:s15], [sflag:$0x1] =	stream.linear.gather [hbm4b:s4+s1], $0x2000, $0x38;
	[tilespmem:$0x17000] =	vst v63  }
0x15: {  	_ =	swait.ge [sflag:s14], $0x2000  }
0x16: {  	[sflag:s14] =	ssyncset.done $0x0  }
0x17: {  	[sflag:s14] =	ssyncadd.s32 $0xFFFFE000  }
0x18: {  	[tilespmem:s16], [sflag:$0x1] =	stream.linear.gather [hbm4b:s5+s1], $0x2000, $0x38;
	[tilespmem:$0x17000] =	vst v63  }
0x19: {  	_ =	swait.ge [sflag:s14], $0x2000  }
0x1a: {  	[sflag:s14] =	ssyncset.done $0x0  }
0x1b: {  	[sflag:s14] =	ssyncadd.s32 $0xFFFFE000  }
0x1c: {  	[tilespmem:s17], [sflag:$0x1] =	stream.linear.gather [hbm4b:s6+s1], $0x4000, $0x38;
	[tilespmem:$0x17000] =	vst v63  }
0x1d: {  	_ =	swait.ge [sflag:s14], $0x4000  }
0x1e: {  	[sflag:s14] =	ssyncset.done $0x0  }
0x1f: {  	[sflag:s14] =	ssyncadd.s32 $0xFFFFC000  }
0x20: {  	[tilespmem:s18], [sflag:$0x1] =	stream.linear.gather [hbm4b:s7+s1], $0x4000, $0x38;
	[tilespmem:$0x17000] =	vst v63  }
0x21: {  	_ =	swait.ge [sflag:s14], $0x4000  }
0x22: {  	[sflag:s14] =	ssyncset.done $0x0  }
0x23: {  	[sflag:s14] =	ssyncadd.s32 $0xFFFFC000  }
0x24: {  	[tilespmem:s19], [sflag:$0x1] =	stream.linear.gather [hbm4b:s8+s1], $0x4000, $0x38;
	[tilespmem:$0x17000] =	vst v63  }
0x25: {  	_ =	swait.ge [sflag:s14], $0x4000  }
0x26: {  	[sflag:s14] =	ssyncset.done $0x0  }
0x27: {  	[sflag:s14] =	ssyncadd.s32 $0xFFFFC000  }
0x28: {  	[tilespmem:s22], [sflag:$0x1] =	stream.strided.gather [hbm4b:s9+s20], $0x800, s21, s20, $0x38;
	[tilespmem:$0x17000] =	vst v63  }
0x29: {  	_ =	swait.ge [sflag:s14], $0x800  }
0x2a: {  	[sflag:s14] =	ssyncset.done $0x0  }
0x2b: {  	[sflag:s14] =	ssyncadd.s32 $0xFFFFF800  }
0x2c: {  	[tilespmem:s23], [sflag:$0x1] =	stream.strided.gather [hbm4b:s10+s20], $0x800, s21, s20, $0x38;
	[tilespmem:$0x17000] =	vst v63  }
0x2d: {  	_ =	swait.ge [sflag:s14], $0x800  }
0x2e: {  	[sflag:s14] =	ssyncset.done $0x0  }
0x2f: {  	s28 =	simm.s32 $0x0;
	[sflag:s14] =	ssyncadd.s32 $0xFFFFF800  }
.LBB2_2:
0x30: {  	p0 =	sne.s32 s28, $0x7FC0  }
.Ltmp0:
0x31: {  	_ = 	snop;
	(pc) =	sbr.rel @p0 .LBB2_2-.Ltmp0, $4  }
0x32: {  	_ = 	snop  }
0x33: {  	s29 =	sshra.s32 s28, $0x2  }
0x34: {  	[tilespmem:s29+$0x13000] =	vst v0  }
0x35: {  	s28 =	sadd.s32 $0x40, s28;
	[tilespmem:s29+$0x15000] =	vst v0  }
0x36: {  	s28 =	simm.s32 $0x0  }
0x37: {  	v2 =	vld [tilespmem:s28+$0x12000];
	_ =	sdelay $0x1  }
0x38: {  	v3 =	vld [tilespmem:s28+$0x12800]  }
0x39: {  	s28 =	simm.s32 $0x40  }
.LBB2_4:
0x3a: {  	p0 =	sne.s32 s28, $0x1FC0;
	_ =	sdelay $0x3  }
0x3b: {  	v4 =	vld.idx.msk [tilespmem:v2+s1+$0x0], $0xffff  }
0x3c: {  	v5 =	vld.idx.msk [tilespmem:v2+s15+$0x0], $0xffff  }
0x3d: {  	v6 =	vld.idx.msk [tilespmem:v3+s17+$0x0], $0xffff  }
0x3e: {  	v7 =	vld.idx.msk [tilespmem:v3+s18+$0x0], $0xffff  }
0x3f: {  	v8 =	vld.idx.msk [tilespmem:v2+s16+$0x0], $0xffff  }
0x40: {  	v3 =	vld.idx.msk [tilespmem:v3+s19+$0x0], $0xffff;
	_ =	sdelay $0x3  }
0x41: {  	v4 =	vsub.f32 v4, v6;
	v5 =	vsub.f32 v5, v7;
	_ =	sdelay $0x1  }
0x42: {  	v4 =	vmul.f32 v4, v4;
	v3 =	vsub.f32 v8, v3;
	v5 =	vmul.f32 v5, v5;
	_ =	sdelay $0x1  }
0x43: {  	v4 =	vadd.f32 v5, v4;
	v3 =	vmul.f32 v3, v3;
	_ =	sdelay $0x1  }
0x44: {  	v3 =	vadd.f32 v3, v4;
	_ =	sdelay $0x1  }
0x45: {  	[tilespmem:v2+s24+$0x0] =	vst.idx.add.f32.msk $0xffff, v3  }
.Ltmp1:
0x46: {  	s29 =	sshra.s32 s28, $0x2;
	[tilespmem:v2+s25+$0x0] =	vst.idx.add.f32.msk $0xffff, v1;
	(pc) =	sbr.rel @p0 .LBB2_4-.Ltmp1, $3  }
0x47: {  	v2 =	vld [tilespmem:s29+$0x12000];
	_ =	sdelay $0x1  }
0x48: {  	v3 =	vld [tilespmem:s29+$0x12800]  }
0x49: {  	s28 =	sadd.s32 $0x40, s28  }
0x4a: {  	_ =	sdelay $0x4  }
0x4b: {  	v4 =	vld.idx.msk [tilespmem:v2+s1+$0x0], $0xffff  }
0x4c: {  	v5 =	vld.idx.msk [tilespmem:v2+s15+$0x0], $0xffff  }
0x4d: {  	v6 =	vld.idx.msk [tilespmem:v3+s17+$0x0], $0xffff  }
0x4e: {  	v7 =	vld.idx.msk [tilespmem:v3+s18+$0x0], $0xffff  }
0x4f: {  	v8 =	vld.idx.msk [tilespmem:v2+s16+$0x0], $0xffff  }
0x50: {  	v3 =	vld.idx.msk [tilespmem:v3+s19+$0x0], $0xffff;
	_ =	sdelay $0x2  }
0x51: {  	v4 =	vsub.f32 v4, v6;
	v5 =	vsub.f32 v5, v7;
	_ =	sdelay $0x1  }
0x52: {  	v3 =	vsub.f32 v8, v3;
	v4 =	vmul.f32 v4, v4;
	v5 =	vmul.f32 v5, v5;
	_ =	sdelay $0x1  }
0x53: {  	v3 =	vmul.f32 v3, v3;
	v4 =	vadd.f32 v5, v4;
	_ =	sdelay $0x1  }
0x54: {  	v3 =	vadd.f32 v3, v4;
	_ =	sdelay $0x1  }
0x55: {  	[tilespmem:v2+s24+$0x0] =	vst.idx.add.f32.msk $0xffff, v3  }
0x56: {  	[tilespmem:v2+s25+$0x0] =	vst.idx.add.f32.msk $0xffff, v1  }
0x57: {  	[hbm4b:s11+s20] =	stream.strided.scatter [tilespmem:s24], [sflag:$0x1], $0x2000, s21, s20, $0x38;
	[tilespmem:$0x17000] =	vst v63  }
0x58: {  	s26 =	sadd.s32 $0x1, s26;
	_ =	swait.ge [sflag:s14], $0x2000  }
0x59: {  	p0 =	sne.s32 s26, s13;
	[sflag:s14] =	ssyncset.done $0x0  }
.Ltmp2:
0x5a: {  	[sflag:s14] =	ssyncadd.s32 $0xFFFFE000;
	(pc) =	sbr.rel @p0 .LBB2_1-.Ltmp2, $4  }
0x5b: {  	[hbm4b:s12+s20] =	stream.strided.scatter [tilespmem:s25], [sflag:$0x1], $0x2000, s21, s20, $0x38;
	[tilespmem:$0x17000] =	vst v63  }
0x5c: {  	_ =	swait.ge [sflag:s14], $0x2000  }
0x5d: {  	[sflag:s14] =	ssyncset.done $0x0  }
0x5e: {  	[sflag:s14] =	ssyncadd.s32 $0xFFFFE000  }
0x5f: {  	_ =	sfence.sel $0x180000  }
0x60: {  	[bflag:$0x0] =	sbarrier.arrive $0xFFFF  }
0x61: {  	p0 =	sne.s32 s2, $0x0;
	_ =	strace $0x90000050  }
0x62: {  	s0 =	sadd.s32 @!p0 $0x100000, s0;
	[bflag:$0x2] =	sbarrier.arrive $0xFFFF  }
0x63: {  	[sflag:s0] =	ssyncadd.tile.s32 @!p0 $0x1;
	_ =	shalt  }
.Lfunc_end2:
_tile_overlayer_lowered:
.L_overlay_start_2:
0x64: {  	(tag) =	ssettag $0x2  }
0x65: {  	s0 =	rddreg [dreg:$0x0];
	s2 =	stileid.u32  }
0x66: {  	s1 =	rddreg [dreg:$0x1];
	p0 =	sne.s32 s2, $0x0  }
0x67: {  	s3 =	rddreg [dreg:$0x2];
	[bflag:$0x3] =	sbarrier.arrive $0xFFFF;
	s2 =	simm.s32 @!p0 $0x1C01  }
0x68: {  	[timem:s3], [sflag:s2] =	dma.local @!p0 [hbm:s0], s1  }
0x69: {  	s0 =	simm.s32 @!p0 $0x1  }
0x6a: {  	_ =	swait.ge @!p0 [sflag:s0], s1  }
0x6b: {  	s1 =	ssub.s32 @!p0 $0x0, s1;
	[sflag:s0] =	ssyncset.done @!p0 $0x0  }
0x6c: {  	[sflag:s0] =	ssyncadd.s32 @!p0 s1  }
0x6d: {  	[bflag:$0x3] =	sbarrier.arrive $0xFFFF  }
0x6e: {  	_ =	shalt  }

</sc_bundles>
